<compile_context>
chip_gen: v7x
topology: tpu7x:2x2x1
jax: 0.10.2.dev20260603
libtpu: 0.0.44.dev20260713+nightly
codegen_flags: <defaults>
</compile_context>

<pallas_src>
import functools

import jax
import jax.numpy as jnp
from jax import lax
from jax.experimental import pallas as pl
from jax.experimental.pallas import tpu as pltpu
from jax.experimental.pallas import tpu_sc as plsc

N = 10000
E = 320000
NC = 2
NS = 16
NW = NC * NS
EPW = E // NW
C = 128
EP = 327680
EPW2 = EP // NW
NCH = EPW2 // C
NPAD = 10112
RPT = NPAD // NS
DW = 8


@functools.lru_cache(maxsize=None)
def _sc_mesh():
    return plsc.VectorSubcoreMesh(core_axis_name="c", subcore_axis_name="s",
                                  num_cores=NC, num_subcores=NS)


def _leaky(v):
    return jnp.where(v >= 0, v, 0.01 * v)



def _deg_body(ei_hbm, ones_hbm, zeros_hbm, degcnt_hbm, dst_v, ones_v, acc_sh):
    c = lax.axis_index("c")
    s = lax.axis_index("s")
    wid = c * NS + s
    pltpu.sync_copy(ei_hbm.at[1, wid], dst_v)
    pltpu.sync_copy(ones_hbm, ones_v)
    pltpu.sync_copy(zeros_hbm.at[pl.ds(s * RPT, RPT)],
                    acc_sh.at[pl.ds(s * RPT, RPT)])
    plsc.subcore_barrier()

    def body(j, carry):
        pltpu.sync_copy(ones_v, acc_sh.at[dst_v.at[j]], add=True)
        return carry

    lax.fori_loop(0, NCH, body, 0)
    plsc.subcore_barrier()
    pltpu.sync_copy(acc_sh.at[pl.ds(s * RPT, RPT)],
                    degcnt_hbm.at[c, pl.ds(s * RPT, RPT)])


@functools.lru_cache(maxsize=None)
def _deg_call():
    return pl.kernel(
        _deg_body,
        out_type=jax.ShapeDtypeStruct((NC, NPAD, DW), jnp.float32),
        mesh=_sc_mesh(),
        compiler_params=pltpu.CompilerParams(use_tc_tiling_on_sc=False),
        scratch_types=[
            pltpu.VMEM((NCH, C), jnp.int32),
            pltpu.VMEM((C, DW), jnp.float32),
            pltpu.VMEM_SHARED((NPAD, DW), jnp.float32),
        ],
    )


def _scatter_body(y_hbm, ei_hbm, zeros_hbm, acc_hbm,
                  src_v, dst_v, rows0, rows1, acc_sh, sem0, sem1):
    c = lax.axis_index("c")
    s = lax.axis_index("s")
    wid = c * NS + s
    pltpu.sync_copy(ei_hbm.at[0, wid], src_v)
    pltpu.sync_copy(ei_hbm.at[1, wid], dst_v)
    pltpu.sync_copy(zeros_hbm.at[pl.ds(s * RPT, RPT)],
                    acc_sh.at[pl.ds(s * RPT, RPT)])
    plsc.subcore_barrier()

    pltpu.async_copy(y_hbm.at[src_v.at[0]], rows0, sem0)

    def body(k, carry):
        j0 = 2 * k
        j1 = j0 + 1
        j2 = j0 + 2
        pltpu.async_copy(y_hbm.at[src_v.at[j1]], rows1, sem1)
        pltpu.make_async_copy(y_hbm.at[src_v.at[j0]], rows0, sem0).wait()
        pltpu.sync_copy(rows0, acc_sh.at[dst_v.at[j0]], add=True)
        pltpu.async_copy(y_hbm.at[src_v.at[j2]], rows0, sem0)
        pltpu.make_async_copy(y_hbm.at[src_v.at[j1]], rows1, sem1).wait()
        pltpu.sync_copy(rows1, acc_sh.at[dst_v.at[j1]], add=True)
        return carry

    lax.fori_loop(0, (NCH - 2) // 2, body, 0)
    pltpu.async_copy(y_hbm.at[src_v.at[NCH - 1]], rows1, sem1)
    pltpu.make_async_copy(y_hbm.at[src_v.at[NCH - 2]], rows0, sem0).wait()
    pltpu.sync_copy(rows0, acc_sh.at[dst_v.at[NCH - 2]], add=True)
    pltpu.make_async_copy(y_hbm.at[src_v.at[NCH - 1]], rows1, sem1).wait()
    pltpu.sync_copy(rows1, acc_sh.at[dst_v.at[NCH - 1]], add=True)
    plsc.subcore_barrier()
    pltpu.sync_copy(acc_sh.at[pl.ds(s * RPT, RPT)],
                    acc_hbm.at[c, pl.ds(s * RPT, RPT)])


@functools.lru_cache(maxsize=None)
def _scatter_call():
    return pl.kernel(
        _scatter_body,
        out_type=jax.ShapeDtypeStruct((NC, NPAD, 64), jnp.float32),
        mesh=_sc_mesh(),
        compiler_params=pltpu.CompilerParams(use_tc_tiling_on_sc=False),
        scratch_types=[
            pltpu.VMEM((NCH, C), jnp.int32),
            pltpu.VMEM((NCH, C), jnp.int32),
            pltpu.VMEM((C, 64), jnp.float32),
            pltpu.VMEM((C, 64), jnp.float32),
            pltpu.VMEM_SHARED((NPAD, 64), jnp.float32),
            pltpu.SemaphoreType.DMA,
            pltpu.SemaphoreType.DMA,
        ],
    )


def _edge_body(pq_hbm, e0_hbm, e1_hbm, r_hbm, out_hbm,
               pq_v, e0_v, e1_v, r_v, o_v):
    c = lax.axis_index("c")
    s = lax.axis_index("s")
    wid = c * NS + s
    base = wid * EPW
    pltpu.sync_copy(pq_hbm, pq_v)
    pltpu.sync_copy(e0_hbm.at[pl.ds(base, EPW)], e0_v)
    pltpu.sync_copy(e1_hbm.at[pl.ds(base, EPW)], e1_v)
    pltpu.sync_copy(r_hbm.at[pl.ds(base, EPW)], r_v)

    def body(i, carry):
        sl = pl.ds(i * 16, 16)
        si = e0_v[sl]
        di = e1_v[sl]
        gp = plsc.load_gather(pq_v, [si * 2])
        gq = plsc.load_gather(pq_v, [di * 2 + 1])
        o_v[sl] = gp + gq + r_v[sl]
        return carry

    lax.fori_loop(0, EPW // 16, body, 0)
    pltpu.sync_copy(o_v, out_hbm.at[pl.ds(base, EPW)])


@functools.lru_cache(maxsize=None)
def _edge_call():
    return pl.kernel(
        _edge_body,
        out_type=jax.ShapeDtypeStruct((E,), jnp.float32),
        mesh=_sc_mesh(),
        compiler_params=pltpu.CompilerParams(needs_layout_passes=False),
        scratch_types=[
            pltpu.VMEM((2 * N,), jnp.float32),
            pltpu.VMEM((EPW,), jnp.int32),
            pltpu.VMEM((EPW,), jnp.int32),
            pltpu.VMEM((EPW,), jnp.float32),
            pltpu.VMEM((EPW,), jnp.float32),
        ],
    )



_RB = 1000
_GRID = N // _RB


def _full(shape):
    nd = len(shape)
    return pl.BlockSpec(shape, lambda i, _n=nd: (0,) * _n)


def _pre_body(x_ref, w1_ref, b1_ref, w2_ref, b2_ref, wclo_ref, wchi_ref,
              olo_ref, ohi_ref):
    h = jnp.dot(x_ref[...], w1_ref[...], preferred_element_type=jnp.float32)
    h = _leaky(h + b1_ref[...])
    h = jnp.dot(h, w2_ref[...], preferred_element_type=jnp.float32)
    h = _leaky(h + b2_ref[...])
    olo_ref[...] = jnp.dot(h, wclo_ref[...], preferred_element_type=jnp.float32)
    ohi_ref[...] = jnp.dot(h, wchi_ref[...], preferred_element_type=jnp.float32)


def _pre_call(x, w1, b1, w2, b2, wclo, wchi):
    return pl.pallas_call(
        _pre_body,
        grid=(_GRID,),
        in_specs=[
            pl.BlockSpec((_RB, 128), lambda i: (i, 0)),
            _full((128, 256)), _full((1, 256)),
            _full((256, 128)), _full((1, 128)),
            _full((128, 64)), _full((128, 64)),
        ],
        out_specs=[
            pl.BlockSpec((_RB, 64), lambda i: (i, 0)),
            pl.BlockSpec((_RB, 64), lambda i: (i, 0)),
        ],
        out_shape=[
            jax.ShapeDtypeStruct((N, 64), jnp.float32),
            jax.ShapeDtypeStruct((N, 64), jnp.float32),
        ],
    )(x, w1, b1, w2, b2, wclo, wchi)


def _dinv_of(deg_blk):
    return lax.rsqrt(1.0 + jnp.sum(deg_blk, axis=(0, 2)) * (1.0 / DW))


def _y1_body(xwlo_ref, xwhi_ref, deg_ref, olo_ref, ohi_ref):
    dinv = _dinv_of(deg_ref[...])
    olo_ref[...] = xwlo_ref[...] * dinv[:, None]
    ohi_ref[...] = xwhi_ref[...] * dinv[:, None]


def _y1_call(xwlo, xwhi, degcnt):
    return pl.pallas_call(
        _y1_body,
        grid=(_GRID,),
        in_specs=[
            pl.BlockSpec((_RB, 64), lambda i: (i, 0)),
            pl.BlockSpec((_RB, 64), lambda i: (i, 0)),
            pl.BlockSpec((NC, _RB, DW), lambda i: (0, i, 0)),
        ],
        out_specs=[
            pl.BlockSpec((_RB, 64), lambda i: (i, 0)),
            pl.BlockSpec((_RB, 64), lambda i: (i, 0)),
        ],
        out_shape=[
            jax.ShapeDtypeStruct((N, 64), jnp.float32),
            jax.ShapeDtypeStruct((N, 64), jnp.float32),
        ],
    )(xwlo, xwhi, degcnt)


def _gru1_body(acclo_ref, acchi_ref, ylo_ref, yhi_ref, deg_ref, prev_ref,
               wihlo_ref, wihhi_ref, whh_ref, bih_ref, bhh_ref,
               bclo_ref, bchi_ref, wc2_ref, emb_ref, y2_ref):
    dinv = _dinv_of(deg_ref[...])
    tlo = _leaky((acclo_ref[0] + acclo_ref[1] + ylo_ref[...])
                 * dinv[:, None] + bclo_ref[...])
    thi = _leaky((acchi_ref[0] + acchi_ref[1] + yhi_ref[...])
                 * dinv[:, None] + bchi_ref[...])
    dn = (((1,), (1,)), ((), ()))
    gi = (lax.dot_general(tlo, wihlo_ref[...], dn,
                          preferred_element_type=jnp.float32)
          + lax.dot_general(thi, wihhi_ref[...], dn,
                            preferred_element_type=jnp.float32)
          + bih_ref[...])
    gh = lax.dot_general(prev_ref[...], whh_ref[...], dn,
                         preferred_element_type=jnp.float32) + bhh_ref[...]
    r = jax.nn.sigmoid(gi[:, 0:128] + gh[:, 0:128])
    z = jax.nn.sigmoid(gi[:, 128:256] + gh[:, 128:256])
    n = jnp.tanh(gi[:, 256:384] + r * gh[:, 256:384])
    e1 = (1.0 - z) * n + z * prev_ref[...]
    emb_ref[...] = e1
    y2_ref[...] = jnp.dot(e1, wc2_ref[...],
                          preferred_element_type=jnp.float32) * dinv[:, None]


def _gru1_call(acclo, acchi, ylo, yhi, degcnt, prev1, wihlo, wihhi, whh1,
               bih1, bhh1, bclo, bchi, wc2):
    return pl.pallas_call(
        _gru1_body,
        grid=(_GRID,),
        in_specs=[
            pl.BlockSpec((NC, _RB, 64), lambda i: (0, i, 0)),
            pl.BlockSpec((NC, _RB, 64), lambda i: (0, i, 0)),
            pl.BlockSpec((_RB, 64), lambda i: (i, 0)),
            pl.BlockSpec((_RB, 64), lambda i: (i, 0)),
            pl.BlockSpec((NC, _RB, DW), lambda i: (0, i, 0)),
            pl.BlockSpec((_RB, 128), lambda i: (i, 0)),
            _full((384, 64)), _full((384, 64)), _full((384, 128)),
            _full((1, 384)), _full((1, 384)),
            _full((1, 64)), _full((1, 64)),
            _full((128, 64)),
        ],
        out_specs=[
            pl.BlockSpec((_RB, 128), lambda i: (i, 0)),
            pl.BlockSpec((_RB, 64), lambda i: (i, 0)),
        ],
        out_shape=[
            jax.ShapeDtypeStruct((N, 128), jnp.float32),
            jax.ShapeDtypeStruct((N, 64), jnp.float32),
        ],
    )(acclo, acchi, ylo, yhi, degcnt, prev1, wihlo, wihhi, whh1,
      bih1, bhh1, bclo, bchi, wc2)


def _gru2_body(acc_ref, y_ref, deg_ref, prev_ref,
               wir_ref, wiz_ref, win_ref, whr_ref, whz_ref, whn_ref,
               bir_ref, biz_ref, bin_ref, bhr_ref, bhz_ref, bhn_ref,
               bc_ref, wpq_ref, emb_ref, pq_ref):
    dinv = _dinv_of(deg_ref[...])
    agg = acc_ref[0] + acc_ref[1] + y_ref[...]
    t = _leaky(agg * dinv[:, None] + bc_ref[...])
    prev = prev_ref[...]
    dn = (((1,), (1,)), ((), ()))
    i_r = lax.dot_general(t, wir_ref[...], dn,
                          preferred_element_type=jnp.float32) + bir_ref[...]
    i_z = lax.dot_general(t, wiz_ref[...], dn,
                          preferred_element_type=jnp.float32) + biz_ref[...]
    i_n = lax.dot_general(t, win_ref[...], dn,
                          preferred_element_type=jnp.float32) + bin_ref[...]
    h_r = lax.dot_general(prev, whr_ref[...], dn,
                          preferred_element_type=jnp.float32) + bhr_ref[...]
    h_z = lax.dot_general(prev, whz_ref[...], dn,
                          preferred_element_type=jnp.float32) + bhz_ref[...]
    h_n = lax.dot_general(prev, whn_ref[...], dn,
                          preferred_element_type=jnp.float32) + bhn_ref[...]
    r = jax.nn.sigmoid(i_r + h_r)
    z = jax.nn.sigmoid(i_z + h_z)
    n = jnp.tanh(i_n + r * h_n)
    e2 = (1.0 - z) * n + z * prev
    emb_ref[...] = e2
    pq_ref[...] = jnp.dot(e2, wpq_ref[...], preferred_element_type=jnp.float32)


def _gru2_call(acc2, y2, degcnt, prev2, wir, wiz, win, whr, whz, whn,
               bir, biz, bin_, bhr, bhz, bhn, bc2, wpq):
    return pl.pallas_call(
        _gru2_body,
        grid=(_GRID,),
        in_specs=[
            pl.BlockSpec((NC, _RB, 64), lambda i: (0, i, 0)),
            pl.BlockSpec((_RB, 64), lambda i: (i, 0)),
            pl.BlockSpec((NC, _RB, DW), lambda i: (0, i, 0)),
            pl.BlockSpec((_RB, 64), lambda i: (i, 0)),
            _full((64, 64)), _full((64, 64)), _full((64, 64)),
            _full((64, 64)), _full((64, 64)), _full((64, 64)),
            _full((1, 64)), _full((1, 64)), _full((1, 64)),
            _full((1, 64)), _full((1, 64)), _full((1, 64)),
            _full((1, 64)), _full((64, 2)),
        ],
        out_specs=[
            pl.BlockSpec((_RB, 64), lambda i: (i, 0)),
            pl.BlockSpec((_RB, 2), lambda i: (i, 0)),
        ],
        out_shape=[
            jax.ShapeDtypeStruct((N, 64), jnp.float32),
            jax.ShapeDtypeStruct((N, 2), jnp.float32),
        ],
    )(acc2, y2, degcnt, prev2, wir, wiz, win, whr, whz, whn,
      bir, biz, bin_, bhr, bhz, bhn, bc2, wpq)


_ERows = E // 128
_ERB = _ERows // 10


def _r_body(attr_ref, wr_ref, bp_ref, o_ref):
    o_ref[...] = jnp.dot(attr_ref[...], wr_ref[...],
                         preferred_element_type=jnp.float32) + bp_ref[...]


def _r_call(attr128, wr_kron, bp):
    return pl.pallas_call(
        _r_body,
        grid=(1,),
        in_specs=[
            pl.BlockSpec((_ERows, 2048), lambda i: (0, 0)),
            _full((2048, 128)), _full((1, 1)),
        ],
        out_specs=pl.BlockSpec((_ERows, 128), lambda i: (0, 0)),
        out_shape=jax.ShapeDtypeStruct((_ERows, 128), jnp.float32),
    )(attr128, wr_kron, bp)



def kernel(x, edge_index, edge_label_index, edge_attr,
           W_pre1, b_pre1, W_pre2, b_pre2,
           W_conv1, b_conv1, W_conv2, b_conv2,
           wih1, whh1, bih1, bhh1,
           wih2, whh2, bih2, bhh2,
           W_post, b_post, prev_emb1, prev_emb2):
    npadrows = jnp.arange(EP - E, dtype=jnp.int32)
    pad = jnp.stack([npadrows % N, N + npadrows % (NPAD - N)])
    ei3 = jnp.concatenate([edge_index.astype(jnp.int32), pad],
                          axis=1).reshape(2, NW, NCH, C)
    e0 = edge_label_index[0].astype(jnp.int32)
    e1 = edge_label_index[1].astype(jnp.int32)

    onesd = jnp.ones((C, DW), jnp.float32)
    zd = jnp.zeros((NPAD, DW), jnp.float32)
    z64 = jnp.zeros((NPAD, 64), jnp.float32)

    ei3 = lax.optimization_barrier(ei3)

    xwlo, xwhi = _pre_call(x, W_pre1, b_pre1.reshape(1, -1),
                           W_pre2, b_pre2.reshape(1, -1),
                           W_conv1[:, 0:64], W_conv1[:, 64:128])
    degcnt = _deg_call()(ei3, onesd, zd)
    wr_kron = jnp.kron(jnp.eye(128, dtype=jnp.float32), W_post[128:144])
    r = _r_call(edge_attr.reshape(_ERows, 2048), wr_kron,
                b_post.reshape(1, 1))
    ylo, yhi = _y1_call(xwlo, xwhi, degcnt)
    scat = _scatter_call()
    acclo = scat(ylo, ei3, z64)
    acchi = scat(yhi, ei3, z64)
    acclo, acchi, r, e0, e1 = lax.optimization_barrier(
        (acclo, acchi, r, e0, e1))
    emb1, y2 = _gru1_call(acclo, acchi, ylo, yhi, degcnt, prev_emb1,
                          wih1[:, 0:64], wih1[:, 64:128], whh1,
                          bih1.reshape(1, -1), bhh1.reshape(1, -1),
                          b_conv1[0:64].reshape(1, -1),
                          b_conv1[64:128].reshape(1, -1), W_conv2)
    acc2 = scat(y2, ei3, z64)
    wpq = jnp.concatenate([W_post[0:64], W_post[64:128]], axis=1)
    emb2, pq = _gru2_call(acc2, y2, degcnt, prev_emb2,
                          wih2[0:64], wih2[64:128], wih2[128:192],
                          whh2[0:64], whh2[64:128], whh2[128:192],
                          bih2[0:64].reshape(1, -1),
                          bih2[64:128].reshape(1, -1),
                          bih2[128:192].reshape(1, -1),
                          bhh2[0:64].reshape(1, -1),
                          bhh2[64:128].reshape(1, -1),
                          bhh2[128:192].reshape(1, -1),
                          b_conv2.reshape(1, -1), wpq)
    out = _edge_call()(pq.reshape(2 * N), e0, e1, r.reshape(E))
    return out, emb1, emb2

# --- scband reference (transcript-rebuilt; emitter-appended) ---
"""Pipeline reference for scband-edge-roland-gnn-44117904065163 (READ-ONLY COPY).

The authoritative reference and input builder live on the scoring server;
editing this copy changes nothing except your own understanding.
"""

import jax, jax.numpy as jnp
import numpy as np

N = 10000
E = 320000
D_IN = 128
H1 = 128
H2 = 64
D_EDGE = 16


def leaky(x):
    return jnp.where(x >= 0, x, 0.01 * x)


def gcn_conv(x, src, dst, W, b):
    # PyG GCNConv: linear transform, add self-loops, symmetric normalization, scatter-add
    xw = x @ W
    loop = jnp.arange(N)
    src2 = jnp.concatenate([src, loop])
    dst2 = jnp.concatenate([dst, loop])
    deg = jax.ops.segment_sum(jnp.ones(src2.shape[0], jnp.float32), dst2, num_segments=N)
    dinv = jnp.where(deg > 0, deg ** -0.5, 0.0)
    norm = dinv[src2] * dinv[dst2]
    msg = xw[src2] * norm[:, None]
    out = jax.ops.segment_sum(msg, dst2, num_segments=N)
    return out + b


def gru_cell(x, h, wih, whh, bih, bhh):
    gi = x @ wih.T + bih
    gh = h @ whh.T + bhh
    i_r, i_z, i_n = jnp.split(gi, 3, axis=1)
    h_r, h_z, h_n = jnp.split(gh, 3, axis=1)
    r = jax.nn.sigmoid(i_r + h_r)
    z = jax.nn.sigmoid(i_z + h_z)
    n = jnp.tanh(i_n + r * h_n)
    return (1.0 - z) * n + z * h


def setup_inputs(seed: int = 0):
    key = jax.random.key(seed)
    ks = jax.random.split(key, 24)
    inp = {}
    inp['x'] = jax.random.normal(ks[0], (N, D_IN), jnp.float32)
    inp['edge_index'] = jax.random.randint(ks[1], (2, E), 0, N)
    inp['edge_label_index'] = jax.random.randint(ks[2], (2, E), 0, N)
    inp['edge_attr'] = jax.random.normal(ks[3], (E, D_EDGE), jnp.float32)
    s = 0.05
    inp['W_pre1'] = jax.random.normal(ks[4], (D_IN, 256), jnp.float32) * s
    inp['b_pre1'] = jnp.zeros((256,), jnp.float32)
    inp['W_pre2'] = jax.random.normal(ks[5], (256, 128), jnp.float32) * s
    inp['b_pre2'] = jnp.zeros((128,), jnp.float32)
    inp['W_conv1'] = jax.random.normal(ks[6], (128, H1), jnp.float32) * s
    inp['b_conv1'] = jnp.zeros((H1,), jnp.float32)
    inp['W_conv2'] = jax.random.normal(ks[7], (H1, H2), jnp.float32) * s
    inp['b_conv2'] = jnp.zeros((H2,), jnp.float32)
    inp['wih1'] = jax.random.normal(ks[8], (3 * H1, H1), jnp.float32) * s
    inp['whh1'] = jax.random.normal(ks[9], (3 * H1, H1), jnp.float32) * s
    inp['bih1'] = jnp.zeros((3 * H1,), jnp.float32)
    inp['bhh1'] = jnp.zeros((3 * H1,), jnp.float32)
    inp['wih2'] = jax.random.normal(ks[10], (3 * H2, H2), jnp.float32) * s
    inp['whh2'] = jax.random.normal(ks[11], (3 * H2, H2), jnp.float32) * s
    inp['bih2'] = jnp.zeros((3 * H2,), jnp.float32)
    inp['bhh2'] = jnp.zeros((3 * H2,), jnp.float32)
    inp['W_post'] = jax.random.normal(ks[12], (2 * H2 + D_EDGE, 1), jnp.float32) * s
    inp['b_post'] = jnp.zeros((1,), jnp.float32)
    inp['prev_emb1'] = jnp.zeros((N, H1), jnp.float32)
    inp['prev_emb2'] = jnp.zeros((N, H2), jnp.float32)
    return inp


def reference(x, edge_index, edge_label_index, edge_attr,
              W_pre1, b_pre1, W_pre2, b_pre2,
              W_conv1, b_conv1, W_conv2, b_conv2,
              wih1, whh1, bih1, bhh1,
              wih2, whh2, bih2, bhh2,
              W_post, b_post, prev_emb1, prev_emb2):
    src, dst = edge_index[0], edge_index[1]
    h = leaky(x @ W_pre1 + b_pre1)
    h = leaky(h @ W_pre2 + b_pre2)
    h = leaky(gcn_conv(h, src, dst, W_conv1, b_conv1))
    h = gru_cell(h, prev_emb1, wih1, whh1, bih1, bhh1)
    emb1 = h
    h = leaky(gcn_conv(h, src, dst, W_conv2, b_conv2))
    h = gru_cell(h, prev_emb2, wih2, whh2, bih2, bhh2)
    emb2 = h
    h_src = h[edge_label_index[0]]
    h_dst = h[edge_label_index[1]]
    combined = jnp.concatenate([h_src, h_dst, edge_attr], axis=1)
    out = (combined @ W_post + b_post).reshape(-1)
    return (out, emb1, emb2)

if __name__ == "__main__":
    import jax
    _d = setup_inputs()
    print(jax.jit(kernel)(*tuple(_d.values())))

</pallas_src>

<mosaic_0001>
#map = affine_map<(d0, d1) -> (0, 0)>
#map1 = affine_map<(d0, d1) -> (0, 0, 0, 0)>
#map2 = affine_map<(d0, d1) -> (0, 0, 0)>
module attributes {stable_mosaic.version = 14 : i64} {
  func.func @_scatter_body(%arg0: i32, %arg1: i32, %arg2: memref<10000x64xf32, #tpu.memory_space<hbm>>, %arg3: memref<2x32x80x128xi32, #tpu.memory_space<hbm>>, %arg4: memref<10112x64xf32, #tpu.memory_space<hbm>>, %arg5: memref<2x10112x64xf32, #tpu.memory_space<hbm>>, %arg6: memref<80x128xi32, #tpu.memory_space<vmem>>, %arg7: memref<80x128xi32, #tpu.memory_space<vmem>>, %arg8: memref<128x64xf32, #tpu.memory_space<vmem>>, %arg9: memref<128x64xf32, #tpu.memory_space<vmem>>, %arg10: memref<10112x64xf32, #tpu.memory_space<vmem_shared>>, %arg11: memref<!tpu.dma_semaphore, #tpu.memory_space<semaphore_mem>>, %arg12: memref<!tpu.dma_semaphore, #tpu.memory_space<semaphore_mem>>) attributes {dimension_semantics = [#tpu.dimension_semantics<core_parallel>, #tpu.dimension_semantics<subcore_parallel>], iteration_bounds = array<i64: 2, 16>, scalar_prefetch = 0 : i64, scratch_operands = 7 : i64, tpu.core_type = #tpu.core_type<sc_vector_subcore>, window_params = [{transform_indices = #map}, {transform_indices = #map1}, {transform_indices = #map}, {transform_indices = #map2}]} {
    %mul3A = arith.constant 16 : i32
    %mul3A_0 = arith.muli %arg0, %mul3A : i32
    %add3A = arith.addi %mul3A_0, %arg1 : i32
    %run_scoped3A = arith.constant 0 : i32
    "tpu.region"() ({
      %run_scoped3A_44 = tpu.sem_alloc : memref<!tpu.dma_semaphore, #tpu.memory_space<semaphore_mem>>
      %dma_start3A_45 = arith.constant 0 : i32
      %dma_start3A_46 = arith.constant 0 : i32
      %dma_start3A_47 = tpu.memref_slice %arg3[%run_scoped3A, %add3A, %dma_start3A_45, %dma_start3A_46] : memref<2x32x80x128xi32, #tpu.memory_space<hbm>> -> memref<1x1x80x128xi32, #tpu.memory_space<hbm>>
      %dma_start3A_48 = tpu.memref_squeeze %dma_start3A_47 : memref<1x1x80x128xi32, #tpu.memory_space<hbm>> -> memref<80x128xi32, #tpu.memory_space<hbm>>
      %dma_start3A_49 = arith.constant 0 : i32
      %dma_start3A_50 = arith.constant 0 : i32
      %dma_start3A_51 = tpu.memref_slice %arg3[%run_scoped3A, %add3A, %dma_start3A_49, %dma_start3A_50] : memref<2x32x80x128xi32, #tpu.memory_space<hbm>> -> memref<1x1x80x128xi32, #tpu.memory_space<hbm>>
      %dma_start3A_52 = tpu.memref_squeeze %dma_start3A_51 : memref<1x1x80x128xi32, #tpu.memory_space<hbm>> -> memref<80x128xi32, #tpu.memory_space<hbm>>
      tpu.enqueue_dma source(%dma_start3A_52 : memref<80x128xi32, #tpu.memory_space<hbm>>) target(%arg6 : memref<80x128xi32, #tpu.memory_space<vmem>>) target_semaphore(%run_scoped3A_44 : memref<!tpu.dma_semaphore, #tpu.memory_space<semaphore_mem>>)
      %dma_wait3A_53 = arith.constant 0 : i32
      %dma_wait3A_54 = arith.constant 0 : i32
      %dma_wait3A_55 = tpu.memref_slice %arg3[%run_scoped3A, %add3A, %dma_wait3A_53, %dma_wait3A_54] : memref<2x32x80x128xi32, #tpu.memory_space<hbm>> -> memref<1x1x80x128xi32, #tpu.memory_space<hbm>>
      %dma_wait3A_56 = tpu.memref_squeeze %dma_wait3A_55 : memref<1x1x80x128xi32, #tpu.memory_space<hbm>> -> memref<80x128xi32, #tpu.memory_space<hbm>>
      %dma_wait3A_57 = arith.constant 0 : i32
      %dma_wait3A_58 = arith.constant 0 : i32
      %dma_wait3A_59 = tpu.memref_slice %arg3[%run_scoped3A, %add3A, %dma_wait3A_57, %dma_wait3A_58] : memref<2x32x80x128xi32, #tpu.memory_space<hbm>> -> memref<1x1x80x128xi32, #tpu.memory_space<hbm>>
      %dma_wait3A_60 = tpu.memref_squeeze %dma_wait3A_59 : memref<1x1x80x128xi32, #tpu.memory_space<hbm>> -> memref<80x128xi32, #tpu.memory_space<hbm>>
      tpu.wait_dma2 semaphore(%run_scoped3A_44 : memref<!tpu.dma_semaphore, #tpu.memory_space<semaphore_mem>>) src(%dma_wait3A_60 : memref<80x128xi32, #tpu.memory_space<hbm>>) dst(%arg6 : memref<80x128xi32, #tpu.memory_space<vmem>>)
      tpu.yield
    }) : () -> ()
    %run_scoped3A_1 = arith.constant 1 : i32
    "tpu.region"() ({
      %run_scoped3A_44 = tpu.sem_alloc : memref<!tpu.dma_semaphore, #tpu.memory_space<semaphore_mem>>
      %dma_start3A_45 = arith.constant 0 : i32
      %dma_start3A_46 = arith.constant 0 : i32
      %dma_start3A_47 = tpu.memref_slice %arg3[%run_scoped3A_1, %add3A, %dma_start3A_45, %dma_start3A_46] : memref<2x32x80x128xi32, #tpu.memory_space<hbm>> -> memref<1x1x80x128xi32, #tpu.memory_space<hbm>>
      %dma_start3A_48 = tpu.memref_squeeze %dma_start3A_47 : memref<1x1x80x128xi32, #tpu.memory_space<hbm>> -> memref<80x128xi32, #tpu.memory_space<hbm>>
      %dma_start3A_49 = arith.constant 0 : i32
      %dma_start3A_50 = arith.constant 0 : i32
      %dma_start3A_51 = tpu.memref_slice %arg3[%run_scoped3A_1, %add3A, %dma_start3A_49, %dma_start3A_50] : memref<2x32x80x128xi32, #tpu.memory_space<hbm>> -> memref<1x1x80x128xi32, #tpu.memory_space<hbm>>
      %dma_start3A_52 = tpu.memref_squeeze %dma_start3A_51 : memref<1x1x80x128xi32, #tpu.memory_space<hbm>> -> memref<80x128xi32, #tpu.memory_space<hbm>>
      tpu.enqueue_dma source(%dma_start3A_52 : memref<80x128xi32, #tpu.memory_space<hbm>>) target(%arg7 : memref<80x128xi32, #tpu.memory_space<vmem>>) target_semaphore(%run_scoped3A_44 : memref<!tpu.dma_semaphore, #tpu.memory_space<semaphore_mem>>)
      %dma_wait3A_53 = arith.constant 0 : i32
      %dma_wait3A_54 = arith.constant 0 : i32
      %dma_wait3A_55 = tpu.memref_slice %arg3[%run_scoped3A_1, %add3A, %dma_wait3A_53, %dma_wait3A_54] : memref<2x32x80x128xi32, #tpu.memory_space<hbm>> -> memref<1x1x80x128xi32, #tpu.memory_space<hbm>>
      %dma_wait3A_56 = tpu.memref_squeeze %dma_wait3A_55 : memref<1x1x80x128xi32, #tpu.memory_space<hbm>> -> memref<80x128xi32, #tpu.memory_space<hbm>>
      %dma_wait3A_57 = arith.constant 0 : i32
      %dma_wait3A_58 = arith.constant 0 : i32
      %dma_wait3A_59 = tpu.memref_slice %arg3[%run_scoped3A_1, %add3A, %dma_wait3A_57, %dma_wait3A_58] : memref<2x32x80x128xi32, #tpu.memory_space<hbm>> -> memref<1x1x80x128xi32, #tpu.memory_space<hbm>>
      %dma_wait3A_60 = tpu.memref_squeeze %dma_wait3A_59 : memref<1x1x80x128xi32, #tpu.memory_space<hbm>> -> memref<80x128xi32, #tpu.memory_space<hbm>>
      tpu.wait_dma2 semaphore(%run_scoped3A_44 : memref<!tpu.dma_semaphore, #tpu.memory_space<semaphore_mem>>) src(%dma_wait3A_60 : memref<80x128xi32, #tpu.memory_space<hbm>>) dst(%arg7 : memref<80x128xi32, #tpu.memory_space<vmem>>)
      tpu.yield
    }) : () -> ()
    %mul3A_2 = arith.constant 632 : i32
    %mul3A_3 = arith.muli %arg1, %mul3A_2 : i32
    %mul3A_4 = arith.constant 632 : i32
    %mul3A_5 = arith.muli %arg1, %mul3A_4 : i32
    "tpu.region"() ({
      %run_scoped3A_44 = tpu.sem_alloc : memref<!tpu.dma_semaphore, #tpu.memory_space<semaphore_mem>>
      %dma_start3A_45 = arith.constant 0 : i32
      %dma_start3A_46 = tpu.memref_slice %arg10[%mul3A_5, %dma_start3A_45] : memref<10112x64xf32, #tpu.memory_space<vmem_shared>> -> memref<632x64xf32, #tpu.memory_space<vmem_shared>>
      %dma_start3A_47 = arith.constant 0 : i32
      %dma_start3A_48 = tpu.memref_slice %arg4[%mul3A_3, %dma_start3A_47] : memref<10112x64xf32, #tpu.memory_space<hbm>> -> memref<632x64xf32, #tpu.memory_space<hbm>>
      tpu.enqueue_dma source(%dma_start3A_48 : memref<632x64xf32, #tpu.memory_space<hbm>>) target(%dma_start3A_46 : memref<632x64xf32, #tpu.memory_space<vmem_shared>>) target_semaphore(%run_scoped3A_44 : memref<!tpu.dma_semaphore, #tpu.memory_space<semaphore_mem>>)
      %dma_wait3A_49 = arith.constant 0 : i32
      %dma_wait3A_50 = tpu.memref_slice %arg10[%mul3A_5, %dma_wait3A_49] : memref<10112x64xf32, #tpu.memory_space<vmem_shared>> -> memref<632x64xf32, #tpu.memory_space<vmem_shared>>
      %dma_wait3A_51 = arith.constant 0 : i32
      %dma_wait3A_52 = tpu.memref_slice %arg4[%mul3A_3, %dma_wait3A_51] : memref<10112x64xf32, #tpu.memory_space<hbm>> -> memref<632x64xf32, #tpu.memory_space<hbm>>
      tpu.wait_dma2 semaphore(%run_scoped3A_44 : memref<!tpu.dma_semaphore, #tpu.memory_space<semaphore_mem>>) src(%dma_wait3A_52 : memref<632x64xf32, #tpu.memory_space<hbm>>) dst(%dma_wait3A_50 : memref<632x64xf32, #tpu.memory_space<vmem_shared>>)
      tpu.yield
    }) : () -> ()
    %barrier3A = arith.constant 0 : index
    tpu.barrier barrier_id(%barrier3A)
    %dma_start3A = arith.constant 0 : i32
    %dma_start3A_6 = arith.constant 0 : i32
    %dma_start3A_7 = tpu.memref_slice %arg6[%dma_start3A, %dma_start3A_6] : memref<80x128xi32, #tpu.memory_space<vmem>> -> memref<1x128xi32, #tpu.memory_space<vmem>>
    %dma_start3A_8 = tpu.memref_squeeze %dma_start3A_7 : memref<1x128xi32, #tpu.memory_space<vmem>> -> memref<128xi32, #tpu.memory_space<vmem>>
    %dma_start3A_9 = arith.constant 0 : i32
    %dma_start3A_10 = arith.constant 0 : i32
    %dma_start3A_11 = tpu.memref_slice %arg2[%dma_start3A_9, %dma_start3A_10] : memref<10000x64xf32, #tpu.memory_space<hbm>> -> memref<10000x64xf32, #tpu.memory_space<hbm>>
    tpu.enqueue_indirect_dma source(%dma_start3A_11 : memref<10000x64xf32, #tpu.memory_space<hbm>>) target(%arg8 : memref<128x64xf32, #tpu.memory_space<vmem>>) offsets(%dma_start3A_8 : memref<128xi32, #tpu.memory_space<vmem>>) semaphore(%arg11 : memref<!tpu.dma_semaphore, #tpu.memory_space<semaphore_mem>>)
    %scan3A = arith.constant 0 : i32
    %scan3A_12 = arith.constant 0 : i32
    %scan3A_13 = arith.constant 39 : i32
    %scan3A_14 = arith.addi %scan3A_12, %scan3A_13 : i32
    %scan3A_15 = arith.constant 1 : i32
    scf.for %scan3A_44 = %scan3A_12 to %scan3A_14 step %scan3A_15  : i32 {
      %mul3A_45 = arith.constant 2 : i32
      %mul3A_46 = arith.muli %mul3A_45, %scan3A_44 : i32
      %add3A_47 = arith.constant 1 : i32
      %add3A_48 = arith.addi %mul3A_46, %add3A_47 : i32
      %add3A_49 = arith.constant 2 : i32
      %add3A_50 = arith.addi %mul3A_46, %add3A_49 : i32
      %dma_start3A_51 = arith.constant 0 : i32
      %dma_start3A_52 = tpu.memref_slice %arg6[%add3A_48, %dma_start3A_51] : memref<80x128xi32, #tpu.memory_space<vmem>> -> memref<1x128xi32, #tpu.memory_space<vmem>>
      %dma_start3A_53 = tpu.memref_squeeze %dma_start3A_52 : memref<1x128xi32, #tpu.memory_space<vmem>> -> memref<128xi32, #tpu.memory_space<vmem>>
      %dma_start3A_54 = arith.constant 0 : i32
      %dma_start3A_55 = arith.constant 0 : i32
      %dma_start3A_56 = tpu.memref_slice %arg2[%dma_start3A_54, %dma_start3A_55] : memref<10000x64xf32, #tpu.memory_space<hbm>> -> memref<10000x64xf32, #tpu.memory_space<hbm>>
      tpu.enqueue_indirect_dma source(%dma_start3A_56 : memref<10000x64xf32, #tpu.memory_space<hbm>>) target(%arg9 : memref<128x64xf32, #tpu.memory_space<vmem>>) offsets(%dma_start3A_53 : memref<128xi32, #tpu.memory_space<vmem>>) semaphore(%arg12 : memref<!tpu.dma_semaphore, #tpu.memory_space<semaphore_mem>>)
      %dma_wait3A_57 = arith.constant 0 : i32
      %dma_wait3A_58 = tpu.memref_slice %arg6[%mul3A_46, %dma_wait3A_57] : memref<80x128xi32, #tpu.memory_space<vmem>> -> memref<1x128xi32, #tpu.memory_space<vmem>>
      %dma_wait3A_59 = tpu.memref_squeeze %dma_wait3A_58 : memref<1x128xi32, #tpu.memory_space<vmem>> -> memref<128xi32, #tpu.memory_space<vmem>>
      %dma_wait3A_60 = arith.constant 0 : i32
      %dma_wait3A_61 = arith.constant 0 : i32
      %dma_wait3A_62 = tpu.memref_slice %arg2[%dma_wait3A_60, %dma_wait3A_61] : memref<10000x64xf32, #tpu.memory_space<hbm>> -> memref<10000x64xf32, #tpu.memory_space<hbm>>
      tpu.wait_indirect_dma semaphore(%arg11 : memref<!tpu.dma_semaphore, #tpu.memory_space<semaphore_mem>>) src(%dma_wait3A_62 : memref<10000x64xf32, #tpu.memory_space<hbm>>) dst(%arg8 : memref<128x64xf32, #tpu.memory_space<vmem>>)
      "tpu.region"() ({
        %run_scoped3A_75 = tpu.sem_alloc : memref<!tpu.dma_semaphore, #tpu.memory_space<semaphore_mem>>
        %dma_start3A_76 = arith.constant 0 : i32
        %dma_start3A_77 = tpu.memref_slice %arg7[%mul3A_46, %dma_start3A_76] : memref<80x128xi32, #tpu.memory_space<vmem>> -> memref<1x128xi32, #tpu.memory_space<vmem>>
        %dma_start3A_78 = tpu.memref_squeeze %dma_start3A_77 : memref<1x128xi32, #tpu.memory_space<vmem>> -> memref<128xi32, #tpu.memory_space<vmem>>
        %dma_start3A_79 = arith.constant 0 : i32
        %dma_start3A_80 = arith.constant 0 : i32
        %dma_start3A_81 = tpu.memref_slice %arg10[%dma_start3A_79, %dma_start3A_80] : memref<10112x64xf32, #tpu.memory_space<vmem_shared>> -> memref<10112x64xf32, #tpu.memory_space<vmem_shared>>
        tpu.enqueue_indirect_dma source(%arg8 : memref<128x64xf32, #tpu.memory_space<vmem>>) target(%dma_start3A_81 : memref<10112x64xf32, #tpu.memory_space<vmem_shared>>) offsets(%dma_start3A_78 : memref<128xi32, #tpu.memory_space<vmem>>) semaphore(%run_scoped3A_75 : memref<!tpu.dma_semaphore, #tpu.memory_space<semaphore_mem>>) {add = true}
        %dma_wait3A_82 = arith.constant 0 : i32
        %dma_wait3A_83 = tpu.memref_slice %arg7[%mul3A_46, %dma_wait3A_82] : memref<80x128xi32, #tpu.memory_space<vmem>> -> memref<1x128xi32, #tpu.memory_space<vmem>>
        %dma_wait3A_84 = tpu.memref_squeeze %dma_wait3A_83 : memref<1x128xi32, #tpu.memory_space<vmem>> -> memref<128xi32, #tpu.memory_space<vmem>>
        %dma_wait3A_85 = arith.constant 0 : i32
        %dma_wait3A_86 = arith.constant 0 : i32
        %dma_wait3A_87 = tpu.memref_slice %arg10[%dma_wait3A_85, %dma_wait3A_86] : memref<10112x64xf32, #tpu.memory_space<vmem_shared>> -> memref<10112x64xf32, #tpu.memory_space<vmem_shared>>
        tpu.wait_indirect_dma semaphore(%run_scoped3A_75 : memref<!tpu.dma_semaphore, #tpu.memory_space<semaphore_mem>>) src(%arg8 : memref<128x64xf32, #tpu.memory_space<vmem>>) dst(%dma_wait3A_87 : memref<10112x64xf32, #tpu.memory_space<vmem_shared>>)
        tpu.yield
      }) : () -> ()
      %dma_start3A_63 = arith.constant 0 : i32
      %dma_start3A_64 = tpu.memref_slice %arg6[%add3A_50, %dma_start3A_63] : memref<80x128xi32, #tpu.memory_space<vmem>> -> memref<1x128xi32, #tpu.memory_space<vmem>>
      %dma_start3A_65 = tpu.memref_squeeze %dma_start3A_64 : memref<1x128xi32, #tpu.memory_space<vmem>> -> memref<128xi32, #tpu.memory_space<vmem>>
      %dma_start3A_66 = arith.constant 0 : i32
      %dma_start3A_67 = arith.constant 0 : i32
      %dma_start3A_68 = tpu.memref_slice %arg2[%dma_start3A_66, %dma_start3A_67] : memref<10000x64xf32, #tpu.memory_space<hbm>> -> memref<10000x64xf32, #tpu.memory_space<hbm>>
      tpu.enqueue_indirect_dma source(%dma_start3A_68 : memref<10000x64xf32, #tpu.memory_space<hbm>>) target(%arg8 : memref<128x64xf32, #tpu.memory_space<vmem>>) offsets(%dma_start3A_65 : memref<128xi32, #tpu.memory_space<vmem>>) semaphore(%arg11 : memref<!tpu.dma_semaphore, #tpu.memory_space<semaphore_mem>>)
      %dma_wait3A_69 = arith.constant 0 : i32
      %dma_wait3A_70 = tpu.memref_slice %arg6[%add3A_48, %dma_wait3A_69] : memref<80x128xi32, #tpu.memory_space<vmem>> -> memref<1x128xi32, #tpu.memory_space<vmem>>
      %dma_wait3A_71 = tpu.memref_squeeze %dma_wait3A_70 : memref<1x128xi32, #tpu.memory_space<vmem>> -> memref<128xi32, #tpu.memory_space<vmem>>
      %dma_wait3A_72 = arith.constant 0 : i32
      %dma_wait3A_73 = arith.constant 0 : i32
      %dma_wait3A_74 = tpu.memref_slice %arg2[%dma_wait3A_72, %dma_wait3A_73] : memref<10000x64xf32, #tpu.memory_space<hbm>> -> memref<10000x64xf32, #tpu.memory_space<hbm>>
      tpu.wait_indirect_dma semaphore(%arg12 : memref<!tpu.dma_semaphore, #tpu.memory_space<semaphore_mem>>) src(%dma_wait3A_74 : memref<10000x64xf32, #tpu.memory_space<hbm>>) dst(%arg9 : memref<128x64xf32, #tpu.memory_space<vmem>>)
      "tpu.region"() ({
        %run_scoped3A_75 = tpu.sem_alloc : memref<!tpu.dma_semaphore, #tpu.memory_space<semaphore_mem>>
        %dma_start3A_76 = arith.constant 0 : i32
        %dma_start3A_77 = tpu.memref_slice %arg7[%add3A_48, %dma_start3A_76] : memref<80x128xi32, #tpu.memory_space<vmem>> -> memref<1x128xi32, #tpu.memory_space<vmem>>
        %dma_start3A_78 = tpu.memref_squeeze %dma_start3A_77 : memref<1x128xi32, #tpu.memory_space<vmem>> -> memref<128xi32, #tpu.memory_space<vmem>>
        %dma_start3A_79 = arith.constant 0 : i32
        %dma_start3A_80 = arith.constant 0 : i32
        %dma_start3A_81 = tpu.memref_slice %arg10[%dma_start3A_79, %dma_start3A_80] : memref<10112x64xf32, #tpu.memory_space<vmem_shared>> -> memref<10112x64xf32, #tpu.memory_space<vmem_shared>>
        tpu.enqueue_indirect_dma source(%arg9 : memref<128x64xf32, #tpu.memory_space<vmem>>) target(%dma_start3A_81 : memref<10112x64xf32, #tpu.memory_space<vmem_shared>>) offsets(%dma_start3A_78 : memref<128xi32, #tpu.memory_space<vmem>>) semaphore(%run_scoped3A_75 : memref<!tpu.dma_semaphore, #tpu.memory_space<semaphore_mem>>) {add = true}
        %dma_wait3A_82 = arith.constant 0 : i32
        %dma_wait3A_83 = tpu.memref_slice %arg7[%add3A_48, %dma_wait3A_82] : memref<80x128xi32, #tpu.memory_space<vmem>> -> memref<1x128xi32, #tpu.memory_space<vmem>>
        %dma_wait3A_84 = tpu.memref_squeeze %dma_wait3A_83 : memref<1x128xi32, #tpu.memory_space<vmem>> -> memref<128xi32, #tpu.memory_space<vmem>>
        %dma_wait3A_85 = arith.constant 0 : i32
        %dma_wait3A_86 = arith.constant 0 : i32
        %dma_wait3A_87 = tpu.memref_slice %arg10[%dma_wait3A_85, %dma_wait3A_86] : memref<10112x64xf32, #tpu.memory_space<vmem_shared>> -> memref<10112x64xf32, #tpu.memory_space<vmem_shared>>
        tpu.wait_indirect_dma semaphore(%run_scoped3A_75 : memref<!tpu.dma_semaphore, #tpu.memory_space<semaphore_mem>>) src(%arg9 : memref<128x64xf32, #tpu.memory_space<vmem>>) dst(%dma_wait3A_87 : memref<10112x64xf32, #tpu.memory_space<vmem_shared>>)
        tpu.yield
      }) : () -> ()
    }
    %scan3A_16 = arith.constant 39 : i32
    %dma_start3A_17 = arith.constant 79 : i32
    %dma_start3A_18 = arith.constant 0 : i32
    %dma_start3A_19 = tpu.memref_slice %arg6[%dma_start3A_17, %dma_start3A_18] : memref<80x128xi32, #tpu.memory_space<vmem>> -> memref<1x128xi32, #tpu.memory_space<vmem>>
    %dma_start3A_20 = tpu.memref_squeeze %dma_start3A_19 : memref<1x128xi32, #tpu.memory_space<vmem>> -> memref<128xi32, #tpu.memory_space<vmem>>
    %dma_start3A_21 = arith.constant 0 : i32
    %dma_start3A_22 = arith.constant 0 : i32
    %dma_start3A_23 = tpu.memref_slice %arg2[%dma_start3A_21, %dma_start3A_22] : memref<10000x64xf32, #tpu.memory_space<hbm>> -> memref<10000x64xf32, #tpu.memory_space<hbm>>
    tpu.enqueue_indirect_dma source(%dma_start3A_23 : memref<10000x64xf32, #tpu.memory_space<hbm>>) target(%arg9 : memref<128x64xf32, #tpu.memory_space<vmem>>) offsets(%dma_start3A_20 : memref<128xi32, #tpu.memory_space<vmem>>) semaphore(%arg12 : memref<!tpu.dma_semaphore, #tpu.memory_space<semaphore_mem>>)
    %dma_wait3A = arith.constant 78 : i32
    %dma_wait3A_24 = arith.constant 0 : i32
    %dma_wait3A_25 = tpu.memref_slice %arg6[%dma_wait3A, %dma_wait3A_24] : memref<80x128xi32, #tpu.memory_space<vmem>> -> memref<1x128xi32, #tpu.memory_space<vmem>>
    %dma_wait3A_26 = tpu.memref_squeeze %dma_wait3A_25 : memref<1x128xi32, #tpu.memory_space<vmem>> -> memref<128xi32, #tpu.memory_space<vmem>>
    %dma_wait3A_27 = arith.constant 0 : i32
    %dma_wait3A_28 = arith.constant 0 : i32
    %dma_wait3A_29 = tpu.memref_slice %arg2[%dma_wait3A_27, %dma_wait3A_28] : memref<10000x64xf32, #tpu.memory_space<hbm>> -> memref<10000x64xf32, #tpu.memory_space<hbm>>
    tpu.wait_indirect_dma semaphore(%arg11 : memref<!tpu.dma_semaphore, #tpu.memory_space<semaphore_mem>>) src(%dma_wait3A_29 : memref<10000x64xf32, #tpu.memory_space<hbm>>) dst(%arg8 : memref<128x64xf32, #tpu.memory_space<vmem>>)
    %run_scoped3A_30 = arith.constant 78 : i32
    "tpu.region"() ({
      %run_scoped3A_44 = tpu.sem_alloc : memref<!tpu.dma_semaphore, #tpu.memory_space<semaphore_mem>>
      %dma_start3A_45 = arith.constant 0 : i32
      %dma_start3A_46 = tpu.memref_slice %arg7[%run_scoped3A_30, %dma_start3A_45] : memref<80x128xi32, #tpu.memory_space<vmem>> -> memref<1x128xi32, #tpu.memory_space<vmem>>
      %dma_start3A_47 = tpu.memref_squeeze %dma_start3A_46 : memref<1x128xi32, #tpu.memory_space<vmem>> -> memref<128xi32, #tpu.memory_space<vmem>>
      %dma_start3A_48 = arith.constant 0 : i32
      %dma_start3A_49 = arith.constant 0 : i32
      %dma_start3A_50 = tpu.memref_slice %arg10[%dma_start3A_48, %dma_start3A_49] : memref<10112x64xf32, #tpu.memory_space<vmem_shared>> -> memref<10112x64xf32, #tpu.memory_space<vmem_shared>>
      tpu.enqueue_indirect_dma source(%arg8 : memref<128x64xf32, #tpu.memory_space<vmem>>) target(%dma_start3A_50 : memref<10112x64xf32, #tpu.memory_space<vmem_shared>>) offsets(%dma_start3A_47 : memref<128xi32, #tpu.memory_space<vmem>>) semaphore(%run_scoped3A_44 : memref<!tpu.dma_semaphore, #tpu.memory_space<semaphore_mem>>) {add = true}
      %dma_wait3A_51 = arith.constant 0 : i32
      %dma_wait3A_52 = tpu.memref_slice %arg7[%run_scoped3A_30, %dma_wait3A_51] : memref<80x128xi32, #tpu.memory_space<vmem>> -> memref<1x128xi32, #tpu.memory_space<vmem>>
      %dma_wait3A_53 = tpu.memref_squeeze %dma_wait3A_52 : memref<1x128xi32, #tpu.memory_space<vmem>> -> memref<128xi32, #tpu.memory_space<vmem>>
      %dma_wait3A_54 = arith.constant 0 : i32
      %dma_wait3A_55 = arith.constant 0 : i32
      %dma_wait3A_56 = tpu.memref_slice %arg10[%dma_wait3A_54, %dma_wait3A_55] : memref<10112x64xf32, #tpu.memory_space<vmem_shared>> -> memref<10112x64xf32, #tpu.memory_space<vmem_shared>>
      tpu.wait_indirect_dma semaphore(%run_scoped3A_44 : memref<!tpu.dma_semaphore, #tpu.memory_space<semaphore_mem>>) src(%arg8 : memref<128x64xf32, #tpu.memory_space<vmem>>) dst(%dma_wait3A_56 : memref<10112x64xf32, #tpu.memory_space<vmem_shared>>)
      tpu.yield
    }) : () -> ()
    %dma_wait3A_31 = arith.constant 79 : i32
    %dma_wait3A_32 = arith.constant 0 : i32
    %dma_wait3A_33 = tpu.memref_slice %arg6[%dma_wait3A_31, %dma_wait3A_32] : memref<80x128xi32, #tpu.memory_space<vmem>> -> memref<1x128xi32, #tpu.memory_space<vmem>>
    %dma_wait3A_34 = tpu.memref_squeeze %dma_wait3A_33 : memref<1x128xi32, #tpu.memory_space<vmem>> -> memref<128xi32, #tpu.memory_space<vmem>>
    %dma_wait3A_35 = arith.constant 0 : i32
    %dma_wait3A_36 = arith.constant 0 : i32
    %dma_wait3A_37 = tpu.memref_slice %arg2[%dma_wait3A_35, %dma_wait3A_36] : memref<10000x64xf32, #tpu.memory_space<hbm>> -> memref<10000x64xf32, #tpu.memory_space<hbm>>
    tpu.wait_indirect_dma semaphore(%arg12 : memref<!tpu.dma_semaphore, #tpu.memory_space<semaphore_mem>>) src(%dma_wait3A_37 : memref<10000x64xf32, #tpu.memory_space<hbm>>) dst(%arg9 : memref<128x64xf32, #tpu.memory_space<vmem>>)
    %run_scoped3A_38 = arith.constant 79 : i32
    "tpu.region"() ({
      %run_scoped3A_44 = tpu.sem_alloc : memref<!tpu.dma_semaphore, #tpu.memory_space<semaphore_mem>>
      %dma_start3A_45 = arith.constant 0 : i32
      %dma_start3A_46 = tpu.memref_slice %arg7[%run_scoped3A_38, %dma_start3A_45] : memref<80x128xi32, #tpu.memory_space<vmem>> -> memref<1x128xi32, #tpu.memory_space<vmem>>
      %dma_start3A_47 = tpu.memref_squeeze %dma_start3A_46 : memref<1x128xi32, #tpu.memory_space<vmem>> -> memref<128xi32, #tpu.memory_space<vmem>>
      %dma_start3A_48 = arith.constant 0 : i32
      %dma_start3A_49 = arith.constant 0 : i32
      %dma_start3A_50 = tpu.memref_slice %arg10[%dma_start3A_48, %dma_start3A_49] : memref<10112x64xf32, #tpu.memory_space<vmem_shared>> -> memref<10112x64xf32, #tpu.memory_space<vmem_shared>>
      tpu.enqueue_indirect_dma source(%arg9 : memref<128x64xf32, #tpu.memory_space<vmem>>) target(%dma_start3A_50 : memref<10112x64xf32, #tpu.memory_space<vmem_shared>>) offsets(%dma_start3A_47 : memref<128xi32, #tpu.memory_space<vmem>>) semaphore(%run_scoped3A_44 : memref<!tpu.dma_semaphore, #tpu.memory_space<semaphore_mem>>) {add = true}
      %dma_wait3A_51 = arith.constant 0 : i32
      %dma_wait3A_52 = tpu.memref_slice %arg7[%run_scoped3A_38, %dma_wait3A_51] : memref<80x128xi32, #tpu.memory_space<vmem>> -> memref<1x128xi32, #tpu.memory_space<vmem>>
      %dma_wait3A_53 = tpu.memref_squeeze %dma_wait3A_52 : memref<1x128xi32, #tpu.memory_space<vmem>> -> memref<128xi32, #tpu.memory_space<vmem>>
      %dma_wait3A_54 = arith.constant 0 : i32
      %dma_wait3A_55 = arith.constant 0 : i32
      %dma_wait3A_56 = tpu.memref_slice %arg10[%dma_wait3A_54, %dma_wait3A_55] : memref<10112x64xf32, #tpu.memory_space<vmem_shared>> -> memref<10112x64xf32, #tpu.memory_space<vmem_shared>>
      tpu.wait_indirect_dma semaphore(%run_scoped3A_44 : memref<!tpu.dma_semaphore, #tpu.memory_space<semaphore_mem>>) src(%arg9 : memref<128x64xf32, #tpu.memory_space<vmem>>) dst(%dma_wait3A_56 : memref<10112x64xf32, #tpu.memory_space<vmem_shared>>)
      tpu.yield
    }) : () -> ()
    %barrier3A_39 = arith.constant 0 : index
    tpu.barrier barrier_id(%barrier3A_39)
    %mul3A_40 = arith.constant 632 : i32
    %mul3A_41 = arith.muli %arg1, %mul3A_40 : i32
    %mul3A_42 = arith.constant 632 : i32
    %mul3A_43 = arith.muli %arg1, %mul3A_42 : i32
    "tpu.region"() ({
      %run_scoped3A_44 = tpu.sem_alloc : memref<!tpu.dma_semaphore, #tpu.memory_space<semaphore_mem>>
      %dma_start3A_45 = arith.constant 0 : i32
      %dma_start3A_46 = tpu.memref_slice %arg5[%arg0, %mul3A_43, %dma_start3A_45] : memref<2x10112x64xf32, #tpu.memory_space<hbm>> -> memref<1x632x64xf32, #tpu.memory_space<hbm>>
      %dma_start3A_47 = tpu.memref_squeeze %dma_start3A_46 : memref<1x632x64xf32, #tpu.memory_space<hbm>> -> memref<632x64xf32, #tpu.memory_space<hbm>>
      %dma_start3A_48 = arith.constant 0 : i32
      %dma_start3A_49 = tpu.memref_slice %arg10[%mul3A_41, %dma_start3A_48] : memref<10112x64xf32, #tpu.memory_space<vmem_shared>> -> memref<632x64xf32, #tpu.memory_space<vmem_shared>>
      tpu.enqueue_dma source(%dma_start3A_49 : memref<632x64xf32, #tpu.memory_space<vmem_shared>>) target(%dma_start3A_47 : memref<632x64xf32, #tpu.memory_space<hbm>>) target_semaphore(%run_scoped3A_44 : memref<!tpu.dma_semaphore, #tpu.memory_space<semaphore_mem>>)
      %dma_wait3A_50 = arith.constant 0 : i32
      %dma_wait3A_51 = tpu.memref_slice %arg5[%arg0, %mul3A_43, %dma_wait3A_50] : memref<2x10112x64xf32, #tpu.memory_space<hbm>> -> memref<1x632x64xf32, #tpu.memory_space<hbm>>
      %dma_wait3A_52 = tpu.memref_squeeze %dma_wait3A_51 : memref<1x632x64xf32, #tpu.memory_space<hbm>> -> memref<632x64xf32, #tpu.memory_space<hbm>>
      %dma_wait3A_53 = arith.constant 0 : i32
      %dma_wait3A_54 = tpu.memref_slice %arg10[%mul3A_41, %dma_wait3A_53] : memref<10112x64xf32, #tpu.memory_space<vmem_shared>> -> memref<632x64xf32, #tpu.memory_space<vmem_shared>>
      tpu.wait_dma2 semaphore(%run_scoped3A_44 : memref<!tpu.dma_semaphore, #tpu.memory_space<semaphore_mem>>) src(%dma_wait3A_54 : memref<632x64xf32, #tpu.memory_space<vmem_shared>>) dst(%dma_wait3A_52 : memref<632x64xf32, #tpu.memory_space<hbm>>)
      tpu.yield
    }) : () -> ()
    return
  }
}

#map = affine_map<(d0, d1) -> (0, 0)>
#map1 = affine_map<(d0, d1) -> (0, 0, 0, 0)>
#map2 = affine_map<(d0, d1) -> (0, 0, 0)>
module attributes {stable_mosaic.version = 14 : i64} {
  func.func @_scatter_body(%arg0: i32, %arg1: i32, %arg2: memref<10000x64xf32, #tpu.memory_space<hbm>>, %arg3: memref<2x32x80x128xi32, #tpu.memory_space<hbm>>, %arg4: memref<10112x64xf32, #tpu.memory_space<hbm>>, %arg5: memref<2x10112x64xf32, #tpu.memory_space<hbm>>, %arg6: memref<80x128xi32, #tpu.memory_space<vmem>>, %arg7: memref<80x128xi32, #tpu.memory_space<vmem>>, %arg8: memref<128x64xf32, #tpu.memory_space<vmem>>, %arg9: memref<128x64xf32, #tpu.memory_space<vmem>>, %arg10: memref<10112x64xf32, #tpu.memory_space<vmem_shared>>, %arg11: memref<!tpu.dma_semaphore, #tpu.memory_space<semaphore_mem>>, %arg12: memref<!tpu.dma_semaphore, #tpu.memory_space<semaphore_mem>>) attributes {dimension_semantics = [#tpu.dimension_semantics<core_parallel>, #tpu.dimension_semantics<subcore_parallel>], iteration_bounds = array<i64: 2, 16>, scalar_prefetch = 0 : i64, scratch_operands = 7 : i64, tpu.core_type = #tpu.core_type<sc_vector_subcore>, window_params = [{transform_indices = #map}, {transform_indices = #map1}, {transform_indices = #map}, {transform_indices = #map2}]} {
    %mul3A = arith.constant 16 : i32
    %mul3A_0 = arith.muli %arg0, %mul3A : i32
    %add3A = arith.addi %mul3A_0, %arg1 : i32
    %run_scoped3A = arith.constant 0 : i32
    "tpu.region"() ({
      %run_scoped3A_44 = tpu.sem_alloc : memref<!tpu.dma_semaphore, #tpu.memory_space<semaphore_mem>>
      %dma_start3A_45 = arith.constant 0 : i32
      %dma_start3A_46 = arith.constant 0 : i32
      %dma_start3A_47 = tpu.memref_slice %arg3[%run_scoped3A, %add3A, %dma_start3A_45, %dma_start3A_46] : memref<2x32x80x128xi32, #tpu.memory_space<hbm>> -> memref<1x1x80x128xi32, #tpu.memory_space<hbm>>
      %dma_start3A_48 = tpu.memref_squeeze %dma_start3A_47 : memref<1x1x80x128xi32, #tpu.memory_space<hbm>> -> memref<80x128xi32, #tpu.memory_space<hbm>>
      %dma_start3A_49 = arith.constant 0 : i32
      %dma_start3A_50 = arith.constant 0 : i32
      %dma_start3A_51 = tpu.memref_slice %arg3[%run_scoped3A, %add3A, %dma_start3A_49, %dma_start3A_50] : memref<2x32x80x128xi32, #tpu.memory_space<hbm>> -> memref<1x1x80x128xi32, #tpu.memory_space<hbm>>
      %dma_start3A_52 = tpu.memref_squeeze %dma_start3A_51 : memref<1x1x80x128xi32, #tpu.memory_space<hbm>> -> memref<80x128xi32, #tpu.memory_space<hbm>>
      tpu.enqueue_dma source(%dma_start3A_52 : memref<80x128xi32, #tpu.memory_space<hbm>>) target(%arg6 : memref<80x128xi32, #tpu.memory_space<vmem>>) target_semaphore(%run_scoped3A_44 : memref<!tpu.dma_semaphore, #tpu.memory_space<semaphore_mem>>)
      %dma_wait3A_53 = arith.constant 0 : i32
      %dma_wait3A_54 = arith.constant 0 : i32
      %dma_wait3A_55 = tpu.memref_slice %arg3[%run_scoped3A, %add3A, %dma_wait3A_53, %dma_wait3A_54] : memref<2x32x80x128xi32, #tpu.memory_space<hbm>> -> memref<1x1x80x128xi32, #tpu.memory_space<hbm>>
      %dma_wait3A_56 = tpu.memref_squeeze %dma_wait3A_55 : memref<1x1x80x128xi32, #tpu.memory_space<hbm>> -> memref<80x128xi32, #tpu.memory_space<hbm>>
      %dma_wait3A_57 = arith.constant 0 : i32
      %dma_wait3A_58 = arith.constant 0 : i32
      %dma_wait3A_59 = tpu.memref_slice %arg3[%run_scoped3A, %add3A, %dma_wait3A_57, %dma_wait3A_58] : memref<2x32x80x128xi32, #tpu.memory_space<hbm>> -> memref<1x1x80x128xi32, #tpu.memory_space<hbm>>
      %dma_wait3A_60 = tpu.memref_squeeze %dma_wait3A_59 : memref<1x1x80x128xi32, #tpu.memory_space<hbm>> -> memref<80x128xi32, #tpu.memory_space<hbm>>
      tpu.wait_dma2 semaphore(%run_scoped3A_44 : memref<!tpu.dma_semaphore, #tpu.memory_space<semaphore_mem>>) src(%dma_wait3A_60 : memref<80x128xi32, #tpu.memory_space<hbm>>) dst(%arg6 : memref<80x128xi32, #tpu.memory_space<vmem>>)
      tpu.yield
    }) : () -> ()
    %run_scoped3A_1 = arith.constant 1 : i32
    "tpu.region"() ({
      %run_scoped3A_44 = tpu.sem_alloc : memref<!tpu.dma_semaphore, #tpu.memory_space<semaphore_mem>>
      %dma_start3A_45 = arith.constant 0 : i32
      %dma_start3A_46 = arith.constant 0 : i32
      %dma_start3A_47 = tpu.memref_slice %arg3[%run_scoped3A_1, %add3A, %dma_start3A_45, %dma_start3A_46] : memref<2x32x80x128xi32, #tpu.memory_space<hbm>> -> memref<1x1x80x128xi32, #tpu.memory_space<hbm>>
      %dma_start3A_48 = tpu.memref_squeeze %dma_start3A_47 : memref<1x1x80x128xi32, #tpu.memory_space<hbm>> -> memref<80x128xi32, #tpu.memory_space<hbm>>
      %dma_start3A_49 = arith.constant 0 : i32
      %dma_start3A_50 = arith.constant 0 : i32
      %dma_start3A_51 = tpu.memref_slice %arg3[%run_scoped3A_1, %add3A, %dma_start3A_49, %dma_start3A_50] : memref<2x32x80x128xi32, #tpu.memory_space<hbm>> -> memref<1x1x80x128xi32, #tpu.memory_space<hbm>>
      %dma_start3A_52 = tpu.memref_squeeze %dma_start3A_51 : memref<1x1x80x128xi32, #tpu.memory_space<hbm>> -> memref<80x128xi32, #tpu.memory_space<hbm>>
      tpu.enqueue_dma source(%dma_start3A_52 : memref<80x128xi32, #tpu.memory_space<hbm>>) target(%arg7 : memref<80x128xi32, #tpu.memory_space<vmem>>) target_semaphore(%run_scoped3A_44 : memref<!tpu.dma_semaphore, #tpu.memory_space<semaphore_mem>>)
      %dma_wait3A_53 = arith.constant 0 : i32
      %dma_wait3A_54 = arith.constant 0 : i32
      %dma_wait3A_55 = tpu.memref_slice %arg3[%run_scoped3A_1, %add3A, %dma_wait3A_53, %dma_wait3A_54] : memref<2x32x80x128xi32, #tpu.memory_space<hbm>> -> memref<1x1x80x128xi32, #tpu.memory_space<hbm>>
      %dma_wait3A_56 = tpu.memref_squeeze %dma_wait3A_55 : memref<1x1x80x128xi32, #tpu.memory_space<hbm>> -> memref<80x128xi32, #tpu.memory_space<hbm>>
      %dma_wait3A_57 = arith.constant 0 : i32
      %dma_wait3A_58 = arith.constant 0 : i32
      %dma_wait3A_59 = tpu.memref_slice %arg3[%run_scoped3A_1, %add3A, %dma_wait3A_57, %dma_wait3A_58] : memref<2x32x80x128xi32, #tpu.memory_space<hbm>> -> memref<1x1x80x128xi32, #tpu.memory_space<hbm>>
      %dma_wait3A_60 = tpu.memref_squeeze %dma_wait3A_59 : memref<1x1x80x128xi32, #tpu.memory_space<hbm>> -> memref<80x128xi32, #tpu.memory_space<hbm>>
      tpu.wait_dma2 semaphore(%run_scoped3A_44 : memref<!tpu.dma_semaphore, #tpu.memory_space<semaphore_mem>>) src(%dma_wait3A_60 : memref<80x128xi32, #tpu.memory_space<hbm>>) dst(%arg7 : memref<80x128xi32, #tpu.memory_space<vmem>>)
      tpu.yield
    }) : () -> ()
    %mul3A_2 = arith.constant 632 : i32
    %mul3A_3 = arith.muli %arg1, %mul3A_2 : i32
    %mul3A_4 = arith.constant 632 : i32
    %mul3A_5 = arith.muli %arg1, %mul3A_4 : i32
    "tpu.region"() ({
      %run_scoped3A_44 = tpu.sem_alloc : memref<!tpu.dma_semaphore, #tpu.memory_space<semaphore_mem>>
      %dma_start3A_45 = arith.constant 0 : i32
      %dma_start3A_46 = tpu.memref_slice %arg10[%mul3A_5, %dma_start3A_45] : memref<10112x64xf32, #tpu.memory_space<vmem_shared>> -> memref<632x64xf32, #tpu.memory_space<vmem_shared>>
      %dma_start3A_47 = arith.constant 0 : i32
      %dma_start3A_48 = tpu.memref_slice %arg4[%mul3A_3, %dma_start3A_47] : memref<10112x64xf32, #tpu.memory_space<hbm>> -> memref<632x64xf32, #tpu.memory_space<hbm>>
      tpu.enqueue_dma source(%dma_start3A_48 : memref<632x64xf32, #tpu.memory_space<hbm>>) target(%dma_start3A_46 : memref<632x64xf32, #tpu.memory_space<vmem_shared>>) target_semaphore(%run_scoped3A_44 : memref<!tpu.dma_semaphore, #tpu.memory_space<semaphore_mem>>)
      %dma_wait3A_49 = arith.constant 0 : i32
      %dma_wait3A_50 = tpu.memref_slice %arg10[%mul3A_5, %dma_wait3A_49] : memref<10112x64xf32, #tpu.memory_space<vmem_shared>> -> memref<632x64xf32, #tpu.memory_space<vmem_shared>>
      %dma_wait3A_51 = arith.constant 0 : i32
      %dma_wait3A_52 = tpu.memref_slice %arg4[%mul3A_3, %dma_wait3A_51] : memref<10112x64xf32, #tpu.memory_space<hbm>> -> memref<632x64xf32, #tpu.memory_space<hbm>>
      tpu.wait_dma2 semaphore(%run_scoped3A_44 : memref<!tpu.dma_semaphore, #tpu.memory_space<semaphore_mem>>) src(%dma_wait3A_52 : memref<632x64xf32, #tpu.memory_space<hbm>>) dst(%dma_wait3A_50 : memref<632x64xf32, #tpu.memory_space<vmem_shared>>)
      tpu.yield
    }) : () -> ()
    %barrier3A = arith.constant 0 : index
    tpu.barrier barrier_id(%barrier3A)
    %dma_start3A = arith.constant 0 : i32
    %dma_start3A_6 = arith.constant 0 : i32
    %dma_start3A_7 = tpu.memref_slice %arg6[%dma_start3A, %dma_start3A_6] : memref<80x128xi32, #tpu.memory_space<vmem>> -> memref<1x128xi32, #tpu.memory_space<vmem>>
    %dma_start3A_8 = tpu.memref_squeeze %dma_start3A_7 : memref<1x128xi32, #tpu.memory_space<vmem>> -> memref<128xi32, #tpu.memory_space<vmem>>
    %dma_start3A_9 = arith.constant 0 : i32
    %dma_start3A_10 = arith.constant 0 : i32
    %dma_start3A_11 = tpu.memref_slice %arg2[%dma_start3A_9, %dma_start3A_10] : memref<10000x64xf32, #tpu.memory_space<hbm>> -> memref<10000x64xf32, #tpu.memory_space<hbm>>
    tpu.enqueue_indirect_dma source(%dma_start3A_11 : memref<10000x64xf32, #tpu.memory_space<hbm>>) target(%arg8 : memref<128x64xf32, #tpu.memory_space<vmem>>) offsets(%dma_start3A_8 : memref<128xi32, #tpu.memory_space<vmem>>) semaphore(%arg11 : memref<!tpu.dma_semaphore, #tpu.memory_space<semaphore_mem>>)
    %scan3A = arith.constant 0 : i32
    %scan3A_12 = arith.constant 0 : i32
    %scan3A_13 = arith.constant 39 : i32
    %scan3A_14 = arith.addi %scan3A_12, %scan3A_13 : i32
    %scan3A_15 = arith.constant 1 : i32
    scf.for %scan3A_44 = %scan3A_12 to %scan3A_14 step %scan3A_15  : i32 {
      %mul3A_45 = arith.constant 2 : i32
      %mul3A_46 = arith.muli %mul3A_45, %scan3A_44 : i32
      %add3A_47 = arith.constant 1 : i32
      %add3A_48 = arith.addi %mul3A_46, %add3A_47 : i32
      %add3A_49 = arith.constant 2 : i32
      %add3A_50 = arith.addi %mul3A_46, %add3A_49 : i32
      %dma_start3A_51 = arith.constant 0 : i32
      %dma_start3A_52 = tpu.memref_slice %arg6[%add3A_48, %dma_start3A_51] : memref<80x128xi32, #tpu.memory_space<vmem>> -> memref<1x128xi32, #tpu.memory_space<vmem>>
      %dma_start3A_53 = tpu.memref_squeeze %dma_start3A_52 : memref<1x128xi32, #tpu.memory_space<vmem>> -> memref<128xi32, #tpu.memory_space<vmem>>
      %dma_start3A_54 = arith.constant 0 : i32
      %dma_start3A_55 = arith.constant 0 : i32
      %dma_start3A_56 = tpu.memref_slice %arg2[%dma_start3A_54, %dma_start3A_55] : memref<10000x64xf32, #tpu.memory_space<hbm>> -> memref<10000x64xf32, #tpu.memory_space<hbm>>
      tpu.enqueue_indirect_dma source(%dma_start3A_56 : memref<10000x64xf32, #tpu.memory_space<hbm>>) target(%arg9 : memref<128x64xf32, #tpu.memory_space<vmem>>) offsets(%dma_start3A_53 : memref<128xi32, #tpu.memory_space<vmem>>) semaphore(%arg12 : memref<!tpu.dma_semaphore, #tpu.memory_space<semaphore_mem>>)
      %dma_wait3A_57 = arith.constant 0 : i32
      %dma_wait3A_58 = tpu.memref_slice %arg6[%mul3A_46, %dma_wait3A_57] : memref<80x128xi32, #tpu.memory_space<vmem>> -> memref<1x128xi32, #tpu.memory_space<vmem>>
      %dma_wait3A_59 = tpu.memref_squeeze %dma_wait3A_58 : memref<1x128xi32, #tpu.memory_space<vmem>> -> memref<128xi32, #tpu.memory_space<vmem>>
      %dma_wait3A_60 = arith.constant 0 : i32
      %dma_wait3A_61 = arith.constant 0 : i32
      %dma_wait3A_62 = tpu.memref_slice %arg2[%dma_wait3A_60, %dma_wait3A_61] : memref<10000x64xf32, #tpu.memory_space<hbm>> -> memref<10000x64xf32, #tpu.memory_space<hbm>>
      tpu.wait_indirect_dma semaphore(%arg11 : memref<!tpu.dma_semaphore, #tpu.memory_space<semaphore_mem>>) src(%dma_wait3A_62 : memref<10000x64xf32, #tpu.memory_space<hbm>>) dst(%arg8 : memref<128x64xf32, #tpu.memory_space<vmem>>)
      "tpu.region"() ({
        %run_scoped3A_75 = tpu.sem_alloc : memref<!tpu.dma_semaphore, #tpu.memory_space<semaphore_mem>>
        %dma_start3A_76 = arith.constant 0 : i32
        %dma_start3A_77 = tpu.memref_slice %arg7[%mul3A_46, %dma_start3A_76] : memref<80x128xi32, #tpu.memory_space<vmem>> -> memref<1x128xi32, #tpu.memory_space<vmem>>
        %dma_start3A_78 = tpu.memref_squeeze %dma_start3A_77 : memref<1x128xi32, #tpu.memory_space<vmem>> -> memref<128xi32, #tpu.memory_space<vmem>>
        %dma_start3A_79 = arith.constant 0 : i32
        %dma_start3A_80 = arith.constant 0 : i32
        %dma_start3A_81 = tpu.memref_slice %arg10[%dma_start3A_79, %dma_start3A_80] : memref<10112x64xf32, #tpu.memory_space<vmem_shared>> -> memref<10112x64xf32, #tpu.memory_space<vmem_shared>>
        tpu.enqueue_indirect_dma source(%arg8 : memref<128x64xf32, #tpu.memory_space<vmem>>) target(%dma_start3A_81 : memref<10112x64xf32, #tpu.memory_space<vmem_shared>>) offsets(%dma_start3A_78 : memref<128xi32, #tpu.memory_space<vmem>>) semaphore(%run_scoped3A_75 : memref<!tpu.dma_semaphore, #tpu.memory_space<semaphore_mem>>) {add = true}
        %dma_wait3A_82 = arith.constant 0 : i32
        %dma_wait3A_83 = tpu.memref_slice %arg7[%mul3A_46, %dma_wait3A_82] : memref<80x128xi32, #tpu.memory_space<vmem>> -> memref<1x128xi32, #tpu.memory_space<vmem>>
        %dma_wait3A_84 = tpu.memref_squeeze %dma_wait3A_83 : memref<1x128xi32, #tpu.memory_space<vmem>> -> memref<128xi32, #tpu.memory_space<vmem>>
        %dma_wait3A_85 = arith.constant 0 : i32
        %dma_wait3A_86 = arith.constant 0 : i32
        %dma_wait3A_87 = tpu.memref_slice %arg10[%dma_wait3A_85, %dma_wait3A_86] : memref<10112x64xf32, #tpu.memory_space<vmem_shared>> -> memref<10112x64xf32, #tpu.memory_space<vmem_shared>>
        tpu.wait_indirect_dma semaphore(%run_scoped3A_75 : memref<!tpu.dma_semaphore, #tpu.memory_space<semaphore_mem>>) src(%arg8 : memref<128x64xf32, #tpu.memory_space<vmem>>) dst(%dma_wait3A_87 : memref<10112x64xf32, #tpu.memory_space<vmem_shared>>)
        tpu.yield
      }) : () -> ()
      %dma_start3A_63 = arith.constant 0 : i32
      %dma_start3A_64 = tpu.memref_slice %arg6[%add3A_50, %dma_start3A_63] : memref<80x128xi32, #tpu.memory_space<vmem>> -> memref<1x128xi32, #tpu.memory_space<vmem>>
      %dma_start3A_65 = tpu.memref_squeeze %dma_start3A_64 : memref<1x128xi32, #tpu.memory_space<vmem>> -> memref<128xi32, #tpu.memory_space<vmem>>
      %dma_start3A_66 = arith.constant 0 : i32
      %dma_start3A_67 = arith.constant 0 : i32
      %dma_start3A_68 = tpu.memref_slice %arg2[%dma_start3A_66, %dma_start3A_67] : memref<10000x64xf32, #tpu.memory_space<hbm>> -> memref<10000x64xf32, #tpu.memory_space<hbm>>
      tpu.enqueue_indirect_dma source(%dma_start3A_68 : memref<10000x64xf32, #tpu.memory_space<hbm>>) target(%arg8 : memref<128x64xf32, #tpu.memory_space<vmem>>) offsets(%dma_start3A_65 : memref<128xi32, #tpu.memory_space<vmem>>) semaphore(%arg11 : memref<!tpu.dma_semaphore, #tpu.memory_space<semaphore_mem>>)
      %dma_wait3A_69 = arith.constant 0 : i32
      %dma_wait3A_70 = tpu.memref_slice %arg6[%add3A_48, %dma_wait3A_69] : memref<80x128xi32, #tpu.memory_space<vmem>> -> memref<1x128xi32, #tpu.memory_space<vmem>>
      %dma_wait3A_71 = tpu.memref_squeeze %dma_wait3A_70 : memref<1x128xi32, #tpu.memory_space<vmem>> -> memref<128xi32, #tpu.memory_space<vmem>>
      %dma_wait3A_72 = arith.constant 0 : i32
      %dma_wait3A_73 = arith.constant 0 : i32
      %dma_wait3A_74 = tpu.memref_slice %arg2[%dma_wait3A_72, %dma_wait3A_73] : memref<10000x64xf32, #tpu.memory_space<hbm>> -> memref<10000x64xf32, #tpu.memory_space<hbm>>
      tpu.wait_indirect_dma semaphore(%arg12 : memref<!tpu.dma_semaphore, #tpu.memory_space<semaphore_mem>>) src(%dma_wait3A_74 : memref<10000x64xf32, #tpu.memory_space<hbm>>) dst(%arg9 : memref<128x64xf32, #tpu.memory_space<vmem>>)
      "tpu.region"() ({
        %run_scoped3A_75 = tpu.sem_alloc : memref<!tpu.dma_semaphore, #tpu.memory_space<semaphore_mem>>
        %dma_start3A_76 = arith.constant 0 : i32
        %dma_start3A_77 = tpu.memref_slice %arg7[%add3A_48, %dma_start3A_76] : memref<80x128xi32, #tpu.memory_space<vmem>> -> memref<1x128xi32, #tpu.memory_space<vmem>>
        %dma_start3A_78 = tpu.memref_squeeze %dma_start3A_77 : memref<1x128xi32, #tpu.memory_space<vmem>> -> memref<128xi32, #tpu.memory_space<vmem>>
        %dma_start3A_79 = arith.constant 0 : i32
        %dma_start3A_80 = arith.constant 0 : i32
        %dma_start3A_81 = tpu.memref_slice %arg10[%dma_start3A_79, %dma_start3A_80] : memref<10112x64xf32, #tpu.memory_space<vmem_shared>> -> memref<10112x64xf32, #tpu.memory_space<vmem_shared>>
        tpu.enqueue_indirect_dma source(%arg9 : memref<128x64xf32, #tpu.memory_space<vmem>>) target(%dma_start3A_81 : memref<10112x64xf32, #tpu.memory_space<vmem_shared>>) offsets(%dma_start3A_78 : memref<128xi32, #tpu.memory_space<vmem>>) semaphore(%run_scoped3A_75 : memref<!tpu.dma_semaphore, #tpu.memory_space<semaphore_mem>>) {add = true}
        %dma_wait3A_82 = arith.constant 0 : i32
        %dma_wait3A_83 = tpu.memref_slice %arg7[%add3A_48, %dma_wait3A_82] : memref<80x128xi32, #tpu.memory_space<vmem>> -> memref<1x128xi32, #tpu.memory_space<vmem>>
        %dma_wait3A_84 = tpu.memref_squeeze %dma_wait3A_83 : memref<1x128xi32, #tpu.memory_space<vmem>> -> memref<128xi32, #tpu.memory_space<vmem>>
        %dma_wait3A_85 = arith.constant 0 : i32
        %dma_wait3A_86 = arith.constant 0 : i32
        %dma_wait3A_87 = tpu.memref_slice %arg10[%dma_wait3A_85, %dma_wait3A_86] : memref<10112x64xf32, #tpu.memory_space<vmem_shared>> -> memref<10112x64xf32, #tpu.memory_space<vmem_shared>>
        tpu.wait_indirect_dma semaphore(%run_scoped3A_75 : memref<!tpu.dma_semaphore, #tpu.memory_space<semaphore_mem>>) src(%arg9 : memref<128x64xf32, #tpu.memory_space<vmem>>) dst(%dma_wait3A_87 : memref<10112x64xf32, #tpu.memory_space<vmem_shared>>)
        tpu.yield
      }) : () -> ()
    }
    %scan3A_16 = arith.constant 39 : i32
    %dma_start3A_17 = arith.constant 79 : i32
    %dma_start3A_18 = arith.constant 0 : i32
    %dma_start3A_19 = tpu.memref_slice %arg6[%dma_start3A_17, %dma_start3A_18] : memref<80x128xi32, #tpu.memory_space<vmem>> -> memref<1x128xi32, #tpu.memory_space<vmem>>
    %dma_start3A_20 = tpu.memref_squeeze %dma_start3A_19 : memref<1x128xi32, #tpu.memory_space<vmem>> -> memref<128xi32, #tpu.memory_space<vmem>>
    %dma_start3A_21 = arith.constant 0 : i32
    %dma_start3A_22 = arith.constant 0 : i32
    %dma_start3A_23 = tpu.memref_slice %arg2[%dma_start3A_21, %dma_start3A_22] : memref<10000x64xf32, #tpu.memory_space<hbm>> -> memref<10000x64xf32, #tpu.memory_space<hbm>>
    tpu.enqueue_indirect_dma source(%dma_start3A_23 : memref<10000x64xf32, #tpu.memory_space<hbm>>) target(%arg9 : memref<128x64xf32, #tpu.memory_space<vmem>>) offsets(%dma_start3A_20 : memref<128xi32, #tpu.memory_space<vmem>>) semaphore(%arg12 : memref<!tpu.dma_semaphore, #tpu.memory_space<semaphore_mem>>)
    %dma_wait3A = arith.constant 78 : i32
    %dma_wait3A_24 = arith.constant 0 : i32
    %dma_wait3A_25 = tpu.memref_slice %arg6[%dma_wait3A, %dma_wait3A_24] : memref<80x128xi32, #tpu.memory_space<vmem>> -> memref<1x128xi32, #tpu.memory_space<vmem>>
    %dma_wait3A_26 = tpu.memref_squeeze %dma_wait3A_25 : memref<1x128xi32, #tpu.memory_space<vmem>> -> memref<128xi32, #tpu.memory_space<vmem>>
    %dma_wait3A_27 = arith.constant 0 : i32
    %dma_wait3A_28 = arith.constant 0 : i32
    %dma_wait3A_29 = tpu.memref_slice %arg2[%dma_wait3A_27, %dma_wait3A_28] : memref<10000x64xf32, #tpu.memory_space<hbm>> -> memref<10000x64xf32, #tpu.memory_space<hbm>>
    tpu.wait_indirect_dma semaphore(%arg11 : memref<!tpu.dma_semaphore, #tpu.memory_space<semaphore_mem>>) src(%dma_wait3A_29 : memref<10000x64xf32, #tpu.memory_space<hbm>>) dst(%arg8 : memref<128x64xf32, #tpu.memory_space<vmem>>)
    %run_scoped3A_30 = arith.constant 78 : i32
    "tpu.region"() ({
      %run_scoped3A_44 = tpu.sem_alloc : memref<!tpu.dma_semaphore, #tpu.memory_space<semaphore_mem>>
      %dma_start3A_45 = arith.constant 0 : i32
      %dma_start3A_46 = tpu.memref_slice %arg7[%run_scoped3A_30, %dma_start3A_45] : memref<80x128xi32, #tpu.memory_space<vmem>> -> memref<1x128xi32, #tpu.memory_space<vmem>>
      %dma_start3A_47 = tpu.memref_squeeze %dma_start3A_46 : memref<1x128xi32, #tpu.memory_space<vmem>> -> memref<128xi32, #tpu.memory_space<vmem>>
      %dma_start3A_48 = arith.constant 0 : i32
      %dma_start3A_49 = arith.constant 0 : i32
      %dma_start3A_50 = tpu.memref_slice %arg10[%dma_start3A_48, %dma_start3A_49] : memref<10112x64xf32, #tpu.memory_space<vmem_shared>> -> memref<10112x64xf32, #tpu.memory_space<vmem_shared>>
      tpu.enqueue_indirect_dma source(%arg8 : memref<128x64xf32, #tpu.memory_space<vmem>>) target(%dma_start3A_50 : memref<10112x64xf32, #tpu.memory_space<vmem_shared>>) offsets(%dma_start3A_47 : memref<128xi32, #tpu.memory_space<vmem>>) semaphore(%run_scoped3A_44 : memref<!tpu.dma_semaphore, #tpu.memory_space<semaphore_mem>>) {add = true}
      %dma_wait3A_51 = arith.constant 0 : i32
      %dma_wait3A_52 = tpu.memref_slice %arg7[%run_scoped3A_30, %dma_wait3A_51] : memref<80x128xi32, #tpu.memory_space<vmem>> -> memref<1x128xi32, #tpu.memory_space<vmem>>
      %dma_wait3A_53 = tpu.memref_squeeze %dma_wait3A_52 : memref<1x128xi32, #tpu.memory_space<vmem>> -> memref<128xi32, #tpu.memory_space<vmem>>
      %dma_wait3A_54 = arith.constant 0 : i32
      %dma_wait3A_55 = arith.constant 0 : i32
      %dma_wait3A_56 = tpu.memref_slice %arg10[%dma_wait3A_54, %dma_wait3A_55] : memref<10112x64xf32, #tpu.memory_space<vmem_shared>> -> memref<10112x64xf32, #tpu.memory_space<vmem_shared>>
      tpu.wait_indirect_dma semaphore(%run_scoped3A_44 : memref<!tpu.dma_semaphore, #tpu.memory_space<semaphore_mem>>) src(%arg8 : memref<128x64xf32, #tpu.memory_space<vmem>>) dst(%dma_wait3A_56 : memref<10112x64xf32, #tpu.memory_space<vmem_shared>>)
      tpu.yield
    }) : () -> ()
    %dma_wait3A_31 = arith.constant 79 : i32
    %dma_wait3A_32 = arith.constant 0 : i32
    %dma_wait3A_33 = tpu.memref_slice %arg6[%dma_wait3A_31, %dma_wait3A_32] : memref<80x128xi32, #tpu.memory_space<vmem>> -> memref<1x128xi32, #tpu.memory_space<vmem>>
    %dma_wait3A_34 = tpu.memref_squeeze %dma_wait3A_33 : memref<1x128xi32, #tpu.memory_space<vmem>> -> memref<128xi32, #tpu.memory_space<vmem>>
    %dma_wait3A_35 = arith.constant 0 : i32
    %dma_wait3A_36 = arith.constant 0 : i32
    %dma_wait3A_37 = tpu.memref_slice %arg2[%dma_wait3A_35, %dma_wait3A_36] : memref<10000x64xf32, #tpu.memory_space<hbm>> -> memref<10000x64xf32, #tpu.memory_space<hbm>>
    tpu.wait_indirect_dma semaphore(%arg12 : memref<!tpu.dma_semaphore, #tpu.memory_space<semaphore_mem>>) src(%dma_wait3A_37 : memref<10000x64xf32, #tpu.memory_space<hbm>>) dst(%arg9 : memref<128x64xf32, #tpu.memory_space<vmem>>)
    %run_scoped3A_38 = arith.constant 79 : i32
    "tpu.region"() ({
      %run_scoped3A_44 = tpu.sem_alloc : memref<!tpu.dma_semaphore, #tpu.memory_space<semaphore_mem>>
      %dma_start3A_45 = arith.constant 0 : i32
      %dma_start3A_46 = tpu.memref_slice %arg7[%run_scoped3A_38, %dma_start3A_45] : memref<80x128xi32, #tpu.memory_space<vmem>> -> memref<1x128xi32, #tpu.memory_space<vmem>>
      %dma_start3A_47 = tpu.memref_squeeze %dma_start3A_46 : memref<1x128xi32, #tpu.memory_space<vmem>> -> memref<128xi32, #tpu.memory_space<vmem>>
      %dma_start3A_48 = arith.constant 0 : i32
      %dma_start3A_49 = arith.constant 0 : i32
      %dma_start3A_50 = tpu.memref_slice %arg10[%dma_start3A_48, %dma_start3A_49] : memref<10112x64xf32, #tpu.memory_space<vmem_shared>> -> memref<10112x64xf32, #tpu.memory_space<vmem_shared>>
      tpu.enqueue_indirect_dma source(%arg9 : memref<128x64xf32, #tpu.memory_space<vmem>>) target(%dma_start3A_50 : memref<10112x64xf32, #tpu.memory_space<vmem_shared>>) offsets(%dma_start3A_47 : memref<128xi32, #tpu.memory_space<vmem>>) semaphore(%run_scoped3A_44 : memref<!tpu.dma_semaphore, #tpu.memory_space<semaphore_mem>>) {add = true}
      %dma_wait3A_51 = arith.constant 0 : i32
      %dma_wait3A_52 = tpu.memref_slice %arg7[%run_scoped3A_38, %dma_wait3A_51] : memref<80x128xi32, #tpu.memory_space<vmem>> -> memref<1x128xi32, #tpu.memory_space<vmem>>
      %dma_wait3A_53 = tpu.memref_squeeze %dma_wait3A_52 : memref<1x128xi32, #tpu.memory_space<vmem>> -> memref<128xi32, #tpu.memory_space<vmem>>
      %dma_wait3A_54 = arith.constant 0 : i32
      %dma_wait3A_55 = arith.constant 0 : i32
      %dma_wait3A_56 = tpu.memref_slice %arg10[%dma_wait3A_54, %dma_wait3A_55] : memref<10112x64xf32, #tpu.memory_space<vmem_shared>> -> memref<10112x64xf32, #tpu.memory_space<vmem_shared>>
      tpu.wait_indirect_dma semaphore(%run_scoped3A_44 : memref<!tpu.dma_semaphore, #tpu.memory_space<semaphore_mem>>) src(%arg9 : memref<128x64xf32, #tpu.memory_space<vmem>>) dst(%dma_wait3A_56 : memref<10112x64xf32, #tpu.memory_space<vmem_shared>>)
      tpu.yield
    }) : () -> ()
    %barrier3A_39 = arith.constant 0 : index
    tpu.barrier barrier_id(%barrier3A_39)
    %mul3A_40 = arith.constant 632 : i32
    %mul3A_41 = arith.muli %arg1, %mul3A_40 : i32
    %mul3A_42 = arith.constant 632 : i32
    %mul3A_43 = arith.muli %arg1, %mul3A_42 : i32
    "tpu.region"() ({
      %run_scoped3A_44 = tpu.sem_alloc : memref<!tpu.dma_semaphore, #tpu.memory_space<semaphore_mem>>
      %dma_start3A_45 = arith.constant 0 : i32
      %dma_start3A_46 = tpu.memref_slice %arg5[%arg0, %mul3A_43, %dma_start3A_45] : memref<2x10112x64xf32, #tpu.memory_space<hbm>> -> memref<1x632x64xf32, #tpu.memory_space<hbm>>
      %dma_start3A_47 = tpu.memref_squeeze %dma_start3A_46 : memref<1x632x64xf32, #tpu.memory_space<hbm>> -> memref<632x64xf32, #tpu.memory_space<hbm>>
      %dma_start3A_48 = arith.constant 0 : i32
      %dma_start3A_49 = tpu.memref_slice %arg10[%mul3A_41, %dma_start3A_48] : memref<10112x64xf32, #tpu.memory_space<vmem_shared>> -> memref<632x64xf32, #tpu.memory_space<vmem_shared>>
      tpu.enqueue_dma source(%dma_start3A_49 : memref<632x64xf32, #tpu.memory_space<vmem_shared>>) target(%dma_start3A_47 : memref<632x64xf32, #tpu.memory_space<hbm>>) target_semaphore(%run_scoped3A_44 : memref<!tpu.dma_semaphore, #tpu.memory_space<semaphore_mem>>)
      %dma_wait3A_50 = arith.constant 0 : i32
      %dma_wait3A_51 = tpu.memref_slice %arg5[%arg0, %mul3A_43, %dma_wait3A_50] : memref<2x10112x64xf32, #tpu.memory_space<hbm>> -> memref<1x632x64xf32, #tpu.memory_space<hbm>>
      %dma_wait3A_52 = tpu.memref_squeeze %dma_wait3A_51 : memref<1x632x64xf32, #tpu.memory_space<hbm>> -> memref<632x64xf32, #tpu.memory_space<hbm>>
      %dma_wait3A_53 = arith.constant 0 : i32
      %dma_wait3A_54 = tpu.memref_slice %arg10[%mul3A_41, %dma_wait3A_53] : memref<10112x64xf32, #tpu.memory_space<vmem_shared>> -> memref<632x64xf32, #tpu.memory_space<vmem_shared>>
      tpu.wait_dma2 semaphore(%run_scoped3A_44 : memref<!tpu.dma_semaphore, #tpu.memory_space<semaphore_mem>>) src(%dma_wait3A_54 : memref<632x64xf32, #tpu.memory_space<vmem_shared>>) dst(%dma_wait3A_52 : memref<632x64xf32, #tpu.memory_space<hbm>>)
      tpu.yield
    }) : () -> ()
    return
  }
}

#map = affine_map<(d0, d1) -> (0, 0, 0, 0)>
#map1 = affine_map<(d0, d1) -> (0, 0)>
#map2 = affine_map<(d0, d1) -> (0, 0, 0)>
module attributes {stable_mosaic.version = 14 : i64} {
  func.func @_deg_body(%arg0: i32, %arg1: i32, %arg2: memref<2x32x80x128xi32, #tpu.memory_space<hbm>>, %arg3: memref<128x8xf32, #tpu.memory_space<hbm>>, %arg4: memref<10112x8xf32, #tpu.memory_space<hbm>>, %arg5: memref<2x10112x8xf32, #tpu.memory_space<hbm>>, %arg6: memref<80x128xi32, #tpu.memory_space<vmem>>, %arg7: memref<128x8xf32, #tpu.memory_space<vmem>>, %arg8: memref<10112x8xf32, #tpu.memory_space<vmem_shared>>) attributes {dimension_semantics = [#tpu.dimension_semantics<core_parallel>, #tpu.dimension_semantics<subcore_parallel>], iteration_bounds = array<i64: 2, 16>, scalar_prefetch = 0 : i64, scratch_operands = 3 : i64, tpu.core_type = #tpu.core_type<sc_vector_subcore>, window_params = [{transform_indices = #map}, {transform_indices = #map1}, {transform_indices = #map1}, {transform_indices = #map2}]} {
    %mul3A = arith.constant 16 : i32
    %mul3A_0 = arith.muli %arg0, %mul3A : i32
    %add3A = arith.addi %mul3A_0, %arg1 : i32
    %run_scoped3A = arith.constant 1 : i32
    "tpu.region"() ({
      %run_scoped3A_15 = tpu.sem_alloc : memref<!tpu.dma_semaphore, #tpu.memory_space<semaphore_mem>>
      %dma_start3A = arith.constant 0 : i32
      %dma_start3A_16 = arith.constant 0 : i32
      %dma_start3A_17 = tpu.memref_slice %arg2[%run_scoped3A, %add3A, %dma_start3A, %dma_start3A_16] : memref<2x32x80x128xi32, #tpu.memory_space<hbm>> -> memref<1x1x80x128xi32, #tpu.memory_space<hbm>>
      %dma_start3A_18 = tpu.memref_squeeze %dma_start3A_17 : memref<1x1x80x128xi32, #tpu.memory_space<hbm>> -> memref<80x128xi32, #tpu.memory_space<hbm>>
      %dma_start3A_19 = arith.constant 0 : i32
      %dma_start3A_20 = arith.constant 0 : i32
      %dma_start3A_21 = tpu.memref_slice %arg2[%run_scoped3A, %add3A, %dma_start3A_19, %dma_start3A_20] : memref<2x32x80x128xi32, #tpu.memory_space<hbm>> -> memref<1x1x80x128xi32, #tpu.memory_space<hbm>>
      %dma_start3A_22 = tpu.memref_squeeze %dma_start3A_21 : memref<1x1x80x128xi32, #tpu.memory_space<hbm>> -> memref<80x128xi32, #tpu.memory_space<hbm>>
      tpu.enqueue_dma source(%dma_start3A_22 : memref<80x128xi32, #tpu.memory_space<hbm>>) target(%arg6 : memref<80x128xi32, #tpu.memory_space<vmem>>) target_semaphore(%run_scoped3A_15 : memref<!tpu.dma_semaphore, #tpu.memory_space<semaphore_mem>>)
      %dma_wait3A = arith.constant 0 : i32
      %dma_wait3A_23 = arith.constant 0 : i32
      %dma_wait3A_24 = tpu.memref_slice %arg2[%run_scoped3A, %add3A, %dma_wait3A, %dma_wait3A_23] : memref<2x32x80x128xi32, #tpu.memory_space<hbm>> -> memref<1x1x80x128xi32, #tpu.memory_space<hbm>>
      %dma_wait3A_25 = tpu.memref_squeeze %dma_wait3A_24 : memref<1x1x80x128xi32, #tpu.memory_space<hbm>> -> memref<80x128xi32, #tpu.memory_space<hbm>>
      %dma_wait3A_26 = arith.constant 0 : i32
      %dma_wait3A_27 = arith.constant 0 : i32
      %dma_wait3A_28 = tpu.memref_slice %arg2[%run_scoped3A, %add3A, %dma_wait3A_26, %dma_wait3A_27] : memref<2x32x80x128xi32, #tpu.memory_space<hbm>> -> memref<1x1x80x128xi32, #tpu.memory_space<hbm>>
      %dma_wait3A_29 = tpu.memref_squeeze %dma_wait3A_28 : memref<1x1x80x128xi32, #tpu.memory_space<hbm>> -> memref<80x128xi32, #tpu.memory_space<hbm>>
      tpu.wait_dma2 semaphore(%run_scoped3A_15 : memref<!tpu.dma_semaphore, #tpu.memory_space<semaphore_mem>>) src(%dma_wait3A_29 : memref<80x128xi32, #tpu.memory_space<hbm>>) dst(%arg6 : memref<80x128xi32, #tpu.memory_space<vmem>>)
      tpu.yield
    }) : () -> ()
    "tpu.region"() ({
      %run_scoped3A_15 = tpu.sem_alloc : memref<!tpu.dma_semaphore, #tpu.memory_space<semaphore_mem>>
      tpu.enqueue_dma source(%arg3 : memref<128x8xf32, #tpu.memory_space<hbm>>) target(%arg7 : memref<128x8xf32, #tpu.memory_space<vmem>>) target_semaphore(%run_scoped3A_15 : memref<!tpu.dma_semaphore, #tpu.memory_space<semaphore_mem>>)
      tpu.wait_dma2 semaphore(%run_scoped3A_15 : memref<!tpu.dma_semaphore, #tpu.memory_space<semaphore_mem>>) src(%arg3 : memref<128x8xf32, #tpu.memory_space<hbm>>) dst(%arg7 : memref<128x8xf32, #tpu.memory_space<vmem>>)
      tpu.yield
    }) : () -> ()
    %mul3A_1 = arith.constant 632 : i32
    %mul3A_2 = arith.muli %arg1, %mul3A_1 : i32
    %mul3A_3 = arith.constant 632 : i32
    %mul3A_4 = arith.muli %arg1, %mul3A_3 : i32
    "tpu.region"() ({
      %run_scoped3A_15 = tpu.sem_alloc : memref<!tpu.dma_semaphore, #tpu.memory_space<semaphore_mem>>
      %dma_start3A = arith.constant 0 : i32
      %dma_start3A_16 = tpu.memref_slice %arg8[%mul3A_4, %dma_start3A] : memref<10112x8xf32, #tpu.memory_space<vmem_shared>> -> memref<632x8xf32, #tpu.memory_space<vmem_shared>>
      %dma_start3A_17 = arith.constant 0 : i32
      %dma_start3A_18 = tpu.memref_slice %arg4[%mul3A_2, %dma_start3A_17] : memref<10112x8xf32, #tpu.memory_space<hbm>> -> memref<632x8xf32, #tpu.memory_space<hbm>>
      tpu.enqueue_dma source(%dma_start3A_18 : memref<632x8xf32, #tpu.memory_space<hbm>>) target(%dma_start3A_16 : memref<632x8xf32, #tpu.memory_space<vmem_shared>>) target_semaphore(%run_scoped3A_15 : memref<!tpu.dma_semaphore, #tpu.memory_space<semaphore_mem>>)
      %dma_wait3A = arith.constant 0 : i32
      %dma_wait3A_19 = tpu.memref_slice %arg8[%mul3A_4, %dma_wait3A] : memref<10112x8xf32, #tpu.memory_space<vmem_shared>> -> memref<632x8xf32, #tpu.memory_space<vmem_shared>>
      %dma_wait3A_20 = arith.constant 0 : i32
      %dma_wait3A_21 = tpu.memref_slice %arg4[%mul3A_2, %dma_wait3A_20] : memref<10112x8xf32, #tpu.memory_space<hbm>> -> memref<632x8xf32, #tpu.memory_space<hbm>>
      tpu.wait_dma2 semaphore(%run_scoped3A_15 : memref<!tpu.dma_semaphore, #tpu.memory_space<semaphore_mem>>) src(%dma_wait3A_21 : memref<632x8xf32, #tpu.memory_space<hbm>>) dst(%dma_wait3A_19 : memref<632x8xf32, #tpu.memory_space<vmem_shared>>)
      tpu.yield
    }) : () -> ()
    %barrier3A = arith.constant 0 : index
    tpu.barrier barrier_id(%barrier3A)
    %scan3A = arith.constant 0 : i32
    %scan3A_5 = arith.constant 0 : i32
    %scan3A_6 = arith.constant 80 : i32
    %scan3A_7 = arith.addi %scan3A_5, %scan3A_6 : i32
    %scan3A_8 = arith.constant 1 : i32
    scf.for %scan3A_15 = %scan3A_5 to %scan3A_7 step %scan3A_8  : i32 {
      "tpu.region"() ({
        %run_scoped3A_16 = tpu.sem_alloc : memref<!tpu.dma_semaphore, #tpu.memory_space<semaphore_mem>>
        %dma_start3A = arith.constant 0 : i32
        %dma_start3A_17 = tpu.memref_slice %arg6[%scan3A_15, %dma_start3A] : memref<80x128xi32, #tpu.memory_space<vmem>> -> memref<1x128xi32, #tpu.memory_space<vmem>>
        %dma_start3A_18 = tpu.memref_squeeze %dma_start3A_17 : memref<1x128xi32, #tpu.memory_space<vmem>> -> memref<128xi32, #tpu.memory_space<vmem>>
        %dma_start3A_19 = arith.constant 0 : i32
        %dma_start3A_20 = arith.constant 0 : i32
        %dma_start3A_21 = tpu.memref_slice %arg8[%dma_start3A_19, %dma_start3A_20] : memref<10112x8xf32, #tpu.memory_space<vmem_shared>> -> memref<10112x8xf32, #tpu.memory_space<vmem_shared>>
        tpu.enqueue_indirect_dma source(%arg7 : memref<128x8xf32, #tpu.memory_space<vmem>>) target(%dma_start3A_21 : memref<10112x8xf32, #tpu.memory_space<vmem_shared>>) offsets(%dma_start3A_18 : memref<128xi32, #tpu.memory_space<vmem>>) semaphore(%run_scoped3A_16 : memref<!tpu.dma_semaphore, #tpu.memory_space<semaphore_mem>>) {add = true}
        %dma_wait3A = arith.constant 0 : i32
        %dma_wait3A_22 = tpu.memref_slice %arg6[%scan3A_15, %dma_wait3A] : memref<80x128xi32, #tpu.memory_space<vmem>> -> memref<1x128xi32, #tpu.memory_space<vmem>>
        %dma_wait3A_23 = tpu.memref_squeeze %dma_wait3A_22 : memref<1x128xi32, #tpu.memory_space<vmem>> -> memref<128xi32, #tpu.memory_space<vmem>>
        %dma_wait3A_24 = arith.constant 0 : i32
        %dma_wait3A_25 = arith.constant 0 : i32
        %dma_wait3A_26 = tpu.memref_slice %arg8[%dma_wait3A_24, %dma_wait3A_25] : memref<10112x8xf32, #tpu.memory_space<vmem_shared>> -> memref<10112x8xf32, #tpu.memory_space<vmem_shared>>
        tpu.wait_indirect_dma semaphore(%run_scoped3A_16 : memref<!tpu.dma_semaphore, #tpu.memory_space<semaphore_mem>>) src(%arg7 : memref<128x8xf32, #tpu.memory_space<vmem>>) dst(%dma_wait3A_26 : memref<10112x8xf32, #tpu.memory_space<vmem_shared>>)
        tpu.yield
      }) : () -> ()
    }
    %scan3A_9 = arith.constant 80 : i32
    %barrier3A_10 = arith.constant 0 : index
    tpu.barrier barrier_id(%barrier3A_10)
    %mul3A_11 = arith.constant 632 : i32
    %mul3A_12 = arith.muli %arg1, %mul3A_11 : i32
    %mul3A_13 = arith.constant 632 : i32
    %mul3A_14 = arith.muli %arg1, %mul3A_13 : i32
    "tpu.region"() ({
      %run_scoped3A_15 = tpu.sem_alloc : memref<!tpu.dma_semaphore, #tpu.memory_space<semaphore_mem>>
      %dma_start3A = arith.constant 0 : i32
      %dma_start3A_16 = tpu.memref_slice %arg5[%arg0, %mul3A_14, %dma_start3A] : memref<2x10112x8xf32, #tpu.memory_space<hbm>> -> memref<1x632x8xf32, #tpu.memory_space<hbm>>
      %dma_start3A_17 = tpu.memref_squeeze %dma_start3A_16 : memref<1x632x8xf32, #tpu.memory_space<hbm>> -> memref<632x8xf32, #tpu.memory_space<hbm>>
      %dma_start3A_18 = arith.constant 0 : i32
      %dma_start3A_19 = tpu.memref_slice %arg8[%mul3A_12, %dma_start3A_18] : memref<10112x8xf32, #tpu.memory_space<vmem_shared>> -> memref<632x8xf32, #tpu.memory_space<vmem_shared>>
      tpu.enqueue_dma source(%dma_start3A_19 : memref<632x8xf32, #tpu.memory_space<vmem_shared>>) target(%dma_start3A_17 : memref<632x8xf32, #tpu.memory_space<hbm>>) target_semaphore(%run_scoped3A_15 : memref<!tpu.dma_semaphore, #tpu.memory_space<semaphore_mem>>)
      %dma_wait3A = arith.constant 0 : i32
      %dma_wait3A_20 = tpu.memref_slice %arg5[%arg0, %mul3A_14, %dma_wait3A] : memref<2x10112x8xf32, #tpu.memory_space<hbm>> -> memref<1x632x8xf32, #tpu.memory_space<hbm>>
      %dma_wait3A_21 = tpu.memref_squeeze %dma_wait3A_20 : memref<1x632x8xf32, #tpu.memory_space<hbm>> -> memref<632x8xf32, #tpu.memory_space<hbm>>
      %dma_wait3A_22 = arith.constant 0 : i32
      %dma_wait3A_23 = tpu.memref_slice %arg8[%mul3A_12, %dma_wait3A_22] : memref<10112x8xf32, #tpu.memory_space<vmem_shared>> -> memref<632x8xf32, #tpu.memory_space<vmem_shared>>
      tpu.wait_dma2 semaphore(%run_scoped3A_15 : memref<!tpu.dma_semaphore, #tpu.memory_space<semaphore_mem>>) src(%dma_wait3A_23 : memref<632x8xf32, #tpu.memory_space<vmem_shared>>) dst(%dma_wait3A_21 : memref<632x8xf32, #tpu.memory_space<hbm>>)
      tpu.yield
    }) : () -> ()
    return
  }
}

#map = affine_map<(d0, d1) -> (0, 0)>
#map1 = affine_map<(d0, d1) -> (0, 0, 0, 0)>
#map2 = affine_map<(d0, d1) -> (0, 0, 0)>
module attributes {stable_mosaic.version = 14 : i64} {
  func.func @_scatter_body(%arg0: i32, %arg1: i32, %arg2: memref<10000x64xf32, #tpu.memory_space<hbm>>, %arg3: memref<2x32x80x128xi32, #tpu.memory_space<hbm>>, %arg4: memref<10112x64xf32, #tpu.memory_space<hbm>>, %arg5: memref<2x10112x64xf32, #tpu.memory_space<hbm>>, %arg6: memref<80x128xi32, #tpu.memory_space<vmem>>, %arg7: memref<80x128xi32, #tpu.memory_space<vmem>>, %arg8: memref<128x64xf32, #tpu.memory_space<vmem>>, %arg9: memref<128x64xf32, #tpu.memory_space<vmem>>, %arg10: memref<10112x64xf32, #tpu.memory_space<vmem_shared>>, %arg11: memref<!tpu.dma_semaphore, #tpu.memory_space<semaphore_mem>>, %arg12: memref<!tpu.dma_semaphore, #tpu.memory_space<semaphore_mem>>) attributes {dimension_semantics = [#tpu.dimension_semantics<core_parallel>, #tpu.dimension_semantics<subcore_parallel>], iteration_bounds = array<i64: 2, 16>, scalar_prefetch = 0 : i64, scratch_operands = 7 : i64, tpu.core_type = #tpu.core_type<sc_vector_subcore>, window_params = [{transform_indices = #map}, {transform_indices = #map1}, {transform_indices = #map}, {transform_indices = #map2}]} {
    %mul3A = arith.constant 16 : i32
    %mul3A_0 = arith.muli %arg0, %mul3A : i32
    %add3A = arith.addi %mul3A_0, %arg1 : i32
    %run_scoped3A = arith.constant 0 : i32
    "tpu.region"() ({
      %run_scoped3A_44 = tpu.sem_alloc : memref<!tpu.dma_semaphore, #tpu.memory_space<semaphore_mem>>
      %dma_start3A_45 = arith.constant 0 : i32
      %dma_start3A_46 = arith.constant 0 : i32
      %dma_start3A_47 = tpu.memref_slice %arg3[%run_scoped3A, %add3A, %dma_start3A_45, %dma_start3A_46] : memref<2x32x80x128xi32, #tpu.memory_space<hbm>> -> memref<1x1x80x128xi32, #tpu.memory_space<hbm>>
      %dma_start3A_48 = tpu.memref_squeeze %dma_start3A_47 : memref<1x1x80x128xi32, #tpu.memory_space<hbm>> -> memref<80x128xi32, #tpu.memory_space<hbm>>
      %dma_start3A_49 = arith.constant 0 : i32
      %dma_start3A_50 = arith.constant 0 : i32
      %dma_start3A_51 = tpu.memref_slice %arg3[%run_scoped3A, %add3A, %dma_start3A_49, %dma_start3A_50] : memref<2x32x80x128xi32, #tpu.memory_space<hbm>> -> memref<1x1x80x128xi32, #tpu.memory_space<hbm>>
      %dma_start3A_52 = tpu.memref_squeeze %dma_start3A_51 : memref<1x1x80x128xi32, #tpu.memory_space<hbm>> -> memref<80x128xi32, #tpu.memory_space<hbm>>
      tpu.enqueue_dma source(%dma_start3A_52 : memref<80x128xi32, #tpu.memory_space<hbm>>) target(%arg6 : memref<80x128xi32, #tpu.memory_space<vmem>>) target_semaphore(%run_scoped3A_44 : memref<!tpu.dma_semaphore, #tpu.memory_space<semaphore_mem>>)
      %dma_wait3A_53 = arith.constant 0 : i32
      %dma_wait3A_54 = arith.constant 0 : i32
      %dma_wait3A_55 = tpu.memref_slice %arg3[%run_scoped3A, %add3A, %dma_wait3A_53, %dma_wait3A_54] : memref<2x32x80x128xi32, #tpu.memory_space<hbm>> -> memref<1x1x80x128xi32, #tpu.memory_space<hbm>>
      %dma_wait3A_56 = tpu.memref_squeeze %dma_wait3A_55 : memref<1x1x80x128xi32, #tpu.memory_space<hbm>> -> memref<80x128xi32, #tpu.memory_space<hbm>>
      %dma_wait3A_57 = arith.constant 0 : i32
      %dma_wait3A_58 = arith.constant 0 : i32
      %dma_wait3A_59 = tpu.memref_slice %arg3[%run_scoped3A, %add3A, %dma_wait3A_57, %dma_wait3A_58] : memref<2x32x80x128xi32, #tpu.memory_space<hbm>> -> memref<1x1x80x128xi32, #tpu.memory_space<hbm>>
      %dma_wait3A_60 = tpu.memref_squeeze %dma_wait3A_59 : memref<1x1x80x128xi32, #tpu.memory_space<hbm>> -> memref<80x128xi32, #tpu.memory_space<hbm>>
      tpu.wait_dma2 semaphore(%run_scoped3A_44 : memref<!tpu.dma_semaphore, #tpu.memory_space<semaphore_mem>>) src(%dma_wait3A_60 : memref<80x128xi32, #tpu.memory_space<hbm>>) dst(%arg6 : memref<80x128xi32, #tpu.memory_space<vmem>>)
      tpu.yield
    }) : () -> ()
    %run_scoped3A_1 = arith.constant 1 : i32
    "tpu.region"() ({
      %run_scoped3A_44 = tpu.sem_alloc : memref<!tpu.dma_semaphore, #tpu.memory_space<semaphore_mem>>
      %dma_start3A_45 = arith.constant 0 : i32
      %dma_start3A_46 = arith.constant 0 : i32
      %dma_start3A_47 = tpu.memref_slice %arg3[%run_scoped3A_1, %add3A, %dma_start3A_45, %dma_start3A_46] : memref<2x32x80x128xi32, #tpu.memory_space<hbm>> -> memref<1x1x80x128xi32, #tpu.memory_space<hbm>>
      %dma_start3A_48 = tpu.memref_squeeze %dma_start3A_47 : memref<1x1x80x128xi32, #tpu.memory_space<hbm>> -> memref<80x128xi32, #tpu.memory_space<hbm>>
      %dma_start3A_49 = arith.constant 0 : i32
      %dma_start3A_50 = arith.constant 0 : i32
      %dma_start3A_51 = tpu.memref_slice %arg3[%run_scoped3A_1, %add3A, %dma_start3A_49, %dma_start3A_50] : memref<2x32x80x128xi32, #tpu.memory_space<hbm>> -> memref<1x1x80x128xi32, #tpu.memory_space<hbm>>
      %dma_start3A_52 = tpu.memref_squeeze %dma_start3A_51 : memref<1x1x80x128xi32, #tpu.memory_space<hbm>> -> memref<80x128xi32, #tpu.memory_space<hbm>>
      tpu.enqueue_dma source(%dma_start3A_52 : memref<80x128xi32, #tpu.memory_space<hbm>>) target(%arg7 : memref<80x128xi32, #tpu.memory_space<vmem>>) target_semaphore(%run_scoped3A_44 : memref<!tpu.dma_semaphore, #tpu.memory_space<semaphore_mem>>)
      %dma_wait3A_53 = arith.constant 0 : i32
      %dma_wait3A_54 = arith.constant 0 : i32
      %dma_wait3A_55 = tpu.memref_slice %arg3[%run_scoped3A_1, %add3A, %dma_wait3A_53, %dma_wait3A_54] : memref<2x32x80x128xi32, #tpu.memory_space<hbm>> -> memref<1x1x80x128xi32, #tpu.memory_space<hbm>>
      %dma_wait3A_56 = tpu.memref_squeeze %dma_wait3A_55 : memref<1x1x80x128xi32, #tpu.memory_space<hbm>> -> memref<80x128xi32, #tpu.memory_space<hbm>>
      %dma_wait3A_57 = arith.constant 0 : i32
      %dma_wait3A_58 = arith.constant 0 : i32
      %dma_wait3A_59 = tpu.memref_slice %arg3[%run_scoped3A_1, %add3A, %dma_wait3A_57, %dma_wait3A_58] : memref<2x32x80x128xi32, #tpu.memory_space<hbm>> -> memref<1x1x80x128xi32, #tpu.memory_space<hbm>>
      %dma_wait3A_60 = tpu.memref_squeeze %dma_wait3A_59 : memref<1x1x80x128xi32, #tpu.memory_space<hbm>> -> memref<80x128xi32, #tpu.memory_space<hbm>>
      tpu.wait_dma2 semaphore(%run_scoped3A_44 : memref<!tpu.dma_semaphore, #tpu.memory_space<semaphore_mem>>) src(%dma_wait3A_60 : memref<80x128xi32, #tpu.memory_space<hbm>>) dst(%arg7 : memref<80x128xi32, #tpu.memory_space<vmem>>)
      tpu.yield
    }) : () -> ()
    %mul3A_2 = arith.constant 632 : i32
    %mul3A_3 = arith.muli %arg1, %mul3A_2 : i32
    %mul3A_4 = arith.constant 632 : i32
    %mul3A_5 = arith.muli %arg1, %mul3A_4 : i32
    "tpu.region"() ({
      %run_scoped3A_44 = tpu.sem_alloc : memref<!tpu.dma_semaphore, #tpu.memory_space<semaphore_mem>>
      %dma_start3A_45 = arith.constant 0 : i32
      %dma_start3A_46 = tpu.memref_slice %arg10[%mul3A_5, %dma_start3A_45] : memref<10112x64xf32, #tpu.memory_space<vmem_shared>> -> memref<632x64xf32, #tpu.memory_space<vmem_shared>>
      %dma_start3A_47 = arith.constant 0 : i32
      %dma_start3A_48 = tpu.memref_slice %arg4[%mul3A_3, %dma_start3A_47] : memref<10112x64xf32, #tpu.memory_space<hbm>> -> memref<632x64xf32, #tpu.memory_space<hbm>>
      tpu.enqueue_dma source(%dma_start3A_48 : memref<632x64xf32, #tpu.memory_space<hbm>>) target(%dma_start3A_46 : memref<632x64xf32, #tpu.memory_space<vmem_shared>>) target_semaphore(%run_scoped3A_44 : memref<!tpu.dma_semaphore, #tpu.memory_space<semaphore_mem>>)
      %dma_wait3A_49 = arith.constant 0 : i32
      %dma_wait3A_50 = tpu.memref_slice %arg10[%mul3A_5, %dma_wait3A_49] : memref<10112x64xf32, #tpu.memory_space<vmem_shared>> -> memref<632x64xf32, #tpu.memory_space<vmem_shared>>
      %dma_wait3A_51 = arith.constant 0 : i32
      %dma_wait3A_52 = tpu.memref_slice %arg4[%mul3A_3, %dma_wait3A_51] : memref<10112x64xf32, #tpu.memory_space<hbm>> -> memref<632x64xf32, #tpu.memory_space<hbm>>
      tpu.wait_dma2 semaphore(%run_scoped3A_44 : memref<!tpu.dma_semaphore, #tpu.memory_space<semaphore_mem>>) src(%dma_wait3A_52 : memref<632x64xf32, #tpu.memory_space<hbm>>) dst(%dma_wait3A_50 : memref<632x64xf32, #tpu.memory_space<vmem_shared>>)
      tpu.yield
    }) : () -> ()
    %barrier3A = arith.constant 0 : index
    tpu.barrier barrier_id(%barrier3A)
    %dma_start3A = arith.constant 0 : i32
    %dma_start3A_6 = arith.constant 0 : i32
    %dma_start3A_7 = tpu.memref_slice %arg6[%dma_start3A, %dma_start3A_6] : memref<80x128xi32, #tpu.memory_space<vmem>> -> memref<1x128xi32, #tpu.memory_space<vmem>>
    %dma_start3A_8 = tpu.memref_squeeze %dma_start3A_7 : memref<1x128xi32, #tpu.memory_space<vmem>> -> memref<128xi32, #tpu.memory_space<vmem>>
    %dma_start3A_9 = arith.constant 0 : i32
    %dma_start3A_10 = arith.constant 0 : i32
    %dma_start3A_11 = tpu.memref_slice %arg2[%dma_start3A_9, %dma_start3A_10] : memref<10000x64xf32, #tpu.memory_space<hbm>> -> memref<10000x64xf32, #tpu.memory_space<hbm>>
    tpu.enqueue_indirect_dma source(%dma_start3A_11 : memref<10000x64xf32, #tpu.memory_space<hbm>>) target(%arg8 : memref<128x64xf32, #tpu.memory_space<vmem>>) offsets(%dma_start3A_8 : memref<128xi32, #tpu.memory_space<vmem>>) semaphore(%arg11 : memref<!tpu.dma_semaphore, #tpu.memory_space<semaphore_mem>>)
    %scan3A = arith.constant 0 : i32
    %scan3A_12 = arith.constant 0 : i32
    %scan3A_13 = arith.constant 39 : i32
    %scan3A_14 = arith.addi %scan3A_12, %scan3A_13 : i32
    %scan3A_15 = arith.constant 1 : i32
    scf.for %scan3A_44 = %scan3A_12 to %scan3A_14 step %scan3A_15  : i32 {
      %mul3A_45 = arith.constant 2 : i32
      %mul3A_46 = arith.muli %mul3A_45, %scan3A_44 : i32
      %add3A_47 = arith.constant 1 : i32
      %add3A_48 = arith.addi %mul3A_46, %add3A_47 : i32
      %add3A_49 = arith.constant 2 : i32
      %add3A_50 = arith.addi %mul3A_46, %add3A_49 : i32
      %dma_start3A_51 = arith.constant 0 : i32
      %dma_start3A_52 = tpu.memref_slice %arg6[%add3A_48, %dma_start3A_51] : memref<80x128xi32, #tpu.memory_space<vmem>> -> memref<1x128xi32, #tpu.memory_space<vmem>>
      %dma_start3A_53 = tpu.memref_squeeze %dma_start3A_52 : memref<1x128xi32, #tpu.memory_space<vmem>> -> memref<128xi32, #tpu.memory_space<vmem>>
      %dma_start3A_54 = arith.constant 0 : i32
      %dma_start3A_55 = arith.constant 0 : i32
      %dma_start3A_56 = tpu.memref_slice %arg2[%dma_start3A_54, %dma_start3A_55] : memref<10000x64xf32, #tpu.memory_space<hbm>> -> memref<10000x64xf32, #tpu.memory_space<hbm>>
      tpu.enqueue_indirect_dma source(%dma_start3A_56 : memref<10000x64xf32, #tpu.memory_space<hbm>>) target(%arg9 : memref<128x64xf32, #tpu.memory_space<vmem>>) offsets(%dma_start3A_53 : memref<128xi32, #tpu.memory_space<vmem>>) semaphore(%arg12 : memref<!tpu.dma_semaphore, #tpu.memory_space<semaphore_mem>>)
      %dma_wait3A_57 = arith.constant 0 : i32
      %dma_wait3A_58 = tpu.memref_slice %arg6[%mul3A_46, %dma_wait3A_57] : memref<80x128xi32, #tpu.memory_space<vmem>> -> memref<1x128xi32, #tpu.memory_space<vmem>>
      %dma_wait3A_59 = tpu.memref_squeeze %dma_wait3A_58 : memref<1x128xi32, #tpu.memory_space<vmem>> -> memref<128xi32, #tpu.memory_space<vmem>>
      %dma_wait3A_60 = arith.constant 0 : i32
      %dma_wait3A_61 = arith.constant 0 : i32
      %dma_wait3A_62 = tpu.memref_slice %arg2[%dma_wait3A_60, %dma_wait3A_61] : memref<10000x64xf32, #tpu.memory_space<hbm>> -> memref<10000x64xf32, #tpu.memory_space<hbm>>
      tpu.wait_indirect_dma semaphore(%arg11 : memref<!tpu.dma_semaphore, #tpu.memory_space<semaphore_mem>>) src(%dma_wait3A_62 : memref<10000x64xf32, #tpu.memory_space<hbm>>) dst(%arg8 : memref<128x64xf32, #tpu.memory_space<vmem>>)
      "tpu.region"() ({
        %run_scoped3A_75 = tpu.sem_alloc : memref<!tpu.dma_semaphore, #tpu.memory_space<semaphore_mem>>
        %dma_start3A_76 = arith.constant 0 : i32
        %dma_start3A_77 = tpu.memref_slice %arg7[%mul3A_46, %dma_start3A_76] : memref<80x128xi32, #tpu.memory_space<vmem>> -> memref<1x128xi32, #tpu.memory_space<vmem>>
        %dma_start3A_78 = tpu.memref_squeeze %dma_start3A_77 : memref<1x128xi32, #tpu.memory_space<vmem>> -> memref<128xi32, #tpu.memory_space<vmem>>
        %dma_start3A_79 = arith.constant 0 : i32
        %dma_start3A_80 = arith.constant 0 : i32
        %dma_start3A_81 = tpu.memref_slice %arg10[%dma_start3A_79, %dma_start3A_80] : memref<10112x64xf32, #tpu.memory_space<vmem_shared>> -> memref<10112x64xf32, #tpu.memory_space<vmem_shared>>
        tpu.enqueue_indirect_dma source(%arg8 : memref<128x64xf32, #tpu.memory_space<vmem>>) target(%dma_start3A_81 : memref<10112x64xf32, #tpu.memory_space<vmem_shared>>) offsets(%dma_start3A_78 : memref<128xi32, #tpu.memory_space<vmem>>) semaphore(%run_scoped3A_75 : memref<!tpu.dma_semaphore, #tpu.memory_space<semaphore_mem>>) {add = true}
        %dma_wait3A_82 = arith.constant 0 : i32
        %dma_wait3A_83 = tpu.memref_slice %arg7[%mul3A_46, %dma_wait3A_82] : memref<80x128xi32, #tpu.memory_space<vmem>> -> memref<1x128xi32, #tpu.memory_space<vmem>>
        %dma_wait3A_84 = tpu.memref_squeeze %dma_wait3A_83 : memref<1x128xi32, #tpu.memory_space<vmem>> -> memref<128xi32, #tpu.memory_space<vmem>>
        %dma_wait3A_85 = arith.constant 0 : i32
        %dma_wait3A_86 = arith.constant 0 : i32
        %dma_wait3A_87 = tpu.memref_slice %arg10[%dma_wait3A_85, %dma_wait3A_86] : memref<10112x64xf32, #tpu.memory_space<vmem_shared>> -> memref<10112x64xf32, #tpu.memory_space<vmem_shared>>
        tpu.wait_indirect_dma semaphore(%run_scoped3A_75 : memref<!tpu.dma_semaphore, #tpu.memory_space<semaphore_mem>>) src(%arg8 : memref<128x64xf32, #tpu.memory_space<vmem>>) dst(%dma_wait3A_87 : memref<10112x64xf32, #tpu.memory_space<vmem_shared>>)
        tpu.yield
      }) : () -> ()
      %dma_start3A_63 = arith.constant 0 : i32
      %dma_start3A_64 = tpu.memref_slice %arg6[%add3A_50, %dma_start3A_63] : memref<80x128xi32, #tpu.memory_space<vmem>> -> memref<1x128xi32, #tpu.memory_space<vmem>>
      %dma_start3A_65 = tpu.memref_squeeze %dma_start3A_64 : memref<1x128xi32, #tpu.memory_space<vmem>> -> memref<128xi32, #tpu.memory_space<vmem>>
      %dma_start3A_66 = arith.constant 0 : i32
      %dma_start3A_67 = arith.constant 0 : i32
      %dma_start3A_68 = tpu.memref_slice %arg2[%dma_start3A_66, %dma_start3A_67] : memref<10000x64xf32, #tpu.memory_space<hbm>> -> memref<10000x64xf32, #tpu.memory_space<hbm>>
      tpu.enqueue_indirect_dma source(%dma_start3A_68 : memref<10000x64xf32, #tpu.memory_space<hbm>>) target(%arg8 : memref<128x64xf32, #tpu.memory_space<vmem>>) offsets(%dma_start3A_65 : memref<128xi32, #tpu.memory_space<vmem>>) semaphore(%arg11 : memref<!tpu.dma_semaphore, #tpu.memory_space<semaphore_mem>>)
      %dma_wait3A_69 = arith.constant 0 : i32
      %dma_wait3A_70 = tpu.memref_slice %arg6[%add3A_48, %dma_wait3A_69] : memref<80x128xi32, #tpu.memory_space<vmem>> -> memref<1x128xi32, #tpu.memory_space<vmem>>
      %dma_wait3A_71 = tpu.memref_squeeze %dma_wait3A_70 : memref<1x128xi32, #tpu.memory_space<vmem>> -> memref<128xi32, #tpu.memory_space<vmem>>
      %dma_wait3A_72 = arith.constant 0 : i32
      %dma_wait3A_73 = arith.constant 0 : i32
      %dma_wait3A_74 = tpu.memref_slice %arg2[%dma_wait3A_72, %dma_wait3A_73] : memref<10000x64xf32, #tpu.memory_space<hbm>> -> memref<10000x64xf32, #tpu.memory_space<hbm>>
      tpu.wait_indirect_dma semaphore(%arg12 : memref<!tpu.dma_semaphore, #tpu.memory_space<semaphore_mem>>) src(%dma_wait3A_74 : memref<10000x64xf32, #tpu.memory_space<hbm>>) dst(%arg9 : memref<128x64xf32, #tpu.memory_space<vmem>>)
      "tpu.region"() ({
        %run_scoped3A_75 = tpu.sem_alloc : memref<!tpu.dma_semaphore, #tpu.memory_space<semaphore_mem>>
        %dma_start3A_76 = arith.constant 0 : i32
        %dma_start3A_77 = tpu.memref_slice %arg7[%add3A_48, %dma_start3A_76] : memref<80x128xi32, #tpu.memory_space<vmem>> -> memref<1x128xi32, #tpu.memory_space<vmem>>
        %dma_start3A_78 = tpu.memref_squeeze %dma_start3A_77 : memref<1x128xi32, #tpu.memory_space<vmem>> -> memref<128xi32, #tpu.memory_space<vmem>>
        %dma_start3A_79 = arith.constant 0 : i32
        %dma_start3A_80 = arith.constant 0 : i32
        %dma_start3A_81 = tpu.memref_slice %arg10[%dma_start3A_79, %dma_start3A_80] : memref<10112x64xf32, #tpu.memory_space<vmem_shared>> -> memref<10112x64xf32, #tpu.memory_space<vmem_shared>>
        tpu.enqueue_indirect_dma source(%arg9 : memref<128x64xf32, #tpu.memory_space<vmem>>) target(%dma_start3A_81 : memref<10112x64xf32, #tpu.memory_space<vmem_shared>>) offsets(%dma_start3A_78 : memref<128xi32, #tpu.memory_space<vmem>>) semaphore(%run_scoped3A_75 : memref<!tpu.dma_semaphore, #tpu.memory_space<semaphore_mem>>) {add = true}
        %dma_wait3A_82 = arith.constant 0 : i32
        %dma_wait3A_83 = tpu.memref_slice %arg7[%add3A_48, %dma_wait3A_82] : memref<80x128xi32, #tpu.memory_space<vmem>> -> memref<1x128xi32, #tpu.memory_space<vmem>>
        %dma_wait3A_84 = tpu.memref_squeeze %dma_wait3A_83 : memref<1x128xi32, #tpu.memory_space<vmem>> -> memref<128xi32, #tpu.memory_space<vmem>>
        %dma_wait3A_85 = arith.constant 0 : i32
        %dma_wait3A_86 = arith.constant 0 : i32
        %dma_wait3A_87 = tpu.memref_slice %arg10[%dma_wait3A_85, %dma_wait3A_86] : memref<10112x64xf32, #tpu.memory_space<vmem_shared>> -> memref<10112x64xf32, #tpu.memory_space<vmem_shared>>
        tpu.wait_indirect_dma semaphore(%run_scoped3A_75 : memref<!tpu.dma_semaphore, #tpu.memory_space<semaphore_mem>>) src(%arg9 : memref<128x64xf32, #tpu.memory_space<vmem>>) dst(%dma_wait3A_87 : memref<10112x64xf32, #tpu.memory_space<vmem_shared>>)
        tpu.yield
      }) : () -> ()
    }
    %scan3A_16 = arith.constant 39 : i32
    %dma_start3A_17 = arith.constant 79 : i32
    %dma_start3A_18 = arith.constant 0 : i32
    %dma_start3A_19 = tpu.memref_slice %arg6[%dma_start3A_17, %dma_start3A_18] : memref<80x128xi32, #tpu.memory_space<vmem>> -> memref<1x128xi32, #tpu.memory_space<vmem>>
    %dma_start3A_20 = tpu.memref_squeeze %dma_start3A_19 : memref<1x128xi32, #tpu.memory_space<vmem>> -> memref<128xi32, #tpu.memory_space<vmem>>
    %dma_start3A_21 = arith.constant 0 : i32
    %dma_start3A_22 = arith.constant 0 : i32
    %dma_start3A_23 = tpu.memref_slice %arg2[%dma_start3A_21, %dma_start3A_22] : memref<10000x64xf32, #tpu.memory_space<hbm>> -> memref<10000x64xf32, #tpu.memory_space<hbm>>
    tpu.enqueue_indirect_dma source(%dma_start3A_23 : memref<10000x64xf32, #tpu.memory_space<hbm>>) target(%arg9 : memref<128x64xf32, #tpu.memory_space<vmem>>) offsets(%dma_start3A_20 : memref<128xi32, #tpu.memory_space<vmem>>) semaphore(%arg12 : memref<!tpu.dma_semaphore, #tpu.memory_space<semaphore_mem>>)
    %dma_wait3A = arith.constant 78 : i32
    %dma_wait3A_24 = arith.constant 0 : i32
    %dma_wait3A_25 = tpu.memref_slice %arg6[%dma_wait3A, %dma_wait3A_24] : memref<80x128xi32, #tpu.memory_space<vmem>> -> memref<1x128xi32, #tpu.memory_space<vmem>>
    %dma_wait3A_26 = tpu.memref_squeeze %dma_wait3A_25 : memref<1x128xi32, #tpu.memory_space<vmem>> -> memref<128xi32, #tpu.memory_space<vmem>>
    %dma_wait3A_27 = arith.constant 0 : i32
    %dma_wait3A_28 = arith.constant 0 : i32
    %dma_wait3A_29 = tpu.memref_slice %arg2[%dma_wait3A_27, %dma_wait3A_28] : memref<10000x64xf32, #tpu.memory_space<hbm>> -> memref<10000x64xf32, #tpu.memory_space<hbm>>
    tpu.wait_indirect_dma semaphore(%arg11 : memref<!tpu.dma_semaphore, #tpu.memory_space<semaphore_mem>>) src(%dma_wait3A_29 : memref<10000x64xf32, #tpu.memory_space<hbm>>) dst(%arg8 : memref<128x64xf32, #tpu.memory_space<vmem>>)
    %run_scoped3A_30 = arith.constant 78 : i32
    "tpu.region"() ({
      %run_scoped3A_44 = tpu.sem_alloc : memref<!tpu.dma_semaphore, #tpu.memory_space<semaphore_mem>>
      %dma_start3A_45 = arith.constant 0 : i32
      %dma_start3A_46 = tpu.memref_slice %arg7[%run_scoped3A_30, %dma_start3A_45] : memref<80x128xi32, #tpu.memory_space<vmem>> -> memref<1x128xi32, #tpu.memory_space<vmem>>
      %dma_start3A_47 = tpu.memref_squeeze %dma_start3A_46 : memref<1x128xi32, #tpu.memory_space<vmem>> -> memref<128xi32, #tpu.memory_space<vmem>>
      %dma_start3A_48 = arith.constant 0 : i32
      %dma_start3A_49 = arith.constant 0 : i32
      %dma_start3A_50 = tpu.memref_slice %arg10[%dma_start3A_48, %dma_start3A_49] : memref<10112x64xf32, #tpu.memory_space<vmem_shared>> -> memref<10112x64xf32, #tpu.memory_space<vmem_shared>>
      tpu.enqueue_indirect_dma source(%arg8 : memref<128x64xf32, #tpu.memory_space<vmem>>) target(%dma_start3A_50 : memref<10112x64xf32, #tpu.memory_space<vmem_shared>>) offsets(%dma_start3A_47 : memref<128xi32, #tpu.memory_space<vmem>>) semaphore(%run_scoped3A_44 : memref<!tpu.dma_semaphore, #tpu.memory_space<semaphore_mem>>) {add = true}
      %dma_wait3A_51 = arith.constant 0 : i32
      %dma_wait3A_52 = tpu.memref_slice %arg7[%run_scoped3A_30, %dma_wait3A_51] : memref<80x128xi32, #tpu.memory_space<vmem>> -> memref<1x128xi32, #tpu.memory_space<vmem>>
      %dma_wait3A_53 = tpu.memref_squeeze %dma_wait3A_52 : memref<1x128xi32, #tpu.memory_space<vmem>> -> memref<128xi32, #tpu.memory_space<vmem>>
      %dma_wait3A_54 = arith.constant 0 : i32
      %dma_wait3A_55 = arith.constant 0 : i32
      %dma_wait3A_56 = tpu.memref_slice %arg10[%dma_wait3A_54, %dma_wait3A_55] : memref<10112x64xf32, #tpu.memory_space<vmem_shared>> -> memref<10112x64xf32, #tpu.memory_space<vmem_shared>>
      tpu.wait_indirect_dma semaphore(%run_scoped3A_44 : memref<!tpu.dma_semaphore, #tpu.memory_space<semaphore_mem>>) src(%arg8 : memref<128x64xf32, #tpu.memory_space<vmem>>) dst(%dma_wait3A_56 : memref<10112x64xf32, #tpu.memory_space<vmem_shared>>)
      tpu.yield
    }) : () -> ()
    %dma_wait3A_31 = arith.constant 79 : i32
    %dma_wait3A_32 = arith.constant 0 : i32
    %dma_wait3A_33 = tpu.memref_slice %arg6[%dma_wait3A_31, %dma_wait3A_32] : memref<80x128xi32, #tpu.memory_space<vmem>> -> memref<1x128xi32, #tpu.memory_space<vmem>>
    %dma_wait3A_34 = tpu.memref_squeeze %dma_wait3A_33 : memref<1x128xi32, #tpu.memory_space<vmem>> -> memref<128xi32, #tpu.memory_space<vmem>>
    %dma_wait3A_35 = arith.constant 0 : i32
    %dma_wait3A_36 = arith.constant 0 : i32
    %dma_wait3A_37 = tpu.memref_slice %arg2[%dma_wait3A_35, %dma_wait3A_36] : memref<10000x64xf32, #tpu.memory_space<hbm>> -> memref<10000x64xf32, #tpu.memory_space<hbm>>
    tpu.wait_indirect_dma semaphore(%arg12 : memref<!tpu.dma_semaphore, #tpu.memory_space<semaphore_mem>>) src(%dma_wait3A_37 : memref<10000x64xf32, #tpu.memory_space<hbm>>) dst(%arg9 : memref<128x64xf32, #tpu.memory_space<vmem>>)
    %run_scoped3A_38 = arith.constant 79 : i32
    "tpu.region"() ({
      %run_scoped3A_44 = tpu.sem_alloc : memref<!tpu.dma_semaphore, #tpu.memory_space<semaphore_mem>>
      %dma_start3A_45 = arith.constant 0 : i32
      %dma_start3A_46 = tpu.memref_slice %arg7[%run_scoped3A_38, %dma_start3A_45] : memref<80x128xi32, #tpu.memory_space<vmem>> -> memref<1x128xi32, #tpu.memory_space<vmem>>
      %dma_start3A_47 = tpu.memref_squeeze %dma_start3A_46 : memref<1x128xi32, #tpu.memory_space<vmem>> -> memref<128xi32, #tpu.memory_space<vmem>>
      %dma_start3A_48 = arith.constant 0 : i32
      %dma_start3A_49 = arith.constant 0 : i32
      %dma_start3A_50 = tpu.memref_slice %arg10[%dma_start3A_48, %dma_start3A_49] : memref<10112x64xf32, #tpu.memory_space<vmem_shared>> -> memref<10112x64xf32, #tpu.memory_space<vmem_shared>>
      tpu.enqueue_indirect_dma source(%arg9 : memref<128x64xf32, #tpu.memory_space<vmem>>) target(%dma_start3A_50 : memref<10112x64xf32, #tpu.memory_space<vmem_shared>>) offsets(%dma_start3A_47 : memref<128xi32, #tpu.memory_space<vmem>>) semaphore(%run_scoped3A_44 : memref<!tpu.dma_semaphore, #tpu.memory_space<semaphore_mem>>) {add = true}
      %dma_wait3A_51 = arith.constant 0 : i32
      %dma_wait3A_52 = tpu.memref_slice %arg7[%run_scoped3A_38, %dma_wait3A_51] : memref<80x128xi32, #tpu.memory_space<vmem>> -> memref<1x128xi32, #tpu.memory_space<vmem>>
      %dma_wait3A_53 = tpu.memref_squeeze %dma_wait3A_52 : memref<1x128xi32, #tpu.memory_space<vmem>> -> memref<128xi32, #tpu.memory_space<vmem>>
      %dma_wait3A_54 = arith.constant 0 : i32
      %dma_wait3A_55 = arith.constant 0 : i32
      %dma_wait3A_56 = tpu.memref_slice %arg10[%dma_wait3A_54, %dma_wait3A_55] : memref<10112x64xf32, #tpu.memory_space<vmem_shared>> -> memref<10112x64xf32, #tpu.memory_space<vmem_shared>>
      tpu.wait_indirect_dma semaphore(%run_scoped3A_44 : memref<!tpu.dma_semaphore, #tpu.memory_space<semaphore_mem>>) src(%arg9 : memref<128x64xf32, #tpu.memory_space<vmem>>) dst(%dma_wait3A_56 : memref<10112x64xf32, #tpu.memory_space<vmem_shared>>)
      tpu.yield
    }) : () -> ()
    %barrier3A_39 = arith.constant 0 : index
    tpu.barrier barrier_id(%barrier3A_39)
    %mul3A_40 = arith.constant 632 : i32
    %mul3A_41 = arith.muli %arg1, %mul3A_40 : i32
    %mul3A_42 = arith.constant 632 : i32
    %mul3A_43 = arith.muli %arg1, %mul3A_42 : i32
    "tpu.region"() ({
      %run_scoped3A_44 = tpu.sem_alloc : memref<!tpu.dma_semaphore, #tpu.memory_space<semaphore_mem>>
      %dma_start3A_45 = arith.constant 0 : i32
      %dma_start3A_46 = tpu.memref_slice %arg5[%arg0, %mul3A_43, %dma_start3A_45] : memref<2x10112x64xf32, #tpu.memory_space<hbm>> -> memref<1x632x64xf32, #tpu.memory_space<hbm>>
      %dma_start3A_47 = tpu.memref_squeeze %dma_start3A_46 : memref<1x632x64xf32, #tpu.memory_space<hbm>> -> memref<632x64xf32, #tpu.memory_space<hbm>>
      %dma_start3A_48 = arith.constant 0 : i32
      %dma_start3A_49 = tpu.memref_slice %arg10[%mul3A_41, %dma_start3A_48] : memref<10112x64xf32, #tpu.memory_space<vmem_shared>> -> memref<632x64xf32, #tpu.memory_space<vmem_shared>>
      tpu.enqueue_dma source(%dma_start3A_49 : memref<632x64xf32, #tpu.memory_space<vmem_shared>>) target(%dma_start3A_47 : memref<632x64xf32, #tpu.memory_space<hbm>>) target_semaphore(%run_scoped3A_44 : memref<!tpu.dma_semaphore, #tpu.memory_space<semaphore_mem>>)
      %dma_wait3A_50 = arith.constant 0 : i32
      %dma_wait3A_51 = tpu.memref_slice %arg5[%arg0, %mul3A_43, %dma_wait3A_50] : memref<2x10112x64xf32, #tpu.memory_space<hbm>> -> memref<1x632x64xf32, #tpu.memory_space<hbm>>
      %dma_wait3A_52 = tpu.memref_squeeze %dma_wait3A_51 : memref<1x632x64xf32, #tpu.memory_space<hbm>> -> memref<632x64xf32, #tpu.memory_space<hbm>>
      %dma_wait3A_53 = arith.constant 0 : i32
      %dma_wait3A_54 = tpu.memref_slice %arg10[%mul3A_41, %dma_wait3A_53] : memref<10112x64xf32, #tpu.memory_space<vmem_shared>> -> memref<632x64xf32, #tpu.memory_space<vmem_shared>>
      tpu.wait_dma2 semaphore(%run_scoped3A_44 : memref<!tpu.dma_semaphore, #tpu.memory_space<semaphore_mem>>) src(%dma_wait3A_54 : memref<632x64xf32, #tpu.memory_space<vmem_shared>>) dst(%dma_wait3A_52 : memref<632x64xf32, #tpu.memory_space<hbm>>)
      tpu.yield
    }) : () -> ()
    return
  }
}

#map = affine_map<(d0, d1) -> (0)>
module attributes {stable_mosaic.version = 14 : i64} {
  func.func @_edge_body(%arg0: i32, %arg1: i32, %arg2: memref<20000xf32, #tpu.memory_space<hbm>>, %arg3: memref<320000xi32, #tpu.memory_space<hbm>>, %arg4: memref<320000xi32, #tpu.memory_space<hbm>>, %arg5: memref<320000xf32, #tpu.memory_space<hbm>>, %arg6: memref<320000xf32, #tpu.memory_space<hbm>>, %arg7: memref<20000xf32, #tpu.memory_space<vmem>>, %arg8: memref<10000xi32, #tpu.memory_space<vmem>>, %arg9: memref<10000xi32, #tpu.memory_space<vmem>>, %arg10: memref<10000xf32, #tpu.memory_space<vmem>>, %arg11: memref<10000xf32, #tpu.memory_space<vmem>>) attributes {dimension_semantics = [#tpu.dimension_semantics<core_parallel>, #tpu.dimension_semantics<subcore_parallel>], iteration_bounds = array<i64: 2, 16>, scalar_prefetch = 0 : i64, scratch_operands = 5 : i64, tpu.core_type = #tpu.core_type<sc_vector_subcore>, window_params = [{transform_indices = #map}, {transform_indices = #map}, {transform_indices = #map}, {transform_indices = #map}, {transform_indices = #map}]} {
    %mul3A = arith.constant 16 : i32
    %mul3A_0 = arith.muli %arg0, %mul3A : i32
    %add3A = arith.addi %mul3A_0, %arg1 : i32
    %mul3A_1 = arith.constant 10000 : i32
    %mul3A_2 = arith.muli %add3A, %mul3A_1 : i32
    "tpu.region"() ({
      %run_scoped3A = tpu.sem_alloc : memref<!tpu.dma_semaphore, #tpu.memory_space<semaphore_mem>>
      tpu.enqueue_dma source(%arg2 : memref<20000xf32, #tpu.memory_space<hbm>>) target(%arg7 : memref<20000xf32, #tpu.memory_space<vmem>>) target_semaphore(%run_scoped3A : memref<!tpu.dma_semaphore, #tpu.memory_space<semaphore_mem>>)
      tpu.wait_dma2 semaphore(%run_scoped3A : memref<!tpu.dma_semaphore, #tpu.memory_space<semaphore_mem>>) src(%arg2 : memref<20000xf32, #tpu.memory_space<hbm>>) dst(%arg7 : memref<20000xf32, #tpu.memory_space<vmem>>)
      tpu.yield
    }) : () -> ()
    "tpu.region"() ({
      %run_scoped3A = tpu.sem_alloc : memref<!tpu.dma_semaphore, #tpu.memory_space<semaphore_mem>>
      %dma_start3A = tpu.memref_slice %arg3[%mul3A_2] : memref<320000xi32, #tpu.memory_space<hbm>> -> memref<10000xi32, #tpu.memory_space<hbm>>
      %dma_start3A_8 = tpu.memref_slice %arg3[%mul3A_2] : memref<320000xi32, #tpu.memory_space<hbm>> -> memref<10000xi32, #tpu.memory_space<hbm>>
      tpu.enqueue_dma source(%dma_start3A_8 : memref<10000xi32, #tpu.memory_space<hbm>>) target(%arg8 : memref<10000xi32, #tpu.memory_space<vmem>>) target_semaphore(%run_scoped3A : memref<!tpu.dma_semaphore, #tpu.memory_space<semaphore_mem>>)
      %dma_wait3A = tpu.memref_slice %arg3[%mul3A_2] : memref<320000xi32, #tpu.memory_space<hbm>> -> memref<10000xi32, #tpu.memory_space<hbm>>
      %dma_wait3A_9 = tpu.memref_slice %arg3[%mul3A_2] : memref<320000xi32, #tpu.memory_space<hbm>> -> memref<10000xi32, #tpu.memory_space<hbm>>
      tpu.wait_dma2 semaphore(%run_scoped3A : memref<!tpu.dma_semaphore, #tpu.memory_space<semaphore_mem>>) src(%dma_wait3A_9 : memref<10000xi32, #tpu.memory_space<hbm>>) dst(%arg8 : memref<10000xi32, #tpu.memory_space<vmem>>)
      tpu.yield
    }) : () -> ()
    "tpu.region"() ({
      %run_scoped3A = tpu.sem_alloc : memref<!tpu.dma_semaphore, #tpu.memory_space<semaphore_mem>>
      %dma_start3A = tpu.memref_slice %arg4[%mul3A_2] : memref<320000xi32, #tpu.memory_space<hbm>> -> memref<10000xi32, #tpu.memory_space<hbm>>
      %dma_start3A_8 = tpu.memref_slice %arg4[%mul3A_2] : memref<320000xi32, #tpu.memory_space<hbm>> -> memref<10000xi32, #tpu.memory_space<hbm>>
      tpu.enqueue_dma source(%dma_start3A_8 : memref<10000xi32, #tpu.memory_space<hbm>>) target(%arg9 : memref<10000xi32, #tpu.memory_space<vmem>>) target_semaphore(%run_scoped3A : memref<!tpu.dma_semaphore, #tpu.memory_space<semaphore_mem>>)
      %dma_wait3A = tpu.memref_slice %arg4[%mul3A_2] : memref<320000xi32, #tpu.memory_space<hbm>> -> memref<10000xi32, #tpu.memory_space<hbm>>
      %dma_wait3A_9 = tpu.memref_slice %arg4[%mul3A_2] : memref<320000xi32, #tpu.memory_space<hbm>> -> memref<10000xi32, #tpu.memory_space<hbm>>
      tpu.wait_dma2 semaphore(%run_scoped3A : memref<!tpu.dma_semaphore, #tpu.memory_space<semaphore_mem>>) src(%dma_wait3A_9 : memref<10000xi32, #tpu.memory_space<hbm>>) dst(%arg9 : memref<10000xi32, #tpu.memory_space<vmem>>)
      tpu.yield
    }) : () -> ()
    "tpu.region"() ({
      %run_scoped3A = tpu.sem_alloc : memref<!tpu.dma_semaphore, #tpu.memory_space<semaphore_mem>>
      %dma_start3A = tpu.memref_slice %arg5[%mul3A_2] : memref<320000xf32, #tpu.memory_space<hbm>> -> memref<10000xf32, #tpu.memory_space<hbm>>
      %dma_start3A_8 = tpu.memref_slice %arg5[%mul3A_2] : memref<320000xf32, #tpu.memory_space<hbm>> -> memref<10000xf32, #tpu.memory_space<hbm>>
      tpu.enqueue_dma source(%dma_start3A_8 : memref<10000xf32, #tpu.memory_space<hbm>>) target(%arg10 : memref<10000xf32, #tpu.memory_space<vmem>>) target_semaphore(%run_scoped3A : memref<!tpu.dma_semaphore, #tpu.memory_space<semaphore_mem>>)
      %dma_wait3A = tpu.memref_slice %arg5[%mul3A_2] : memref<320000xf32, #tpu.memory_space<hbm>> -> memref<10000xf32, #tpu.memory_space<hbm>>
      %dma_wait3A_9 = tpu.memref_slice %arg5[%mul3A_2] : memref<320000xf32, #tpu.memory_space<hbm>> -> memref<10000xf32, #tpu.memory_space<hbm>>
      tpu.wait_dma2 semaphore(%run_scoped3A : memref<!tpu.dma_semaphore, #tpu.memory_space<semaphore_mem>>) src(%dma_wait3A_9 : memref<10000xf32, #tpu.memory_space<hbm>>) dst(%arg10 : memref<10000xf32, #tpu.memory_space<vmem>>)
      tpu.yield
    }) : () -> ()
    %scan3A = arith.constant 0 : i32
    %scan3A_3 = arith.constant 0 : i32
    %scan3A_4 = arith.constant 625 : i32
    %scan3A_5 = arith.addi %scan3A_3, %scan3A_4 : i32
    %scan3A_6 = arith.constant 1 : i32
    scf.for %scan3A_8 = %scan3A_3 to %scan3A_5 step %scan3A_6  : i32 {
      %mul3A_9 = arith.constant 16 : i32
      %mul3A_10 = arith.muli %scan3A_8, %mul3A_9 : i32
      %get3A = arith.index_cast %mul3A_10 : i32 to index
      %get3A_11 = tpu.vector_load %arg8[%get3A] {strides = array<i32>} : memref<10000xi32, #tpu.memory_space<vmem>>, vector<16xi32>,
      %get3A_12 = arith.index_cast %mul3A_10 : i32 to index
      %get3A_13 = tpu.vector_load %arg9[%get3A_12] {strides = array<i32>} : memref<10000xi32, #tpu.memory_space<vmem>>, vector<16xi32>,
      %mul3A_14 = arith.constant 2 : i32
      %mul3A_15 = vector.broadcast %mul3A_14 : i32 to vector<16xi32>
      %mul3A_16 = arith.muli %get3A_11, %mul3A_15 : vector<16xi32>
      %gather3A = tpu.vector_load_idx %arg7[%mul3A_16] : memref<20000xf32, #tpu.memory_space<vmem>>[vector<16xi32>], vector<16xf32>,
      %mul3A_17 = arith.constant 2 : i32
      %mul3A_18 = vector.broadcast %mul3A_17 : i32 to vector<16xi32>
      %mul3A_19 = arith.muli %get3A_13, %mul3A_18 : vector<16xi32>
      %add3A_20 = arith.constant 1 : i32
      %add3A_21 = vector.broadcast %add3A_20 : i32 to vector<16xi32>
      %add3A_22 = arith.addi %mul3A_19, %add3A_21 : vector<16xi32>
      %gather3A_23 = tpu.vector_load_idx %arg7[%add3A_22] : memref<20000xf32, #tpu.memory_space<vmem>>[vector<16xi32>], vector<16xf32>,
      %add3A_24 = arith.addf %gather3A, %gather3A_23 : vector<16xf32>
      %get3A_25 = arith.index_cast %mul3A_10 : i32 to index
      %get3A_26 = tpu.vector_load %arg10[%get3A_25] {strides = array<i32>} : memref<10000xf32, #tpu.memory_space<vmem>>, vector<16xf32>,
      %add3A_27 = arith.addf %add3A_24, %get3A_26 : vector<16xf32>
      %swap3A = arith.index_cast %mul3A_10 : i32 to index
      %swap3A_28 = tpu.vector_load %arg11[%swap3A] {strides = array<i32>} : memref<10000xf32, #tpu.memory_space<vmem>>, vector<16xf32>,
      tpu.vector_store %arg11[%swap3A], %add3A_27 {strides = array<i32>} : memref<10000xf32, #tpu.memory_space<vmem>>, vector<16xf32>,
    }
    %scan3A_7 = arith.constant 625 : i32
    "tpu.region"() ({
      %run_scoped3A = tpu.sem_alloc : memref<!tpu.dma_semaphore, #tpu.memory_space<semaphore_mem>>
      %dma_start3A = tpu.memref_slice %arg6[%mul3A_2] : memref<320000xf32, #tpu.memory_space<hbm>> -> memref<10000xf32, #tpu.memory_space<hbm>>
      %dma_start3A_8 = tpu.memref_slice %arg6[%mul3A_2] : memref<320000xf32, #tpu.memory_space<hbm>> -> memref<10000xf32, #tpu.memory_space<hbm>>
      tpu.enqueue_dma source(%arg11 : memref<10000xf32, #tpu.memory_space<vmem>>) target(%dma_start3A_8 : memref<10000xf32, #tpu.memory_space<hbm>>) target_semaphore(%run_scoped3A : memref<!tpu.dma_semaphore, #tpu.memory_space<semaphore_mem>>)
      %dma_wait3A = tpu.memref_slice %arg6[%mul3A_2] : memref<320000xf32, #tpu.memory_space<hbm>> -> memref<10000xf32, #tpu.memory_space<hbm>>
      %dma_wait3A_9 = tpu.memref_slice %arg6[%mul3A_2] : memref<320000xf32, #tpu.memory_space<hbm>> -> memref<10000xf32, #tpu.memory_space<hbm>>
      tpu.wait_dma2 semaphore(%run_scoped3A : memref<!tpu.dma_semaphore, #tpu.memory_space<semaphore_mem>>) src(%arg11 : memref<10000xf32, #tpu.memory_space<vmem>>) dst(%dma_wait3A_9 : memref<10000xf32, #tpu.memory_space<hbm>>)
      tpu.yield
    }) : () -> ()
    return
  }
}

module attributes {stable_mosaic.version = 14 : i64} {
  func.func @_pre_body(%arg0: i32, %arg1: memref<1000x128xf32, #tpu.memory_space<vmem>>, %arg2: memref<128x256xf32, #tpu.memory_space<vmem>>, %arg3: memref<1x256xf32, #tpu.memory_space<vmem>>, %arg4: memref<256x128xf32, #tpu.memory_space<vmem>>, %arg5: memref<1x128xf32, #tpu.memory_space<vmem>>, %arg6: memref<128x64xf32, #tpu.memory_space<vmem>>, %arg7: memref<128x64xf32, #tpu.memory_space<vmem>>, %arg8: memref<1000x64xf32, #tpu.memory_space<vmem>>, %arg9: memref<1000x64xf32, #tpu.memory_space<vmem>>) attributes {dimension_semantics = [#tpu.dimension_semantics<arbitrary>], iteration_bounds = array<i64: 10>, scalar_prefetch = 0 : i64, scratch_operands = 0 : i64, tpu.core_type = #tpu.core_type<tc>, window_params = [{transform_indices = @transform_0, window_bounds = array<i64: 1000, 128>}, {pipeline_mode = #tpu.pipeline_mode<synchronous>, transform_indices = @transform_1, window_bounds = array<i64: 128, 256>}, {pipeline_mode = #tpu.pipeline_mode<synchronous>, transform_indices = @transform_2, window_bounds = array<i64: 1, 256>}, {pipeline_mode = #tpu.pipeline_mode<synchronous>, transform_indices = @transform_3, window_bounds = array<i64: 256, 128>}, {pipeline_mode = #tpu.pipeline_mode<synchronous>, transform_indices = @transform_4, window_bounds = array<i64: 1, 128>}, {pipeline_mode = #tpu.pipeline_mode<synchronous>, transform_indices = @transform_5, window_bounds = array<i64: 128, 64>}, {pipeline_mode = #tpu.pipeline_mode<synchronous>, transform_indices = @transform_6, window_bounds = array<i64: 128, 64>}, {transform_indices = @transform_7, window_bounds = array<i64: 1000, 64>}, {transform_indices = @transform_8, window_bounds = array<i64: 1000, 64>}]} {
    %get3A = arith.constant 0 : index
    %get3A_0 = arith.constant 0 : index
    %get3A_1 = vector.load %arg1[%get3A, %get3A_0] : memref<1000x128xf32, #tpu.memory_space<vmem>>, vector<1000x128xf32>
    %get3A_2 = arith.constant 0 : index
    %get3A_3 = arith.constant 0 : index
    %get3A_4 = vector.load %arg2[%get3A_2, %get3A_3] : memref<128x256xf32, #tpu.memory_space<vmem>>, vector<128x256xf32>
    %dot_general3A = arith.constant dense<0.000000e+00> : vector<1000x256xf32>
    %dot_general3A_5 = tpu.matmul %get3A_1, %get3A_4, %dot_general3A {dimension_numbers = #tpu.dot_dimension_numbers<[1], [0], [0], [1], [0, 0, 1, 1], [], []>, transpose_lhs_hint = false} : vector<1000x128xf32>, vector<128x256xf32>, vector<1000x256xf32> -> vector<1000x256xf32>
    %get3A_6 = arith.constant 0 : index
    %get3A_7 = arith.constant 0 : index
    %get3A_8 = vector.load %arg3[%get3A_6, %get3A_7] : memref<1x256xf32, #tpu.memory_space<vmem>>, vector<1x256xf32>
    %add3A = vector.broadcast %get3A_8 : vector<1x256xf32> to vector<1000x256xf32>
    %add3A_9 = arith.addf %dot_general3A_5, %add3A : vector<1000x256xf32>
    %ge3A = arith.constant 0.000000e+00 : f32
    %ge3A_10 = vector.broadcast %ge3A : f32 to vector<1000x256xf32>
    %ge3A_11 = arith.cmpf oge, %add3A_9, %ge3A_10 : vector<1000x256xf32>
    %mul3A = arith.constant 0.00999999977 : f32
    %mul3A_12 = vector.broadcast %mul3A : f32 to vector<1000x256xf32>
    %mul3A_13 = arith.mulf %mul3A_12, %add3A_9 : vector<1000x256xf32>
    %select_n3A = arith.select %ge3A_11, %add3A_9, %mul3A_13 : vector<1000x256xi1>, vector<1000x256xf32>
    %get3A_14 = arith.constant 0 : index
    %get3A_15 = arith.constant 0 : index
    %get3A_16 = vector.load %arg4[%get3A_14, %get3A_15] : memref<256x128xf32, #tpu.memory_space<vmem>>, vector<256x128xf32>
    %dot_general3A_17 = arith.constant dense<0.000000e+00> : vector<1000x128xf32>
    %dot_general3A_18 = tpu.matmul %select_n3A, %get3A_16, %dot_general3A_17 {dimension_numbers = #tpu.dot_dimension_numbers<[1], [0], [0], [1], [0, 0, 1, 1], [], []>, transpose_lhs_hint = false} : vector<1000x256xf32>, vector<256x128xf32>, vector<1000x128xf32> -> vector<1000x128xf32>
    %get3A_19 = arith.constant 0 : index
    %get3A_20 = arith.constant 0 : index
    %get3A_21 = vector.load %arg5[%get3A_19, %get3A_20] : memref<1x128xf32, #tpu.memory_space<vmem>>, vector<1x128xf32>
    %add3A_22 = vector.broadcast %get3A_21 : vector<1x128xf32> to vector<1000x128xf32>
    %add3A_23 = arith.addf %dot_general3A_18, %add3A_22 : vector<1000x128xf32>
    %ge3A_24 = arith.constant 0.000000e+00 : f32
    %ge3A_25 = vector.broadcast %ge3A_24 : f32 to vector<1000x128xf32>
    %ge3A_26 = arith.cmpf oge, %add3A_23, %ge3A_25 : vector<1000x128xf32>
    %mul3A_27 = arith.constant 0.00999999977 : f32
    %mul3A_28 = vector.broadcast %mul3A_27 : f32 to vector<1000x128xf32>
    %mul3A_29 = arith.mulf %mul3A_28, %add3A_23 : vector<1000x128xf32>
    %select_n3A_30 = arith.select %ge3A_26, %add3A_23, %mul3A_29 : vector<1000x128xi1>, vector<1000x128xf32>
    %get3A_31 = arith.constant 0 : index
    %get3A_32 = arith.constant 0 : index
    %get3A_33 = vector.load %arg6[%get3A_31, %get3A_32] : memref<128x64xf32, #tpu.memory_space<vmem>>, vector<128x64xf32>
    %dot_general3A_34 = arith.constant dense<0.000000e+00> : vector<1000x64xf32>
    %dot_general3A_35 = tpu.matmul %select_n3A_30, %get3A_33, %dot_general3A_34 {dimension_numbers = #tpu.dot_dimension_numbers<[1], [0], [0], [1], [0, 0, 1, 1], [], []>, transpose_lhs_hint = false} : vector<1000x128xf32>, vector<128x64xf32>, vector<1000x64xf32> -> vector<1000x64xf32>
    %swap3A = arith.constant 0 : index
    %swap3A_36 = arith.constant 0 : index
    %swap3A_37 = vector.load %arg8[%swap3A, %swap3A_36] : memref<1000x64xf32, #tpu.memory_space<vmem>>, vector<1000x64xf32>
    tpu.vector_store %arg8[%swap3A, %swap3A_36], %dot_general3A_35 {strides = array<i32>} : memref<1000x64xf32, #tpu.memory_space<vmem>>, vector<1000x64xf32>,
    %get3A_38 = arith.constant 0 : index
    %get3A_39 = arith.constant 0 : index
    %get3A_40 = vector.load %arg7[%get3A_38, %get3A_39] : memref<128x64xf32, #tpu.memory_space<vmem>>, vector<128x64xf32>
    %dot_general3A_41 = arith.constant dense<0.000000e+00> : vector<1000x64xf32>
    %dot_general3A_42 = tpu.matmul %select_n3A_30, %get3A_40, %dot_general3A_41 {dimension_numbers = #tpu.dot_dimension_numbers<[1], [0], [0], [1], [0, 0, 1, 1], [], []>, transpose_lhs_hint = false} : vector<1000x128xf32>, vector<128x64xf32>, vector<1000x64xf32> -> vector<1000x64xf32>
    %swap3A_43 = arith.constant 0 : index
    %swap3A_44 = arith.constant 0 : index
    %swap3A_45 = vector.load %arg9[%swap3A_43, %swap3A_44] : memref<1000x64xf32, #tpu.memory_space<vmem>>, vector<1000x64xf32>
    tpu.vector_store %arg9[%swap3A_43, %swap3A_44], %dot_general3A_42 {strides = array<i32>} : memref<1000x64xf32, #tpu.memory_space<vmem>>, vector<1000x64xf32>,
    return
  }
  func.func @transform_0(%arg0: i32) -> (i32, i32) {
    %c0_i32 = arith.constant 0 : i32
    %c0_i32_0 = arith.constant 0 : i32
    return %arg0, %c0_i32 : i32, i32
  }
  func.func @transform_1(%arg0: i32) -> (i32, i32) {
    %c0_i32 = arith.constant 0 : i32
    %c0_i32_0 = arith.constant 0 : i32
    %c0_i32_1 = arith.constant 0 : i32
    return %c0_i32, %c0_i32_0 : i32, i32
  }
  func.func @transform_2(%arg0: i32) -> (i32, i32) {
    %c0_i32 = arith.constant 0 : i32
    %c0_i32_0 = arith.constant 0 : i32
    %c0_i32_1 = arith.constant 0 : i32
    return %c0_i32, %c0_i32_0 : i32, i32
  }
  func.func @transform_3(%arg0: i32) -> (i32, i32) {
    %c0_i32 = arith.constant 0 : i32
    %c0_i32_0 = arith.constant 0 : i32
    %c0_i32_1 = arith.constant 0 : i32
    return %c0_i32, %c0_i32_0 : i32, i32
  }
  func.func @transform_4(%arg0: i32) -> (i32, i32) {
    %c0_i32 = arith.constant 0 : i32
    %c0_i32_0 = arith.constant 0 : i32
    %c0_i32_1 = arith.constant 0 : i32
    return %c0_i32, %c0_i32_0 : i32, i32
  }
  func.func @transform_5(%arg0: i32) -> (i32, i32) {
    %c0_i32 = arith.constant 0 : i32
    %c0_i32_0 = arith.constant 0 : i32
    %c0_i32_1 = arith.constant 0 : i32
    return %c0_i32, %c0_i32_0 : i32, i32
  }
  func.func @transform_6(%arg0: i32) -> (i32, i32) {
    %c0_i32 = arith.constant 0 : i32
    %c0_i32_0 = arith.constant 0 : i32
    %c0_i32_1 = arith.constant 0 : i32
    return %c0_i32, %c0_i32_0 : i32, i32
  }
  func.func @transform_7(%arg0: i32) -> (i32, i32) {
    %c0_i32 = arith.constant 0 : i32
    %c0_i32_0 = arith.constant 0 : i32
    return %arg0, %c0_i32 : i32, i32
  }
  func.func @transform_8(%arg0: i32) -> (i32, i32) {
    %c0_i32 = arith.constant 0 : i32
    %c0_i32_0 = arith.constant 0 : i32
    return %arg0, %c0_i32 : i32, i32
  }
}

module attributes {stable_mosaic.version = 14 : i64} {
  func.func @_y1_body(%arg0: i32, %arg1: memref<1000x64xf32, #tpu.memory_space<vmem>>, %arg2: memref<1000x64xf32, #tpu.memory_space<vmem>>, %arg3: memref<2x1000x8xf32, #tpu.memory_space<vmem>>, %arg4: memref<1000x64xf32, #tpu.memory_space<vmem>>, %arg5: memref<1000x64xf32, #tpu.memory_space<vmem>>) attributes {dimension_semantics = [#tpu.dimension_semantics<arbitrary>], iteration_bounds = array<i64: 10>, scalar_prefetch = 0 : i64, scratch_operands = 0 : i64, tpu.core_type = #tpu.core_type<tc>, window_params = [{transform_indices = @transform_0, window_bounds = array<i64: 1000, 64>}, {transform_indices = @transform_1, window_bounds = array<i64: 1000, 64>}, {transform_indices = @transform_2, window_bounds = array<i64: 2, 1000, 8>}, {transform_indices = @transform_3, window_bounds = array<i64: 1000, 64>}, {transform_indices = @transform_4, window_bounds = array<i64: 1000, 64>}]} {
    %get3A = arith.constant 0 : index
    %get3A_0 = arith.constant 0 : index
    %get3A_1 = arith.constant 0 : index
    %get3A_2 = vector.load %arg3[%get3A, %get3A_0, %get3A_1] : memref<2x1000x8xf32, #tpu.memory_space<vmem>>, vector<2x1000x8xf32>
    %reduce_sum3A = arith.constant dense<0.000000e+00> : vector<1000xf32>
    %reduce_sum3A_3 = vector.multi_reduction <add>, %get3A_2, %reduce_sum3A [0, 2] : vector<2x1000x8xf32> to vector<1000xf32>
    %mul3A = arith.constant 1.250000e-01 : f32
    %mul3A_4 = vector.broadcast %mul3A : f32 to vector<1000xf32>
    %mul3A_5 = arith.mulf %reduce_sum3A_3, %mul3A_4 : vector<1000xf32>
    %add3A = arith.constant 1.000000e+00 : f32
    %add3A_6 = vector.broadcast %add3A : f32 to vector<1000xf32>
    %add3A_7 = arith.addf %add3A_6, %mul3A_5 : vector<1000xf32>
    %rsqrt3A = math.rsqrt %add3A_7 : vector<1000xf32>
    %get3A_8 = arith.constant 0 : index
    %get3A_9 = arith.constant 0 : index
    %get3A_10 = vector.load %arg1[%get3A_8, %get3A_9] : memref<1000x64xf32, #tpu.memory_space<vmem>>, vector<1000x64xf32>
    %broadcast_in_dim3A = vector.shape_cast %rsqrt3A : vector<1000xf32> to vector<1000x1xf32>
    %mul3A_11 = vector.broadcast %broadcast_in_dim3A : vector<1000x1xf32> to vector<1000x64xf32>
    %mul3A_12 = arith.mulf %get3A_10, %mul3A_11 : vector<1000x64xf32>
    %swap3A = arith.constant 0 : index
    %swap3A_13 = arith.constant 0 : index
    %swap3A_14 = vector.load %arg4[%swap3A, %swap3A_13] : memref<1000x64xf32, #tpu.memory_space<vmem>>, vector<1000x64xf32>
    tpu.vector_store %arg4[%swap3A, %swap3A_13], %mul3A_12 {strides = array<i32>} : memref<1000x64xf32, #tpu.memory_space<vmem>>, vector<1000x64xf32>,
    %get3A_15 = arith.constant 0 : index
    %get3A_16 = arith.constant 0 : index
    %get3A_17 = vector.load %arg2[%get3A_15, %get3A_16] : memref<1000x64xf32, #tpu.memory_space<vmem>>, vector<1000x64xf32>
    %broadcast_in_dim3A_18 = vector.shape_cast %rsqrt3A : vector<1000xf32> to vector<1000x1xf32>
    %mul3A_19 = vector.broadcast %broadcast_in_dim3A_18 : vector<1000x1xf32> to vector<1000x64xf32>
    %mul3A_20 = arith.mulf %get3A_17, %mul3A_19 : vector<1000x64xf32>
    %swap3A_21 = arith.constant 0 : index
    %swap3A_22 = arith.constant 0 : index
    %swap3A_23 = vector.load %arg5[%swap3A_21, %swap3A_22] : memref<1000x64xf32, #tpu.memory_space<vmem>>, vector<1000x64xf32>
    tpu.vector_store %arg5[%swap3A_21, %swap3A_22], %mul3A_20 {strides = array<i32>} : memref<1000x64xf32, #tpu.memory_space<vmem>>, vector<1000x64xf32>,
    return
  }
  func.func @transform_0(%arg0: i32) -> (i32, i32) {
    %c0_i32 = arith.constant 0 : i32
    %c0_i32_0 = arith.constant 0 : i32
    return %arg0, %c0_i32 : i32, i32
  }
  func.func @transform_1(%arg0: i32) -> (i32, i32) {
    %c0_i32 = arith.constant 0 : i32
    %c0_i32_0 = arith.constant 0 : i32
    return %arg0, %c0_i32 : i32, i32
  }
  func.func @transform_2(%arg0: i32) -> (i32, i32, i32) {
    %c0_i32 = arith.constant 0 : i32
    %c0_i32_0 = arith.constant 0 : i32
    %c0_i32_1 = arith.constant 0 : i32
    return %c0_i32, %arg0, %c0_i32_0 : i32, i32, i32
  }
  func.func @transform_3(%arg0: i32) -> (i32, i32) {
    %c0_i32 = arith.constant 0 : i32
    %c0_i32_0 = arith.constant 0 : i32
    return %arg0, %c0_i32 : i32, i32
  }
  func.func @transform_4(%arg0: i32) -> (i32, i32) {
    %c0_i32 = arith.constant 0 : i32
    %c0_i32_0 = arith.constant 0 : i32
    return %arg0, %c0_i32 : i32, i32
  }
}

module attributes {stable_mosaic.version = 14 : i64} {
  func.func @_r_body(%arg0: i32, %arg1: memref<2500x2048xf32, #tpu.memory_space<vmem>>, %arg2: memref<2048x128xf32, #tpu.memory_space<vmem>>, %arg3: memref<1x1xf32, #tpu.memory_space<vmem>>, %arg4: memref<2500x128xf32, #tpu.memory_space<vmem>>) attributes {dimension_semantics = [#tpu.dimension_semantics<arbitrary>], iteration_bounds = array<i64: 1>, scalar_prefetch = 0 : i64, scratch_operands = 0 : i64, tpu.core_type = #tpu.core_type<tc>, window_params = [{pipeline_mode = #tpu.pipeline_mode<synchronous>, transform_indices = @transform_0, window_bounds = array<i64: 2500, 2048>}, {pipeline_mode = #tpu.pipeline_mode<synchronous>, transform_indices = @transform_1, window_bounds = array<i64: 2048, 128>}, {pipeline_mode = #tpu.pipeline_mode<synchronous>, transform_indices = @transform_2, window_bounds = array<i64: 1, 1>}, {pipeline_mode = #tpu.pipeline_mode<synchronous>, transform_indices = @transform_3, window_bounds = array<i64: 2500, 128>}]} {
    %get3A = arith.constant 0 : index
    %get3A_0 = arith.constant 0 : index
    %get3A_1 = vector.load %arg1[%get3A, %get3A_0] : memref<2500x2048xf32, #tpu.memory_space<vmem>>, vector<2500x2048xf32>
    %get3A_2 = arith.constant 0 : index
    %get3A_3 = arith.constant 0 : index
    %get3A_4 = vector.load %arg2[%get3A_2, %get3A_3] : memref<2048x128xf32, #tpu.memory_space<vmem>>, vector<2048x128xf32>
    %dot_general3A = arith.constant dense<0.000000e+00> : vector<2500x128xf32>
    %dot_general3A_5 = tpu.matmul %get3A_1, %get3A_4, %dot_general3A {dimension_numbers = #tpu.dot_dimension_numbers<[1], [0], [0], [1], [0, 0, 1, 1], [], []>, transpose_lhs_hint = false} : vector<2500x2048xf32>, vector<2048x128xf32>, vector<2500x128xf32> -> vector<2500x128xf32>
    %get3A_6 = arith.constant 0 : index
    %get3A_7 = arith.constant 0 : index
    %get3A_8 = vector.load %arg3[%get3A_6, %get3A_7] : memref<1x1xf32, #tpu.memory_space<vmem>>, vector<1x1xf32>
    %add3A = vector.broadcast %get3A_8 : vector<1x1xf32> to vector<2500x128xf32>
    %add3A_9 = arith.addf %dot_general3A_5, %add3A : vector<2500x128xf32>
    %swap3A = arith.constant 0 : index
    %swap3A_10 = arith.constant 0 : index
    %swap3A_11 = vector.load %arg4[%swap3A, %swap3A_10] : memref<2500x128xf32, #tpu.memory_space<vmem>>, vector<2500x128xf32>
    tpu.vector_store %arg4[%swap3A, %swap3A_10], %add3A_9 {strides = array<i32>} : memref<2500x128xf32, #tpu.memory_space<vmem>>, vector<2500x128xf32>,
    return
  }
  func.func @transform_0(%arg0: i32) -> (i32, i32) {
    %c0_i32 = arith.constant 0 : i32
    %c0_i32_0 = arith.constant 0 : i32
    %c0_i32_1 = arith.constant 0 : i32
    return %c0_i32, %c0_i32_0 : i32, i32
  }
  func.func @transform_1(%arg0: i32) -> (i32, i32) {
    %c0_i32 = arith.constant 0 : i32
    %c0_i32_0 = arith.constant 0 : i32
    %c0_i32_1 = arith.constant 0 : i32
    return %c0_i32, %c0_i32_0 : i32, i32
  }
  func.func @transform_2(%arg0: i32) -> (i32, i32) {
    %c0_i32 = arith.constant 0 : i32
    %c0_i32_0 = arith.constant 0 : i32
    %c0_i32_1 = arith.constant 0 : i32
    return %c0_i32, %c0_i32_0 : i32, i32
  }
  func.func @transform_3(%arg0: i32) -> (i32, i32) {
    %c0_i32 = arith.constant 0 : i32
    %c0_i32_0 = arith.constant 0 : i32
    %c0_i32_1 = arith.constant 0 : i32
    return %c0_i32, %c0_i32_0 : i32, i32
  }
}

module attributes {stable_mosaic.version = 14 : i64} {
  func.func @_gru1_body(%arg0: i32, %arg1: memref<2x1000x64xf32, #tpu.memory_space<vmem>>, %arg2: memref<2x1000x64xf32, #tpu.memory_space<vmem>>, %arg3: memref<1000x64xf32, #tpu.memory_space<vmem>>, %arg4: memref<1000x64xf32, #tpu.memory_space<vmem>>, %arg5: memref<2x1000x8xf32, #tpu.memory_space<vmem>>, %arg6: memref<1000x128xf32, #tpu.memory_space<vmem>>, %arg7: memref<384x64xf32, #tpu.memory_space<vmem>>, %arg8: memref<384x64xf32, #tpu.memory_space<vmem>>, %arg9: memref<384x128xf32, #tpu.memory_space<vmem>>, %arg10: memref<1x384xf32, #tpu.memory_space<vmem>>, %arg11: memref<1x384xf32, #tpu.memory_space<vmem>>, %arg12: memref<1x64xf32, #tpu.memory_space<vmem>>, %arg13: memref<1x64xf32, #tpu.memory_space<vmem>>, %arg14: memref<128x64xf32, #tpu.memory_space<vmem>>, %arg15: memref<1000x128xf32, #tpu.memory_space<vmem>>, %arg16: memref<1000x64xf32, #tpu.memory_space<vmem>>) attributes {dimension_semantics = [#tpu.dimension_semantics<arbitrary>], iteration_bounds = array<i64: 10>, scalar_prefetch = 0 : i64, scratch_operands = 0 : i64, tpu.core_type = #tpu.core_type<tc>, window_params = [{transform_indices = @transform_0, window_bounds = array<i64: 2, 1000, 64>}, {transform_indices = @transform_1, window_bounds = array<i64: 2, 1000, 64>}, {transform_indices = @transform_2, window_bounds = array<i64: 1000, 64>}, {transform_indices = @transform_3, window_bounds = array<i64: 1000, 64>}, {transform_indices = @transform_4, window_bounds = array<i64: 2, 1000, 8>}, {transform_indices = @transform_5, window_bounds = array<i64: 1000, 128>}, {pipeline_mode = #tpu.pipeline_mode<synchronous>, transform_indices = @transform_6, window_bounds = array<i64: 384, 64>}, {pipeline_mode = #tpu.pipeline_mode<synchronous>, transform_indices = @transform_7, window_bounds = array<i64: 384, 64>}, {pipeline_mode = #tpu.pipeline_mode<synchronous>, transform_indices = @transform_8, window_bounds = array<i64: 384, 128>}, {pipeline_mode = #tpu.pipeline_mode<synchronous>, transform_indices = @transform_9, window_bounds = array<i64: 1, 384>}, {pipeline_mode = #tpu.pipeline_mode<synchronous>, transform_indices = @transform_10, window_bounds = array<i64: 1, 384>}, {pipeline_mode = #tpu.pipeline_mode<synchronous>, transform_indices = @transform_11, window_bounds = array<i64: 1, 64>}, {pipeline_mode = #tpu.pipeline_mode<synchronous>, transform_indices = @transform_12, window_bounds = array<i64: 1, 64>}, {pipeline_mode = #tpu.pipeline_mode<synchronous>, transform_indices = @transform_13, window_bounds = array<i64: 128, 64>}, {transform_indices = @transform_14, window_bounds = array<i64: 1000, 128>}, {transform_indices = @transform_15, window_bounds = array<i64: 1000, 64>}]} {
    %get3A = arith.constant 0 : index
    %get3A_0 = arith.constant 0 : index
    %get3A_1 = arith.constant 0 : index
    %get3A_2 = vector.load %arg5[%get3A, %get3A_0, %get3A_1] : memref<2x1000x8xf32, #tpu.memory_space<vmem>>, vector<2x1000x8xf32>
    %reduce_sum3A = arith.constant dense<0.000000e+00> : vector<1000xf32>
    %reduce_sum3A_3 = vector.multi_reduction <add>, %get3A_2, %reduce_sum3A [0, 2] : vector<2x1000x8xf32> to vector<1000xf32>
    %mul3A = arith.constant 1.250000e-01 : f32
    %mul3A_4 = vector.broadcast %mul3A : f32 to vector<1000xf32>
    %mul3A_5 = arith.mulf %reduce_sum3A_3, %mul3A_4 : vector<1000xf32>
    %add3A = arith.constant 1.000000e+00 : f32
    %add3A_6 = vector.broadcast %add3A : f32 to vector<1000xf32>
    %add3A_7 = arith.addf %add3A_6, %mul3A_5 : vector<1000xf32>
    %rsqrt3A = math.rsqrt %add3A_7 : vector<1000xf32>
    %get3A_8 = arith.constant 0 : index
    %get3A_9 = arith.constant 0 : index
    %get3A_10 = arith.constant 0 : index
    %get3A_11 = vector.load %arg1[%get3A_8, %get3A_9, %get3A_10] : memref<2x1000x64xf32, #tpu.memory_space<vmem>>, vector<1x1000x64xf32>
    %get3A_12 = vector.shape_cast %get3A_11 : vector<1x1000x64xf32> to vector<1000x64xf32>
    %get3A_13 = arith.constant 1 : index
    %get3A_14 = arith.constant 0 : index
    %get3A_15 = arith.constant 0 : index
    %get3A_16 = vector.load %arg1[%get3A_13, %get3A_14, %get3A_15] : memref<2x1000x64xf32, #tpu.memory_space<vmem>>, vector<1x1000x64xf32>
    %get3A_17 = vector.shape_cast %get3A_16 : vector<1x1000x64xf32> to vector<1000x64xf32>
    %add3A_18 = arith.addf %get3A_12, %get3A_17 : vector<1000x64xf32>
    %get3A_19 = arith.constant 0 : index
    %get3A_20 = arith.constant 0 : index
    %get3A_21 = vector.load %arg3[%get3A_19, %get3A_20] : memref<1000x64xf32, #tpu.memory_space<vmem>>, vector<1000x64xf32>
    %add3A_22 = arith.addf %add3A_18, %get3A_21 : vector<1000x64xf32>
    %broadcast_in_dim3A = vector.shape_cast %rsqrt3A : vector<1000xf32> to vector<1000x1xf32>
    %mul3A_23 = vector.broadcast %broadcast_in_dim3A : vector<1000x1xf32> to vector<1000x64xf32>
    %mul3A_24 = arith.mulf %add3A_22, %mul3A_23 : vector<1000x64xf32>
    %get3A_25 = arith.constant 0 : index
    %get3A_26 = arith.constant 0 : index
    %get3A_27 = vector.load %arg12[%get3A_25, %get3A_26] : memref<1x64xf32, #tpu.memory_space<vmem>>, vector<1x64xf32>
    %add3A_28 = vector.broadcast %get3A_27 : vector<1x64xf32> to vector<1000x64xf32>
    %add3A_29 = arith.addf %mul3A_24, %add3A_28 : vector<1000x64xf32>
    %ge3A = arith.constant 0.000000e+00 : f32
    %ge3A_30 = vector.broadcast %ge3A : f32 to vector<1000x64xf32>
    %ge3A_31 = arith.cmpf oge, %add3A_29, %ge3A_30 : vector<1000x64xf32>
    %mul3A_32 = arith.constant 0.00999999977 : f32
    %mul3A_33 = vector.broadcast %mul3A_32 : f32 to vector<1000x64xf32>
    %mul3A_34 = arith.mulf %mul3A_33, %add3A_29 : vector<1000x64xf32>
    %select_n3A = arith.select %ge3A_31, %add3A_29, %mul3A_34 : vector<1000x64xi1>, vector<1000x64xf32>
    %get3A_35 = arith.constant 0 : index
    %get3A_36 = arith.constant 0 : index
    %get3A_37 = arith.constant 0 : index
    %get3A_38 = vector.load %arg2[%get3A_35, %get3A_36, %get3A_37] : memref<2x1000x64xf32, #tpu.memory_space<vmem>>, vector<1x1000x64xf32>
    %get3A_39 = vector.shape_cast %get3A_38 : vector<1x1000x64xf32> to vector<1000x64xf32>
    %get3A_40 = arith.constant 1 : index
    %get3A_41 = arith.constant 0 : index
    %get3A_42 = arith.constant 0 : index
    %get3A_43 = vector.load %arg2[%get3A_40, %get3A_41, %get3A_42] : memref<2x1000x64xf32, #tpu.memory_space<vmem>>, vector<1x1000x64xf32>
    %get3A_44 = vector.shape_cast %get3A_43 : vector<1x1000x64xf32> to vector<1000x64xf32>
    %add3A_45 = arith.addf %get3A_39, %get3A_44 : vector<1000x64xf32>
    %get3A_46 = arith.constant 0 : index
    %get3A_47 = arith.constant 0 : index
    %get3A_48 = vector.load %arg4[%get3A_46, %get3A_47] : memref<1000x64xf32, #tpu.memory_space<vmem>>, vector<1000x64xf32>
    %add3A_49 = arith.addf %add3A_45, %get3A_48 : vector<1000x64xf32>
    %broadcast_in_dim3A_50 = vector.shape_cast %rsqrt3A : vector<1000xf32> to vector<1000x1xf32>
    %mul3A_51 = vector.broadcast %broadcast_in_dim3A_50 : vector<1000x1xf32> to vector<1000x64xf32>
    %mul3A_52 = arith.mulf %add3A_49, %mul3A_51 : vector<1000x64xf32>
    %get3A_53 = arith.constant 0 : index
    %get3A_54 = arith.constant 0 : index
    %get3A_55 = vector.load %arg13[%get3A_53, %get3A_54] : memref<1x64xf32, #tpu.memory_space<vmem>>, vector<1x64xf32>
    %add3A_56 = vector.broadcast %get3A_55 : vector<1x64xf32> to vector<1000x64xf32>
    %add3A_57 = arith.addf %mul3A_52, %add3A_56 : vector<1000x64xf32>
    %ge3A_58 = arith.constant 0.000000e+00 : f32
    %ge3A_59 = vector.broadcast %ge3A_58 : f32 to vector<1000x64xf32>
    %ge3A_60 = arith.cmpf oge, %add3A_57, %ge3A_59 : vector<1000x64xf32>
    %mul3A_61 = arith.constant 0.00999999977 : f32
    %mul3A_62 = vector.broadcast %mul3A_61 : f32 to vector<1000x64xf32>
    %mul3A_63 = arith.mulf %mul3A_62, %add3A_57 : vector<1000x64xf32>
    %select_n3A_64 = arith.select %ge3A_60, %add3A_57, %mul3A_63 : vector<1000x64xi1>, vector<1000x64xf32>
    %get3A_65 = arith.constant 0 : index
    %get3A_66 = arith.constant 0 : index
    %get3A_67 = vector.load %arg7[%get3A_65, %get3A_66] : memref<384x64xf32, #tpu.memory_space<vmem>>, vector<384x64xf32>
    %dot_general3A = arith.constant dense<0.000000e+00> : vector<1000x384xf32>
    %dot_general3A_68 = tpu.matmul %select_n3A, %get3A_67, %dot_general3A {dimension_numbers = #tpu.dot_dimension_numbers<[1], [1], [0], [0], [0, 0, 1, 0], [], []>, transpose_lhs_hint = false} : vector<1000x64xf32>, vector<384x64xf32>, vector<1000x384xf32> -> vector<1000x384xf32>
    %get3A_69 = arith.constant 0 : index
    %get3A_70 = arith.constant 0 : index
    %get3A_71 = vector.load %arg8[%get3A_69, %get3A_70] : memref<384x64xf32, #tpu.memory_space<vmem>>, vector<384x64xf32>
    %dot_general3A_72 = arith.constant dense<0.000000e+00> : vector<1000x384xf32>
    %dot_general3A_73 = tpu.matmul %select_n3A_64, %get3A_71, %dot_general3A_72 {dimension_numbers = #tpu.dot_dimension_numbers<[1], [1], [0], [0], [0, 0, 1, 0], [], []>, transpose_lhs_hint = false} : vector<1000x64xf32>, vector<384x64xf32>, vector<1000x384xf32> -> vector<1000x384xf32>
    %add3A_74 = arith.addf %dot_general3A_68, %dot_general3A_73 : vector<1000x384xf32>
    %get3A_75 = arith.constant 0 : index
    %get3A_76 = arith.constant 0 : index
    %get3A_77 = vector.load %arg10[%get3A_75, %get3A_76] : memref<1x384xf32, #tpu.memory_space<vmem>>, vector<1x384xf32>
    %add3A_78 = vector.broadcast %get3A_77 : vector<1x384xf32> to vector<1000x384xf32>
    %add3A_79 = arith.addf %add3A_74, %add3A_78 : vector<1000x384xf32>
    %get3A_80 = arith.constant 0 : index
    %get3A_81 = arith.constant 0 : index
    %get3A_82 = vector.load %arg6[%get3A_80, %get3A_81] : memref<1000x128xf32, #tpu.memory_space<vmem>>, vector<1000x128xf32>
    %get3A_83 = arith.constant 0 : index
    %get3A_84 = arith.constant 0 : index
    %get3A_85 = vector.load %arg9[%get3A_83, %get3A_84] : memref<384x128xf32, #tpu.memory_space<vmem>>, vector<384x128xf32>
    %dot_general3A_86 = arith.constant dense<0.000000e+00> : vector<1000x384xf32>
    %dot_general3A_87 = tpu.matmul %get3A_82, %get3A_85, %dot_general3A_86 {dimension_numbers = #tpu.dot_dimension_numbers<[1], [1], [0], [0], [0, 0, 1, 0], [], []>, transpose_lhs_hint = false} : vector<1000x128xf32>, vector<384x128xf32>, vector<1000x384xf32> -> vector<1000x384xf32>
    %get3A_88 = arith.constant 0 : index
    %get3A_89 = arith.constant 0 : index
    %get3A_90 = vector.load %arg11[%get3A_88, %get3A_89] : memref<1x384xf32, #tpu.memory_space<vmem>>, vector<1x384xf32>
    %add3A_91 = vector.broadcast %get3A_90 : vector<1x384xf32> to vector<1000x384xf32>
    %add3A_92 = arith.addf %dot_general3A_87, %add3A_91 : vector<1000x384xf32>
    %slice3A = vector.extract_strided_slice %add3A_79 {offsets = [0, 0], sizes = [1000, 128], strides = [1, 1]} : vector<1000x384xf32> to vector<1000x128xf32>
    %slice3A_93 = vector.extract_strided_slice %add3A_92 {offsets = [0, 0], sizes = [1000, 128], strides = [1, 1]} : vector<1000x384xf32> to vector<1000x128xf32>
    %add3A_94 = arith.addf %slice3A, %slice3A_93 : vector<1000x128xf32>
    %logistic3A = arith.negf %add3A_94 : vector<1000x128xf32>
    %logistic3A_95 = math.exp %logistic3A : vector<1000x128xf32>
    %logistic3A_96 = arith.constant 1.000000e+00 : f32
    %logistic3A_97 = vector.broadcast %logistic3A_96 : f32 to vector<1000x128xf32>
    %logistic3A_98 = arith.addf %logistic3A_97, %logistic3A_95 : vector<1000x128xf32>
    %logistic3A_99 = arith.divf %logistic3A_97, %logistic3A_98 : vector<1000x128xf32>
    %slice3A_100 = vector.extract_strided_slice %add3A_79 {offsets = [0, 128], sizes = [1000, 128], strides = [1, 1]} : vector<1000x384xf32> to vector<1000x128xf32>
    %slice3A_101 = vector.extract_strided_slice %add3A_92 {offsets = [0, 128], sizes = [1000, 128], strides = [1, 1]} : vector<1000x384xf32> to vector<1000x128xf32>
    %add3A_102 = arith.addf %slice3A_100, %slice3A_101 : vector<1000x128xf32>
    %logistic3A_103 = arith.negf %add3A_102 : vector<1000x128xf32>
    %logistic3A_104 = math.exp %logistic3A_103 : vector<1000x128xf32>
    %logistic3A_105 = arith.constant 1.000000e+00 : f32
    %logistic3A_106 = vector.broadcast %logistic3A_105 : f32 to vector<1000x128xf32>
    %logistic3A_107 = arith.addf %logistic3A_106, %logistic3A_104 : vector<1000x128xf32>
    %logistic3A_108 = arith.divf %logistic3A_106, %logistic3A_107 : vector<1000x128xf32>
    %slice3A_109 = vector.extract_strided_slice %add3A_79 {offsets = [0, 256], sizes = [1000, 128], strides = [1, 1]} : vector<1000x384xf32> to vector<1000x128xf32>
    %slice3A_110 = vector.extract_strided_slice %add3A_92 {offsets = [0, 256], sizes = [1000, 128], strides = [1, 1]} : vector<1000x384xf32> to vector<1000x128xf32>
    %mul3A_111 = arith.mulf %logistic3A_99, %slice3A_110 : vector<1000x128xf32>
    %add3A_112 = arith.addf %slice3A_109, %mul3A_111 : vector<1000x128xf32>
    %tanh3A = math.tanh %add3A_112 : vector<1000x128xf32>
    %sub3A = arith.constant 1.000000e+00 : f32
    %sub3A_113 = vector.broadcast %sub3A : f32 to vector<1000x128xf32>
    %sub3A_114 = arith.subf %sub3A_113, %logistic3A_108 : vector<1000x128xf32>
    %mul3A_115 = arith.mulf %sub3A_114, %tanh3A : vector<1000x128xf32>
    %get3A_116 = arith.constant 0 : index
    %get3A_117 = arith.constant 0 : index
    %get3A_118 = vector.load %arg6[%get3A_116, %get3A_117] : memref<1000x128xf32, #tpu.memory_space<vmem>>, vector<1000x128xf32>
    %mul3A_119 = arith.mulf %logistic3A_108, %get3A_118 : vector<1000x128xf32>
    %add3A_120 = arith.addf %mul3A_115, %mul3A_119 : vector<1000x128xf32>
    %swap3A = arith.constant 0 : index
    %swap3A_121 = arith.constant 0 : index
    %swap3A_122 = vector.load %arg15[%swap3A, %swap3A_121] : memref<1000x128xf32, #tpu.memory_space<vmem>>, vector<1000x128xf32>
    tpu.vector_store %arg15[%swap3A, %swap3A_121], %add3A_120 {strides = array<i32>} : memref<1000x128xf32, #tpu.memory_space<vmem>>, vector<1000x128xf32>,
    %get3A_123 = arith.constant 0 : index
    %get3A_124 = arith.constant 0 : index
    %get3A_125 = vector.load %arg14[%get3A_123, %get3A_124] : memref<128x64xf32, #tpu.memory_space<vmem>>, vector<128x64xf32>
    %dot_general3A_126 = arith.constant dense<0.000000e+00> : vector<1000x64xf32>
    %dot_general3A_127 = tpu.matmul %add3A_120, %get3A_125, %dot_general3A_126 {dimension_numbers = #tpu.dot_dimension_numbers<[1], [0], [0], [1], [0, 0, 1, 1], [], []>, transpose_lhs_hint = false} : vector<1000x128xf32>, vector<128x64xf32>, vector<1000x64xf32> -> vector<1000x64xf32>
    %broadcast_in_dim3A_128 = vector.shape_cast %rsqrt3A : vector<1000xf32> to vector<1000x1xf32>
    %mul3A_129 = vector.broadcast %broadcast_in_dim3A_128 : vector<1000x1xf32> to vector<1000x64xf32>
    %mul3A_130 = arith.mulf %dot_general3A_127, %mul3A_129 : vector<1000x64xf32>
    %swap3A_131 = arith.constant 0 : index
    %swap3A_132 = arith.constant 0 : index
    %swap3A_133 = vector.load %arg16[%swap3A_131, %swap3A_132] : memref<1000x64xf32, #tpu.memory_space<vmem>>, vector<1000x64xf32>
    tpu.vector_store %arg16[%swap3A_131, %swap3A_132], %mul3A_130 {strides = array<i32>} : memref<1000x64xf32, #tpu.memory_space<vmem>>, vector<1000x64xf32>,
    return
  }
  func.func @transform_0(%arg0: i32) -> (i32, i32, i32) {
    %c0_i32 = arith.constant 0 : i32
    %c0_i32_0 = arith.constant 0 : i32
    %c0_i32_1 = arith.constant 0 : i32
    return %c0_i32, %arg0, %c0_i32_0 : i32, i32, i32
  }
  func.func @transform_1(%arg0: i32) -> (i32, i32, i32) {
    %c0_i32 = arith.constant 0 : i32
    %c0_i32_0 = arith.constant 0 : i32
    %c0_i32_1 = arith.constant 0 : i32
    return %c0_i32, %arg0, %c0_i32_0 : i32, i32, i32
  }
  func.func @transform_2(%arg0: i32) -> (i32, i32) {
    %c0_i32 = arith.constant 0 : i32
    %c0_i32_0 = arith.constant 0 : i32
    return %arg0, %c0_i32 : i32, i32
  }
  func.func @transform_3(%arg0: i32) -> (i32, i32) {
    %c0_i32 = arith.constant 0 : i32
    %c0_i32_0 = arith.constant 0 : i32
    return %arg0, %c0_i32 : i32, i32
  }
  func.func @transform_4(%arg0: i32) -> (i32, i32, i32) {
    %c0_i32 = arith.constant 0 : i32
    %c0_i32_0 = arith.constant 0 : i32
    %c0_i32_1 = arith.constant 0 : i32
    return %c0_i32, %arg0, %c0_i32_0 : i32, i32, i32
  }
  func.func @transform_5(%arg0: i32) -> (i32, i32) {
    %c0_i32 = arith.constant 0 : i32
    %c0_i32_0 = arith.constant 0 : i32
    return %arg0, %c0_i32 : i32, i32
  }
  func.func @transform_6(%arg0: i32) -> (i32, i32) {
    %c0_i32 = arith.constant 0 : i32
    %c0_i32_0 = arith.constant 0 : i32
    %c0_i32_1 = arith.constant 0 : i32
    return %c0_i32, %c0_i32_0 : i32, i32
  }
  func.func @transform_7(%arg0: i32) -> (i32, i32) {
    %c0_i32 = arith.constant 0 : i32
    %c0_i32_0 = arith.constant 0 : i32
    %c0_i32_1 = arith.constant 0 : i32
    return %c0_i32, %c0_i32_0 : i32, i32
  }
  func.func @transform_8(%arg0: i32) -> (i32, i32) {
    %c0_i32 = arith.constant 0 : i32
    %c0_i32_0 = arith.constant 0 : i32
    %c0_i32_1 = arith.constant 0 : i32
    return %c0_i32, %c0_i32_0 : i32, i32
  }
  func.func @transform_9(%arg0: i32) -> (i32, i32) {
    %c0_i32 = arith.constant 0 : i32
    %c0_i32_0 = arith.constant 0 : i32
    %c0_i32_1 = arith.constant 0 : i32
    return %c0_i32, %c0_i32_0 : i32, i32
  }
  func.func @transform_10(%arg0: i32) -> (i32, i32) {
    %c0_i32 = arith.constant 0 : i32
    %c0_i32_0 = arith.constant 0 : i32
    %c0_i32_1 = arith.constant 0 : i32
    return %c0_i32, %c0_i32_0 : i32, i32
  }
  func.func @transform_11(%arg0: i32) -> (i32, i32) {
    %c0_i32 = arith.constant 0 : i32
    %c0_i32_0 = arith.constant 0 : i32
    %c0_i32_1 = arith.constant 0 : i32
    return %c0_i32, %c0_i32_0 : i32, i32
  }
  func.func @transform_12(%arg0: i32) -> (i32, i32) {
    %c0_i32 = arith.constant 0 : i32
    %c0_i32_0 = arith.constant 0 : i32
    %c0_i32_1 = arith.constant 0 : i32
    return %c0_i32, %c0_i32_0 : i32, i32
  }
  func.func @transform_13(%arg0: i32) -> (i32, i32) {
    %c0_i32 = arith.constant 0 : i32
    %c0_i32_0 = arith.constant 0 : i32
    %c0_i32_1 = arith.constant 0 : i32
    return %c0_i32, %c0_i32_0 : i32, i32
  }
  func.func @transform_14(%arg0: i32) -> (i32, i32) {
    %c0_i32 = arith.constant 0 : i32
    %c0_i32_0 = arith.constant 0 : i32
    return %arg0, %c0_i32 : i32, i32
  }
  func.func @transform_15(%arg0: i32) -> (i32, i32) {
    %c0_i32 = arith.constant 0 : i32
    %c0_i32_0 = arith.constant 0 : i32
    return %arg0, %c0_i32 : i32, i32
  }
}

module attributes {stable_mosaic.version = 14 : i64} {
  func.func @_gru2_body(%arg0: i32, %arg1: memref<2x1000x64xf32, #tpu.memory_space<vmem>>, %arg2: memref<1000x64xf32, #tpu.memory_space<vmem>>, %arg3: memref<2x1000x8xf32, #tpu.memory_space<vmem>>, %arg4: memref<1000x64xf32, #tpu.memory_space<vmem>>, %arg5: memref<64x64xf32, #tpu.memory_space<vmem>>, %arg6: memref<64x64xf32, #tpu.memory_space<vmem>>, %arg7: memref<64x64xf32, #tpu.memory_space<vmem>>, %arg8: memref<64x64xf32, #tpu.memory_space<vmem>>, %arg9: memref<64x64xf32, #tpu.memory_space<vmem>>, %arg10: memref<64x64xf32, #tpu.memory_space<vmem>>, %arg11: memref<1x64xf32, #tpu.memory_space<vmem>>, %arg12: memref<1x64xf32, #tpu.memory_space<vmem>>, %arg13: memref<1x64xf32, #tpu.memory_space<vmem>>, %arg14: memref<1x64xf32, #tpu.memory_space<vmem>>, %arg15: memref<1x64xf32, #tpu.memory_space<vmem>>, %arg16: memref<1x64xf32, #tpu.memory_space<vmem>>, %arg17: memref<1x64xf32, #tpu.memory_space<vmem>>, %arg18: memref<64x2xf32, #tpu.memory_space<vmem>>, %arg19: memref<1000x64xf32, #tpu.memory_space<vmem>>, %arg20: memref<1000x2xf32, #tpu.memory_space<vmem>>) attributes {dimension_semantics = [#tpu.dimension_semantics<arbitrary>], iteration_bounds = array<i64: 10>, scalar_prefetch = 0 : i64, scratch_operands = 0 : i64, tpu.core_type = #tpu.core_type<tc>, window_params = [{transform_indices = @transform_0, window_bounds = array<i64: 2, 1000, 64>}, {transform_indices = @transform_1, window_bounds = array<i64: 1000, 64>}, {transform_indices = @transform_2, window_bounds = array<i64: 2, 1000, 8>}, {transform_indices = @transform_3, window_bounds = array<i64: 1000, 64>}, {pipeline_mode = #tpu.pipeline_mode<synchronous>, transform_indices = @transform_4, window_bounds = array<i64: 64, 64>}, {pipeline_mode = #tpu.pipeline_mode<synchronous>, transform_indices = @transform_5, window_bounds = array<i64: 64, 64>}, {pipeline_mode = #tpu.pipeline_mode<synchronous>, transform_indices = @transform_6, window_bounds = array<i64: 64, 64>}, {pipeline_mode = #tpu.pipeline_mode<synchronous>, transform_indices = @transform_7, window_bounds = array<i64: 64, 64>}, {pipeline_mode = #tpu.pipeline_mode<synchronous>, transform_indices = @transform_8, window_bounds = array<i64: 64, 64>}, {pipeline_mode = #tpu.pipeline_mode<synchronous>, transform_indices = @transform_9, window_bounds = array<i64: 64, 64>}, {pipeline_mode = #tpu.pipeline_mode<synchronous>, transform_indices = @transform_10, window_bounds = array<i64: 1, 64>}, {pipeline_mode = #tpu.pipeline_mode<synchronous>, transform_indices = @transform_11, window_bounds = array<i64: 1, 64>}, {pipeline_mode = #tpu.pipeline_mode<synchronous>, transform_indices = @transform_12, window_bounds = array<i64: 1, 64>}, {pipeline_mode = #tpu.pipeline_mode<synchronous>, transform_indices = @transform_13, window_bounds = array<i64: 1, 64>}, {pipeline_mode = #tpu.pipeline_mode<synchronous>, transform_indices = @transform_14, window_bounds = array<i64: 1, 64>}, {pipeline_mode = #tpu.pipeline_mode<synchronous>, transform_indices = @transform_15, window_bounds = array<i64: 1, 64>}, {pipeline_mode = #tpu.pipeline_mode<synchronous>, transform_indices = @transform_16, window_bounds = array<i64: 1, 64>}, {pipeline_mode = #tpu.pipeline_mode<synchronous>, transform_indices = @transform_17, window_bounds = array<i64: 64, 2>}, {transform_indices = @transform_18, window_bounds = array<i64: 1000, 64>}, {transform_indices = @transform_19, window_bounds = array<i64: 1000, 2>}]} {
    %get3A = arith.constant 0 : index
    %get3A_0 = arith.constant 0 : index
    %get3A_1 = arith.constant 0 : index
    %get3A_2 = vector.load %arg3[%get3A, %get3A_0, %get3A_1] : memref<2x1000x8xf32, #tpu.memory_space<vmem>>, vector<2x1000x8xf32>
    %reduce_sum3A = arith.constant dense<0.000000e+00> : vector<1000xf32>
    %reduce_sum3A_3 = vector.multi_reduction <add>, %get3A_2, %reduce_sum3A [0, 2] : vector<2x1000x8xf32> to vector<1000xf32>
    %mul3A = arith.constant 1.250000e-01 : f32
    %mul3A_4 = vector.broadcast %mul3A : f32 to vector<1000xf32>
    %mul3A_5 = arith.mulf %reduce_sum3A_3, %mul3A_4 : vector<1000xf32>
    %add3A = arith.constant 1.000000e+00 : f32
    %add3A_6 = vector.broadcast %add3A : f32 to vector<1000xf32>
    %add3A_7 = arith.addf %add3A_6, %mul3A_5 : vector<1000xf32>
    %rsqrt3A = math.rsqrt %add3A_7 : vector<1000xf32>
    %get3A_8 = arith.constant 0 : index
    %get3A_9 = arith.constant 0 : index
    %get3A_10 = arith.constant 0 : index
    %get3A_11 = vector.load %arg1[%get3A_8, %get3A_9, %get3A_10] : memref<2x1000x64xf32, #tpu.memory_space<vmem>>, vector<1x1000x64xf32>
    %get3A_12 = vector.shape_cast %get3A_11 : vector<1x1000x64xf32> to vector<1000x64xf32>
    %get3A_13 = arith.constant 1 : index
    %get3A_14 = arith.constant 0 : index
    %get3A_15 = arith.constant 0 : index
    %get3A_16 = vector.load %arg1[%get3A_13, %get3A_14, %get3A_15] : memref<2x1000x64xf32, #tpu.memory_space<vmem>>, vector<1x1000x64xf32>
    %get3A_17 = vector.shape_cast %get3A_16 : vector<1x1000x64xf32> to vector<1000x64xf32>
    %add3A_18 = arith.addf %get3A_12, %get3A_17 : vector<1000x64xf32>
    %get3A_19 = arith.constant 0 : index
    %get3A_20 = arith.constant 0 : index
    %get3A_21 = vector.load %arg2[%get3A_19, %get3A_20] : memref<1000x64xf32, #tpu.memory_space<vmem>>, vector<1000x64xf32>
    %add3A_22 = arith.addf %add3A_18, %get3A_21 : vector<1000x64xf32>
    %broadcast_in_dim3A = vector.shape_cast %rsqrt3A : vector<1000xf32> to vector<1000x1xf32>
    %mul3A_23 = vector.broadcast %broadcast_in_dim3A : vector<1000x1xf32> to vector<1000x64xf32>
    %mul3A_24 = arith.mulf %add3A_22, %mul3A_23 : vector<1000x64xf32>
    %get3A_25 = arith.constant 0 : index
    %get3A_26 = arith.constant 0 : index
    %get3A_27 = vector.load %arg17[%get3A_25, %get3A_26] : memref<1x64xf32, #tpu.memory_space<vmem>>, vector<1x64xf32>
    %add3A_28 = vector.broadcast %get3A_27 : vector<1x64xf32> to vector<1000x64xf32>
    %add3A_29 = arith.addf %mul3A_24, %add3A_28 : vector<1000x64xf32>
    %ge3A = arith.constant 0.000000e+00 : f32
    %ge3A_30 = vector.broadcast %ge3A : f32 to vector<1000x64xf32>
    %ge3A_31 = arith.cmpf oge, %add3A_29, %ge3A_30 : vector<1000x64xf32>
    %mul3A_32 = arith.constant 0.00999999977 : f32
    %mul3A_33 = vector.broadcast %mul3A_32 : f32 to vector<1000x64xf32>
    %mul3A_34 = arith.mulf %mul3A_33, %add3A_29 : vector<1000x64xf32>
    %select_n3A = arith.select %ge3A_31, %add3A_29, %mul3A_34 : vector<1000x64xi1>, vector<1000x64xf32>
    %get3A_35 = arith.constant 0 : index
    %get3A_36 = arith.constant 0 : index
    %get3A_37 = vector.load %arg4[%get3A_35, %get3A_36] : memref<1000x64xf32, #tpu.memory_space<vmem>>, vector<1000x64xf32>
    %get3A_38 = arith.constant 0 : index
    %get3A_39 = arith.constant 0 : index
    %get3A_40 = vector.load %arg5[%get3A_38, %get3A_39] : memref<64x64xf32, #tpu.memory_space<vmem>>, vector<64x64xf32>
    %dot_general3A = arith.constant dense<0.000000e+00> : vector<1000x64xf32>
    %dot_general3A_41 = tpu.matmul %select_n3A, %get3A_40, %dot_general3A {dimension_numbers = #tpu.dot_dimension_numbers<[1], [1], [0], [0], [0, 0, 1, 0], [], []>, transpose_lhs_hint = false} : vector<1000x64xf32>, vector<64x64xf32>, vector<1000x64xf32> -> vector<1000x64xf32>
    %get3A_42 = arith.constant 0 : index
    %get3A_43 = arith.constant 0 : index
    %get3A_44 = vector.load %arg11[%get3A_42, %get3A_43] : memref<1x64xf32, #tpu.memory_space<vmem>>, vector<1x64xf32>
    %add3A_45 = vector.broadcast %get3A_44 : vector<1x64xf32> to vector<1000x64xf32>
    %add3A_46 = arith.addf %dot_general3A_41, %add3A_45 : vector<1000x64xf32>
    %get3A_47 = arith.constant 0 : index
    %get3A_48 = arith.constant 0 : index
    %get3A_49 = vector.load %arg6[%get3A_47, %get3A_48] : memref<64x64xf32, #tpu.memory_space<vmem>>, vector<64x64xf32>
    %dot_general3A_50 = arith.constant dense<0.000000e+00> : vector<1000x64xf32>
    %dot_general3A_51 = tpu.matmul %select_n3A, %get3A_49, %dot_general3A_50 {dimension_numbers = #tpu.dot_dimension_numbers<[1], [1], [0], [0], [0, 0, 1, 0], [], []>, transpose_lhs_hint = false} : vector<1000x64xf32>, vector<64x64xf32>, vector<1000x64xf32> -> vector<1000x64xf32>
    %get3A_52 = arith.constant 0 : index
    %get3A_53 = arith.constant 0 : index
    %get3A_54 = vector.load %arg12[%get3A_52, %get3A_53] : memref<1x64xf32, #tpu.memory_space<vmem>>, vector<1x64xf32>
    %add3A_55 = vector.broadcast %get3A_54 : vector<1x64xf32> to vector<1000x64xf32>
    %add3A_56 = arith.addf %dot_general3A_51, %add3A_55 : vector<1000x64xf32>
    %get3A_57 = arith.constant 0 : index
    %get3A_58 = arith.constant 0 : index
    %get3A_59 = vector.load %arg7[%get3A_57, %get3A_58] : memref<64x64xf32, #tpu.memory_space<vmem>>, vector<64x64xf32>
    %dot_general3A_60 = arith.constant dense<0.000000e+00> : vector<1000x64xf32>
    %dot_general3A_61 = tpu.matmul %select_n3A, %get3A_59, %dot_general3A_60 {dimension_numbers = #tpu.dot_dimension_numbers<[1], [1], [0], [0], [0, 0, 1, 0], [], []>, transpose_lhs_hint = false} : vector<1000x64xf32>, vector<64x64xf32>, vector<1000x64xf32> -> vector<1000x64xf32>
    %get3A_62 = arith.constant 0 : index
    %get3A_63 = arith.constant 0 : index
    %get3A_64 = vector.load %arg13[%get3A_62, %get3A_63] : memref<1x64xf32, #tpu.memory_space<vmem>>, vector<1x64xf32>
    %add3A_65 = vector.broadcast %get3A_64 : vector<1x64xf32> to vector<1000x64xf32>
    %add3A_66 = arith.addf %dot_general3A_61, %add3A_65 : vector<1000x64xf32>
    %get3A_67 = arith.constant 0 : index
    %get3A_68 = arith.constant 0 : index
    %get3A_69 = vector.load %arg8[%get3A_67, %get3A_68] : memref<64x64xf32, #tpu.memory_space<vmem>>, vector<64x64xf32>
    %dot_general3A_70 = arith.constant dense<0.000000e+00> : vector<1000x64xf32>
    %dot_general3A_71 = tpu.matmul %get3A_37, %get3A_69, %dot_general3A_70 {dimension_numbers = #tpu.dot_dimension_numbers<[1], [1], [0], [0], [0, 0, 1, 0], [], []>, transpose_lhs_hint = false} : vector<1000x64xf32>, vector<64x64xf32>, vector<1000x64xf32> -> vector<1000x64xf32>
    %get3A_72 = arith.constant 0 : index
    %get3A_73 = arith.constant 0 : index
    %get3A_74 = vector.load %arg14[%get3A_72, %get3A_73] : memref<1x64xf32, #tpu.memory_space<vmem>>, vector<1x64xf32>
    %add3A_75 = vector.broadcast %get3A_74 : vector<1x64xf32> to vector<1000x64xf32>
    %add3A_76 = arith.addf %dot_general3A_71, %add3A_75 : vector<1000x64xf32>
    %get3A_77 = arith.constant 0 : index
    %get3A_78 = arith.constant 0 : index
    %get3A_79 = vector.load %arg9[%get3A_77, %get3A_78] : memref<64x64xf32, #tpu.memory_space<vmem>>, vector<64x64xf32>
    %dot_general3A_80 = arith.constant dense<0.000000e+00> : vector<1000x64xf32>
    %dot_general3A_81 = tpu.matmul %get3A_37, %get3A_79, %dot_general3A_80 {dimension_numbers = #tpu.dot_dimension_numbers<[1], [1], [0], [0], [0, 0, 1, 0], [], []>, transpose_lhs_hint = false} : vector<1000x64xf32>, vector<64x64xf32>, vector<1000x64xf32> -> vector<1000x64xf32>
    %get3A_82 = arith.constant 0 : index
    %get3A_83 = arith.constant 0 : index
    %get3A_84 = vector.load %arg15[%get3A_82, %get3A_83] : memref<1x64xf32, #tpu.memory_space<vmem>>, vector<1x64xf32>
    %add3A_85 = vector.broadcast %get3A_84 : vector<1x64xf32> to vector<1000x64xf32>
    %add3A_86 = arith.addf %dot_general3A_81, %add3A_85 : vector<1000x64xf32>
    %get3A_87 = arith.constant 0 : index
    %get3A_88 = arith.constant 0 : index
    %get3A_89 = vector.load %arg10[%get3A_87, %get3A_88] : memref<64x64xf32, #tpu.memory_space<vmem>>, vector<64x64xf32>
    %dot_general3A_90 = arith.constant dense<0.000000e+00> : vector<1000x64xf32>
    %dot_general3A_91 = tpu.matmul %get3A_37, %get3A_89, %dot_general3A_90 {dimension_numbers = #tpu.dot_dimension_numbers<[1], [1], [0], [0], [0, 0, 1, 0], [], []>, transpose_lhs_hint = false} : vector<1000x64xf32>, vector<64x64xf32>, vector<1000x64xf32> -> vector<1000x64xf32>
    %get3A_92 = arith.constant 0 : index
    %get3A_93 = arith.constant 0 : index
    %get3A_94 = vector.load %arg16[%get3A_92, %get3A_93] : memref<1x64xf32, #tpu.memory_space<vmem>>, vector<1x64xf32>
    %add3A_95 = vector.broadcast %get3A_94 : vector<1x64xf32> to vector<1000x64xf32>
    %add3A_96 = arith.addf %dot_general3A_91, %add3A_95 : vector<1000x64xf32>
    %add3A_97 = arith.addf %add3A_46, %add3A_76 : vector<1000x64xf32>
    %logistic3A = arith.negf %add3A_97 : vector<1000x64xf32>
    %logistic3A_98 = math.exp %logistic3A : vector<1000x64xf32>
    %logistic3A_99 = arith.constant 1.000000e+00 : f32
    %logistic3A_100 = vector.broadcast %logistic3A_99 : f32 to vector<1000x64xf32>
    %logistic3A_101 = arith.addf %logistic3A_100, %logistic3A_98 : vector<1000x64xf32>
    %logistic3A_102 = arith.divf %logistic3A_100, %logistic3A_101 : vector<1000x64xf32>
    %add3A_103 = arith.addf %add3A_56, %add3A_86 : vector<1000x64xf32>
    %logistic3A_104 = arith.negf %add3A_103 : vector<1000x64xf32>
    %logistic3A_105 = math.exp %logistic3A_104 : vector<1000x64xf32>
    %logistic3A_106 = arith.constant 1.000000e+00 : f32
    %logistic3A_107 = vector.broadcast %logistic3A_106 : f32 to vector<1000x64xf32>
    %logistic3A_108 = arith.addf %logistic3A_107, %logistic3A_105 : vector<1000x64xf32>
    %logistic3A_109 = arith.divf %logistic3A_107, %logistic3A_108 : vector<1000x64xf32>
    %mul3A_110 = arith.mulf %logistic3A_102, %add3A_96 : vector<1000x64xf32>
    %add3A_111 = arith.addf %add3A_66, %mul3A_110 : vector<1000x64xf32>
    %tanh3A = math.tanh %add3A_111 : vector<1000x64xf32>
    %sub3A = arith.constant 1.000000e+00 : f32
    %sub3A_112 = vector.broadcast %sub3A : f32 to vector<1000x64xf32>
    %sub3A_113 = arith.subf %sub3A_112, %logistic3A_109 : vector<1000x64xf32>
    %mul3A_114 = arith.mulf %sub3A_113, %tanh3A : vector<1000x64xf32>
    %mul3A_115 = arith.mulf %logistic3A_109, %get3A_37 : vector<1000x64xf32>
    %add3A_116 = arith.addf %mul3A_114, %mul3A_115 : vector<1000x64xf32>
    %swap3A = arith.constant 0 : index
    %swap3A_117 = arith.constant 0 : index
    %swap3A_118 = vector.load %arg19[%swap3A, %swap3A_117] : memref<1000x64xf32, #tpu.memory_space<vmem>>, vector<1000x64xf32>
    tpu.vector_store %arg19[%swap3A, %swap3A_117], %add3A_116 {strides = array<i32>} : memref<1000x64xf32, #tpu.memory_space<vmem>>, vector<1000x64xf32>,
    %get3A_119 = arith.constant 0 : index
    %get3A_120 = arith.constant 0 : index
    %get3A_121 = vector.load %arg18[%get3A_119, %get3A_120] : memref<64x2xf32, #tpu.memory_space<vmem>>, vector<64x2xf32>
    %dot_general3A_122 = arith.constant dense<0.000000e+00> : vector<1000x2xf32>
    %dot_general3A_123 = tpu.matmul %add3A_116, %get3A_121, %dot_general3A_122 {dimension_numbers = #tpu.dot_dimension_numbers<[1], [0], [0], [1], [0, 0, 1, 1], [], []>, transpose_lhs_hint = false} : vector<1000x64xf32>, vector<64x2xf32>, vector<1000x2xf32> -> vector<1000x2xf32>
    %swap3A_124 = arith.constant 0 : index
    %swap3A_125 = arith.constant 0 : index
    %swap3A_126 = vector.load %arg20[%swap3A_124, %swap3A_125] : memref<1000x2xf32, #tpu.memory_space<vmem>>, vector<1000x2xf32>
    tpu.vector_store %arg20[%swap3A_124, %swap3A_125], %dot_general3A_123 {strides = array<i32>} : memref<1000x2xf32, #tpu.memory_space<vmem>>, vector<1000x2xf32>,
    return
  }
  func.func @transform_0(%arg0: i32) -> (i32, i32, i32) {
    %c0_i32 = arith.constant 0 : i32
    %c0_i32_0 = arith.constant 0 : i32
    %c0_i32_1 = arith.constant 0 : i32
    return %c0_i32, %arg0, %c0_i32_0 : i32, i32, i32
  }
  func.func @transform_1(%arg0: i32) -> (i32, i32) {
    %c0_i32 = arith.constant 0 : i32
    %c0_i32_0 = arith.constant 0 : i32
    return %arg0, %c0_i32 : i32, i32
  }
  func.func @transform_2(%arg0: i32) -> (i32, i32, i32) {
    %c0_i32 = arith.constant 0 : i32
    %c0_i32_0 = arith.constant 0 : i32
    %c0_i32_1 = arith.constant 0 : i32
    return %c0_i32, %arg0, %c0_i32_0 : i32, i32, i32
  }
  func.func @transform_3(%arg0: i32) -> (i32, i32) {
    %c0_i32 = arith.constant 0 : i32
    %c0_i32_0 = arith.constant 0 : i32
    return %arg0, %c0_i32 : i32, i32
  }
  func.func @transform_4(%arg0: i32) -> (i32, i32) {
    %c0_i32 = arith.constant 0 : i32
    %c0_i32_0 = arith.constant 0 : i32
    %c0_i32_1 = arith.constant 0 : i32
    return %c0_i32, %c0_i32_0 : i32, i32
  }
  func.func @transform_5(%arg0: i32) -> (i32, i32) {
    %c0_i32 = arith.constant 0 : i32
    %c0_i32_0 = arith.constant 0 : i32
    %c0_i32_1 = arith.constant 0 : i32
    return %c0_i32, %c0_i32_0 : i32, i32
  }
  func.func @transform_6(%arg0: i32) -> (i32, i32) {
    %c0_i32 = arith.constant 0 : i32
    %c0_i32_0 = arith.constant 0 : i32
    %c0_i32_1 = arith.constant 0 : i32
    return %c0_i32, %c0_i32_0 : i32, i32
  }
  func.func @transform_7(%arg0: i32) -> (i32, i32) {
    %c0_i32 = arith.constant 0 : i32
    %c0_i32_0 = arith.constant 0 : i32
    %c0_i32_1 = arith.constant 0 : i32
    return %c0_i32, %c0_i32_0 : i32, i32
  }
  func.func @transform_8(%arg0: i32) -> (i32, i32) {
    %c0_i32 = arith.constant 0 : i32
    %c0_i32_0 = arith.constant 0 : i32
    %c0_i32_1 = arith.constant 0 : i32
    return %c0_i32, %c0_i32_0 : i32, i32
  }
  func.func @transform_9(%arg0: i32) -> (i32, i32) {
    %c0_i32 = arith.constant 0 : i32
    %c0_i32_0 = arith.constant 0 : i32
    %c0_i32_1 = arith.constant 0 : i32
    return %c0_i32, %c0_i32_0 : i32, i32
  }
  func.func @transform_10(%arg0: i32) -> (i32, i32) {
    %c0_i32 = arith.constant 0 : i32
    %c0_i32_0 = arith.constant 0 : i32
    %c0_i32_1 = arith.constant 0 : i32
    return %c0_i32, %c0_i32_0 : i32, i32
  }
  func.func @transform_11(%arg0: i32) -> (i32, i32) {
    %c0_i32 = arith.constant 0 : i32
    %c0_i32_0 = arith.constant 0 : i32
    %c0_i32_1 = arith.constant 0 : i32
    return %c0_i32, %c0_i32_0 : i32, i32
  }
  func.func @transform_12(%arg0: i32) -> (i32, i32) {
    %c0_i32 = arith.constant 0 : i32
    %c0_i32_0 = arith.constant 0 : i32
    %c0_i32_1 = arith.constant 0 : i32
    return %c0_i32, %c0_i32_0 : i32, i32
  }
  func.func @transform_13(%arg0: i32) -> (i32, i32) {
    %c0_i32 = arith.constant 0 : i32
    %c0_i32_0 = arith.constant 0 : i32
    %c0_i32_1 = arith.constant 0 : i32
    return %c0_i32, %c0_i32_0 : i32, i32
  }
  func.func @transform_14(%arg0: i32) -> (i32, i32) {
    %c0_i32 = arith.constant 0 : i32
    %c0_i32_0 = arith.constant 0 : i32
    %c0_i32_1 = arith.constant 0 : i32
    return %c0_i32, %c0_i32_0 : i32, i32
  }
  func.func @transform_15(%arg0: i32) -> (i32, i32) {
    %c0_i32 = arith.constant 0 : i32
    %c0_i32_0 = arith.constant 0 : i32
    %c0_i32_1 = arith.constant 0 : i32
    return %c0_i32, %c0_i32_0 : i32, i32
  }
  func.func @transform_16(%arg0: i32) -> (i32, i32) {
    %c0_i32 = arith.constant 0 : i32
    %c0_i32_0 = arith.constant 0 : i32
    %c0_i32_1 = arith.constant 0 : i32
    return %c0_i32, %c0_i32_0 : i32, i32
  }
  func.func @transform_17(%arg0: i32) -> (i32, i32) {
    %c0_i32 = arith.constant 0 : i32
    %c0_i32_0 = arith.constant 0 : i32
    %c0_i32_1 = arith.constant 0 : i32
    return %c0_i32, %c0_i32_0 : i32, i32
  }
  func.func @transform_18(%arg0: i32) -> (i32, i32) {
    %c0_i32 = arith.constant 0 : i32
    %c0_i32_0 = arith.constant 0 : i32
    return %arg0, %c0_i32 : i32, i32
  }
  func.func @transform_19(%arg0: i32) -> (i32, i32) {
    %c0_i32 = arith.constant 0 : i32
    %c0_i32_0 = arith.constant 0 : i32
    return %arg0, %c0_i32 : i32, i32
  }
}

</mosaic_0001>

<sc_bundles>
// kernel: kernel.12.cloned.1.call-start
scs
__scs_entry_jumppad:
0x0: {  	(pc) =	sbr.rel $0x88, $3  }
0x1: {  	(tag) =	ssettag $0x0;
	lr =	simm.s32 $0x1  }
0x2: {  	[smem:$0x3F89] =	sst lr;
	_ =	strace $0xD0000000  }
0x3: {  	_ = 	snop  }
0x4: {  	_ = 	snop  }
0x5: {  	_ = 	snop  }
0x6: {  	_ = 	snop  }
0x7: {  	_ = 	snop  }
__scs_overlays_trampoline_lowered:
0x8: {  	[smem:$0x3F98] =	sst s0  }
0x9: {  	[smem:$0x3F99] =	sst s1  }
0xa: {  	[smem:$0x3F9A] =	sst s2  }
0xb: {  	[smem:$0x3F9B] =	sst s3  }
0xc: {  	[smem:$0x3F9C] =	sst s4  }
0xd: {  	[smem:$0x3F9D] =	sst s5  }
0xe: {  	[smem:$0x3F9E] =	sst s6  }
0xf: {  	[smem:$0x3F9F] =	sst s7  }
0x10: {  	[smem:$0x3FA0] =	sst s8  }
0x11: {  	[smem:$0x3FA1] =	sst s9;
	s0 =	simm.s32 @!p0 $0x0  }
0x12: {  	s1 =	sld [smem:$0x3F87];
	s0 =	simm.s32 @p0 $0x1  }
0x13: {  	[smem:$0x3FA2] =	sst s0;
	s0 =	simm.s32 @!p1 $0x0  }
0x14: {  	s2 =	sld [smem:$0x3F86];
	s0 =	simm.s32 @p1 $0x1  }
0x15: {  	[smem:$0x3FA3] =	sst s0;
	s0 =	simm.s32 @!p2 $0x0  }
0x16: {  	s3 =	sld [smem:$0x3FDB];
	s0 =	simm.s32 @p2 $0x1  }
0x17: {  	s4 =	simm.s32 $0x1BF5;
	[smem:$0x3FA5] =	sst s0  }
0x18: {  	s0 =	sld [smem:$0x3F88];
	_ =	swait.ge [sflag:s4], $0x0  }
0x19: {  	s7 =	sld [smem:$0x3F89]  }
0x1a: {  	s8 =	sadd.s32 $0xFFFFE003, lr  }
0x1b: {  	s9 =	sadd.s32 $0xFFFFFEF7, lr;
	s5 =	simm.s32 $0xFFFFFFFF;
	p2 =	slt.u32 s8, $0xFFFFF086  }
0x1c: {  	p1 =	slt.u32 s9, $0xF7A;
	s5 =	simm.s32 @!p2 $0x0  }
0x1d: {  	s5 =	simm.s32 @p1 $0x1;
	p0 =	seq.s32 s7, s2  }
0x1e: {  	s7 =	smul.u32 @!p0 $0xF7A, s2;
	p2 =	seq.s32 @!p0 s5, $0x0  }
0x1f: {  	s9 =	smul.u32 $0xF7A, s1;
	s8 =	simm.s32 @!p0 $0x1BF5;
	p2 =	por !p2, p0  }
0x20: {  	[sflag:s8] =	ssyncset.s32 @!p0 $0xFFFFF086;
	s6 =	sadd.s32 @!p0 s3, s7;
	s7 =	simm.s32 @!p0 $0x108  }
0x21: {  	s3 =	sadd.s32 s3, s9;
	s6 =	sadd.s32 @!p0 $0x88, s6;
	s7 =	simm.s32 @p2 $0x1082  }
0x22: {  	[simem:s7], [sflag:s8] =	dma.local @!p0 [hbm:s6], $0xF7A  }
0x23: {  	s9 =	sor.u32 $0xD0000000, s2;
	s6 =	simm.s32 $0x108;
	_ =	swait.ge @!p0 [sflag:s8], $0x0  }
0x24: {  	s3 =	sadd.s32 $0x88, s3;
	s6 =	simm.s32 @!p1 $0x1082;
	[sflag:s4] =	ssyncset.s32 $0xFFFFF086  }
0x25: {  	[simem:s6], [sflag:s4] =	dma.local [hbm:s3], $0xF7A  }
0x26: {  	[smem:$0x3F89] =	sst s1;
	(tag) =	ssettag s2;
	_ =	strace s9  }
0x27: {  	s1 =	sld [smem:$0x3F99]  }
0x28: {  	s2 =	sld [smem:$0x3F9A]  }
0x29: {  	s4 =	sld [smem:$0x3F9C]  }
0x2a: {  	p0 =	seq.s32 s5, $0x0;
	s5 =	sld [smem:$0x3F9D]  }
0x2b: {  	s6 =	sld [smem:$0x3F9E]  }
0x2c: {  	s7 =	sld [smem:$0x3F9F]  }
0x2d: {  	s3 =	simm.s32 $0x108;
	s8 =	sld [smem:$0x3FA0]  }
0x2e: {  	s3 =	simm.s32 @!p0 $0x1082;
	s9 =	sld [smem:$0x3FA1]  }
0x2f: {  	lr =	sadd.s32 s0, s3;
	s0 =	sld [smem:$0x3F98]  }
0x30: {  	s3 =	sld [smem:$0x3F9B]  }
0x31: {  	[smem:$0x3FA4] =	sst s10  }
0x32: {  	s10 =	sld [smem:$0x3FA2];
	_ =	sdelay $0x3  }
0x33: {  	p0 =	seq.s32 s10, $0x1;
	s10 =	sld [smem:$0x3FA4];
	_ =	sdelay $0x3  }
0x34: {  	[smem:$0x3FA4] =	sst s10  }
0x35: {  	s10 =	sld [smem:$0x3FA3];
	_ =	sdelay $0x3  }
0x36: {  	p1 =	seq.s32 s10, $0x1;
	s10 =	sld [smem:$0x3FA4];
	_ =	sdelay $0x3  }
0x37: {  	[smem:$0x3FA4] =	sst s10  }
0x38: {  	s10 =	sld [smem:$0x3FA5]  }
0x39: {  	_ = 	snop;
	(pc) =	sbr.ind lr, $3  }
0x3a: {  	_ = 	snop  }
0x3b: {  	_ = 	snop  }
0x3c: {  	p2 =	seq.s32 s10, $0x1;
	s10 =	sld [smem:$0x3FA4]  }
0x3d: {  	_ =	shalt  }
0x3e: {  	_ =	shalt  }
0x3f: {  	_ =	shalt  }
0x40: {  	_ =	shalt  }
0x41: {  	_ =	shalt  }
0x42: {  	_ =	shalt  }
0x43: {  	_ =	shalt  }
0x44: {  	_ =	shalt  }
0x45: {  	_ =	shalt  }
0x46: {  	_ =	shalt  }
0x47: {  	_ =	shalt  }
0x48: {  	_ =	shalt  }
0x49: {  	_ =	shalt  }
0x4a: {  	_ =	shalt  }
0x4b: {  	_ =	shalt  }
0x4c: {  	_ =	shalt  }
0x4d: {  	_ =	shalt  }
0x4e: {  	_ =	shalt  }
0x4f: {  	_ =	shalt  }
0x50: {  	_ =	shalt  }
0x51: {  	_ =	shalt  }
0x52: {  	_ =	shalt  }
0x53: {  	_ =	shalt  }
0x54: {  	_ =	shalt  }
0x55: {  	_ =	shalt  }
0x56: {  	_ =	shalt  }
0x57: {  	_ =	shalt  }
0x58: {  	_ =	shalt  }
0x59: {  	_ =	shalt  }
0x5a: {  	_ =	shalt  }
0x5b: {  	_ =	shalt  }
0x5c: {  	_ =	shalt  }
0x5d: {  	_ =	shalt  }
0x5e: {  	_ =	shalt  }
0x5f: {  	_ =	shalt  }
0x60: {  	_ =	shalt  }
0x61: {  	_ =	shalt  }
0x62: {  	_ =	shalt  }
0x63: {  	_ =	shalt  }
0x64: {  	_ =	shalt  }
0x65: {  	_ =	shalt  }
0x66: {  	_ =	shalt  }
0x67: {  	_ =	shalt  }
0x68: {  	_ =	shalt  }
0x69: {  	_ =	shalt  }
0x6a: {  	_ =	shalt  }
0x6b: {  	_ =	shalt  }
0x6c: {  	_ =	shalt  }
0x6d: {  	_ =	shalt  }
0x6e: {  	_ =	shalt  }
0x6f: {  	_ =	shalt  }
0x70: {  	_ =	shalt  }
0x71: {  	_ =	shalt  }
0x72: {  	_ =	shalt  }
0x73: {  	_ =	shalt  }
0x74: {  	_ =	shalt  }
0x75: {  	_ =	shalt  }
0x76: {  	_ =	shalt  }
0x77: {  	_ =	shalt  }
0x78: {  	_ =	shalt  }
0x79: {  	_ =	shalt  }
0x7a: {  	_ =	shalt  }
0x7b: {  	_ =	shalt  }
0x7c: {  	_ =	shalt  }
0x7d: {  	_ =	shalt  }
0x7e: {  	_ =	shalt  }
0x7f: {  	_ =	shalt  }
0x80: {  	_ =	shalt  }
0x81: {  	_ =	shalt  }
0x82: {  	_ =	shalt  }
0x83: {  	_ =	shalt  }
0x84: {  	_ =	shalt  }
0x85: {  	_ =	shalt  }
0x86: {  	_ =	shalt  }
0x87: {  	_ =	shalt  }
.Lfunc_end0:
.L_simem_size_0:
called_computation_lowered:
.L_overlay_start_0:
0x88: {  	s2 =	sld [smem:$0x3FD9]  }
0x89: {  	s3 =	sld [smem:$0x3FFE];
	_ =	sdelay $0x1  }
0x8a: {  	s1 =	srdreg.scid  }
0x8b: {  	s0 =	sand.u32 $0x1, s1  }
0x8c: {  	s14 =	sshll.u32 s0, $0xA;
	s2 =	sadd.s32 s3, s2  }
0x8d: {  	s2 =	sadd.s32 s2, s14  }
0x8e: {  	[smem:$0x3FB0] =	sst s2  }
0x8f: {  	_ = 	snop  }
0x90: {  	s2 =	sld [smem:$0x3FD0];
	_ =	sdelay $0x2  }
0x91: {  	s15 =	simm.s32 $0xB;
	s4 =	simm.s32 $0x10  }
0x92: {  	[smem:s4], [sflag:s15] =	dma.local [hbm:s2], $0x1  }
0x93: {  	_ =	swait.eq [sflag:s15], $0x1  }
0x94: {  	s16 =	sld [smem:$0x10];
	[sflag:s15] =	ssyncset.done $0x0  }
0x95: {  	s17 =	sld [smem:$0x11];
	[sflag:s15] =	ssyncadd.s32 $0xFFFFFFFF  }
0x96: {  	s18 =	sld [smem:$0x12];
	(tm) =	ssettm $0x1  }
0x97: {  	s5 =	sld [smem:$0x3FFB];
	_ =	sdelay $0x3  }
0x98: {  	_ =	strace s5  }
0x99: {  	s5 =	sld [smem:$0x3FFC];
	_ =	sdelay $0x3  }
0x9a: {  	_ =	strace s5  }
0x9b: {  	s5 =	sld [smem:$0x3FFD];
	_ =	sdelay $0x3  }
0x9c: {  	_ =	strace s5  }
0x9d: {  	_ =	strace $0x8FFFFFFF  }
0x9e: {  	s19 =	sld [smem:$0x3FDB];
	_ =	sdelay $0x1  }
0x9f: {  	s6 =	simm.s32 $_scs_section_size  }
0xa0: {  	s7 =	simm.s32 $_size__tile_overlayer_lowered;
	s8 =	simm.s32 $_tile_overlayer_lowered  }
0xa1: {  	s22 =	simm.s32 $0x1BFF;
	s21 =	sshll.u32 s8, $0x1;
	s5 =	sadd.s32 s6, s19  }
0xa2: {  	s9 =	simm.s32 $0x0;
	s20 =	sshll.u32 s7, $0x1;
	s7 =	sadd.s32 s21, s5  }
0xa3: {  	[timem:s9], [sflag:s22] =	dma.local [hbm:s7], s20  }
0xa4: {  	_ =	swait.ge [sflag:s22], s20  }
0xa5: {  	s6 =	ssub.s32 $0x0, s20;
	[sflag:s22] =	ssyncset.done $0x0  }
0xa6: {  	[sflag:s22] =	ssyncadd.s32 s6;
	_ =	sdelay $0x1  }
0xa7: {  	s23 =	simm.s32 $0x1B8B  }
0xa8: {  	_ =	swait.ge [sflag:s23], $0x1  }
0xa9: {  	[sflag:s23] =	ssyncset.done $0x0  }
0xaa: {  	s25 =	simm.s32 $0x1B8E;
	s24 =	sld [smem:$0x3FFE];
	[sflag:s23] =	ssyncadd.s32 $0xFFFFFFFF  }
0xab: {  	s26 =	simm.s32 $execute0_lowered;
	[smem:$0x3FD2] =	sst s25  }
0xac: {  	s7 =	sshll.u32 s26, $0x1;
	_ =	strace $0x80000046;
	[dreg:$0x1] =	wrdreg $0xFFFFFFFF  }
0xad: {  	s28 =	simm.s32 $_size_execute0_lowered;
	s5 =	sadd.s32 s5, s7;
	[dreg:$0x0] =	wrdreg $0x0  }
0xae: {  	s7 =	sshll.u32 s28, $0x1;
	[dreg:$0x2] =	wrdreg s5  }
0xaf: {  	[dreg:$0x3] =	wrdreg s7  }
0xb0: {  	[dreg:$0x4] =	wrdreg $0xC0  }
0xb1: {  	_ =	task [dreg:s9], $0x5FFFF  }
0xb2: {  	[dreg:$0x1] =	wrdreg $0xFFFFFFFF  }
0xb3: {  	[dreg:$0x0] =	wrdreg $0x60  }
0xb4: {  	[dreg:$0x2] =	wrdreg s24  }
0xb5: {  	[dreg:$0x3] =	wrdreg s17  }
0xb6: {  	[dreg:$0x4] =	wrdreg s18  }
0xb7: {  	[dreg:$0x5] =	wrdreg s16  }
0xb8: {  	[dreg:$0x6] =	wrdreg $0x2C000  }
0xb9: {  	[dreg:$0x7] =	wrdreg $0x9  }
0xba: {  	_ =	task.clear_ibuf [dreg:s9], $0x8FFFF;
	_ =	strace $0x90000046  }
0xbb: {  	s29 =	simm.s32 $0x9;
	_ =	strace $0x80000048  }
0xbc: {  	_ =	swait.ge [sflag:s29], $0x1  }
0xbd: {  	[sflag:s29] =	ssyncadd.s32 $0xFFFFFFFF  }
0xbe: {  	_ =	strace $0x90000048  }
0xbf: {  	_ =	sfence  }
0xc0: {  	s30 =	sld [smem:$0x0];
	_ =	sdelay $0x2  }
0xc1: {  	s31 =	sshll.u32 s1, $0xD;
	s1 =	sshrl.u32 s1, $0x2  }
0xc2: {  	s3 =	sand.u32 $0x4000, s31;
	s1 =	sadd.s32 s1, s30  }
0xc3: {  	s0 =	sor.u32 s3, s0;
	s1 =	sshll.u32 s1, $0x11  }
0xc4: {  	s0 =	sor.u32 s1, s0  }
0xc5: {  	s0 =	sadd.s32 $0x8F2B, s0  }
0xc6: {  	[sflag:s0] =	ssyncadd.remote.s32 $0x1  }
0xc7: {  	_ =	sfence.sel $0xFFFF  }
0xc8: {  	[dreg:$0x0] =	wrdreg $0xFFFFFFFF;
	(pc) =	sbr.abs _section_cstart, $3  }
0xc9: {  	[dreg:$0x1] =	wrdreg $0xFFFFFFFF  }
0xca: {  	_ =	task.clear_ibuf [dreg:s9], $0x2FFFF;
	_ =	strace $0x9FFFFFFF  }
0xcb: {  	(tm) =	ssettm $0x7FFFFFFF  }
tec
execute0_lowered:
.L_overlay_start_1:
0x0: {  	(tag) =	ssettag $0x1  }
0x1: {  	s5 =	rddreg [dreg:$0x0]  }
0x2: {  	s0 =	rddreg [dreg:$0x1]  }
0x3: {  	s6 =	rddreg [dreg:$0x2]  }
0x4: {  	s8 =	rddreg [dreg:$0x3]  }
0x5: {  	s1 =	srdreg.scid;
	s3 =	rddreg [dreg:$0x4];
	s4 =	simm.s32 $0x0  }
0x6: {  	s13 =	simm.s32 $0x80;
	s7 =	sand.u32 $0x1, s1;
	s1 =	stileid.u32  }
0x7: {  	s14 =	simm.s32 $0x0;
	[smem:$0x7FF] =	sst s4;
	s11 =	smul.u32 $0x13C0, s1  }
0x8: {  	s2 =	sshll.u32 s7, $0x4;
	s10 =	ssub.s32 $0x2, s7;
	s7 =	smul.u32 $0x13C00, s7  }
0x9: {  	s31 =	sshll.u32 s1, $0x6;
	s9 =	sor.u32 s1, s2;
	s2 =	rddreg [dreg:$0x5]  }
0xa: {  	s12 =	sshrl.u32 s10, $0x1;
	_ =	strace $0x80000047;
	s9 =	smul.u32 $0x2800, s9  }
0xb: {  	s10 =	ssub.s32 s10, s12;
	s29 =	sshrl.u32 s11, $0x3;
	s7 =	sadd.s32 s11, s7  }
0xc: {  	s30 =	sadd.s32 s11, s3;
	s11 =	sor.u32 $0x1C01, s31;
	s6 =	sadd.s32 s6, s29  }
0xd: {  	s7 =	sshrl.u32 s7, $0x3;
	s12 =	sshrl.u32 s30, $0x3;
	s9 =	sshrl.u32 s9, $0x3  }
0xe: {  	s7 =	sadd.s32 s8, s7;
	s8 =	smax.u32 s10, $0x1;
	s5 =	sadd.s32 s5, s9  }
0xf: {  	s10 =	simm.s32 $0x2800;
	s9 =	simm.s32 $0x1;
	s5 =	sadd.s32 $0x11600, s5  }
.LBB2_1:
0x10: {  	[tilespmem:s4], [sflag:$0x1] =	stream.linear.gather [hbm4b:s5+s4], $0x2800, $0x38;
	[tilespmem:$0x3FC0] =	vst v63  }
0x11: {  	_ =	swait.ge [sflag:s9], $0x2800  }
0x12: {  	[sflag:s9] =	ssyncset.done $0x0  }
0x13: {  	[sflag:s9] =	ssyncadd.s32 $0xFFFFD800  }
0x14: {  	[tilespmem:s10], [sflag:$0x1] =	stream.linear.gather [hbm4b:s0+s4], $0x400, $0x38;
	[tilespmem:$0x3FC0] =	vst v63  }
0x15: {  	_ =	swait.ge [sflag:s9], $0x400  }
0x16: {  	[sflag:s9] =	ssyncset.done $0x0  }
0x17: {  	[sflag:s9] =	ssyncadd.s32 $0xFFFFFC00  }
0x18: {  	[spmem:s12], [sflag:s11] =	dma.local [hbm:s6], $0x278  }
0x19: {  	_ =	swait.ge [sflag:s9], $0x278  }
0x1a: {  	[sflag:s9] =	ssyncset.done $0x0  }
0x1b: {  	[sflag:s9] =	ssyncadd.s32 $0xFFFFFD88  }
0x1c: {  	s15 =	simm.s32 $0x0;
	[bflag:$0x0] =	sbarrier.arrive $0xFFFF  }
0x1d: {  	[spmem:s3] =	stream.indirect.scatter.add.f32 [tilespmem:s10], [sflag:$0x1], $0x8, s15, s13, $0xb8;
	[tilespmem:$0x3FC0] =	vst v63  }
0x1e: {  	_ =	swait.ge [sflag:s9], $0x400  }
0x1f: {  	s15 =	simm.s32 $0x200;
	[sflag:s9] =	ssyncset.done $0x0  }
.LBB2_2:
0x20: {  	s16 =	sshra.s32 s15, $0x2;
	[sflag:s9] =	ssyncadd.s32 $0xFFFFFC00;
	p0 =	sne.s32 s15, $0x9E00  }
0x21: {  	[spmem:s3] =	stream.indirect.scatter.add.f32 [tilespmem:s10], [sflag:$0x1], $0x8, s16, s13, $0xb8;
	[tilespmem:$0x3FC0] =	vst v63  }
.Ltmp0:
0x22: {  	_ = 	snop;
	(pc) =	sbr.rel @p0 .LBB2_2-.Ltmp0, $4  }
0x23: {  	_ = 	snop  }
0x24: {  	s15 =	sadd.s32 $0x200, s15  }
0x25: {  	_ =	swait.ge [sflag:s9], $0x400  }
0x26: {  	[sflag:s9] =	ssyncset.done $0x0  }
0x27: {  	s14 =	sadd.s32 $0x1, s14  }
0x28: {  	[sflag:s9] =	ssyncadd.s32 $0xFFFFFC00;
	p0 =	sne.s32 s14, s8  }
.Ltmp1:
0x29: {  	[bflag:$0x0] =	sbarrier.arrive $0xFFFF;
	(pc) =	sbr.rel @p0 .LBB2_1-.Ltmp1, $4  }
0x2a: {  	[hbm:s7], [sflag:s11] =	dma.local [spmem:s12], $0x278  }
0x2b: {  	_ =	swait.ge [sflag:s9], $0x278  }
0x2c: {  	[sflag:s9] =	ssyncset.done $0x0  }
0x2d: {  	[sflag:s9] =	ssyncadd.s32 $0xFFFFFD88  }
0x2e: {  	_ =	sfence.sel $0x180000  }
0x2f: {  	[bflag:$0x0] =	sbarrier.arrive $0xFFFF  }
0x30: {  	p0 =	sne.s32 s1, $0x0;
	_ =	strace $0x90000047  }
0x31: {  	s0 =	sadd.s32 @!p0 $0x100000, s2;
	[bflag:$0x2] =	sbarrier.arrive $0xFFFF  }
0x32: {  	[sflag:s0] =	ssyncadd.tile.s32 @!p0 $0x1;
	_ =	shalt  }
.Lfunc_end2:
_tile_overlayer_lowered:
.L_overlay_start_2:
0x33: {  	(tag) =	ssettag $0x2  }
0x34: {  	s0 =	rddreg [dreg:$0x0];
	s2 =	stileid.u32  }
0x35: {  	s1 =	rddreg [dreg:$0x1];
	p0 =	sne.s32 s2, $0x0  }
0x36: {  	s3 =	rddreg [dreg:$0x2];
	[bflag:$0x3] =	sbarrier.arrive $0xFFFF;
	s2 =	simm.s32 @!p0 $0x1C01  }
0x37: {  	[timem:s3], [sflag:s2] =	dma.local @!p0 [hbm:s0], s1  }
0x38: {  	s0 =	simm.s32 @!p0 $0x1  }
0x39: {  	_ =	swait.ge @!p0 [sflag:s0], s1  }
0x3a: {  	s1 =	ssub.s32 @!p0 $0x0, s1;
	[sflag:s0] =	ssyncset.done @!p0 $0x0  }
0x3b: {  	[sflag:s0] =	ssyncadd.s32 @!p0 s1  }
0x3c: {  	[bflag:$0x3] =	sbarrier.arrive $0xFFFF  }
0x3d: {  	_ =	shalt  }

// kernel: kernel.15.cloned.1.call-start
scs
__scs_entry_jumppad:
0x0: {  	(pc) =	sbr.rel $0x88, $3  }
0x1: {  	(tag) =	ssettag $0x0;
	lr =	simm.s32 $0x1  }
0x2: {  	[smem:$0x3F89] =	sst lr;
	_ =	strace $0xD0000000  }
0x3: {  	_ = 	snop  }
0x4: {  	_ = 	snop  }
0x5: {  	_ = 	snop  }
0x6: {  	_ = 	snop  }
0x7: {  	_ = 	snop  }
__scs_overlays_trampoline_lowered:
0x8: {  	[smem:$0x3F98] =	sst s0  }
0x9: {  	[smem:$0x3F99] =	sst s1  }
0xa: {  	[smem:$0x3F9A] =	sst s2  }
0xb: {  	[smem:$0x3F9B] =	sst s3  }
0xc: {  	[smem:$0x3F9C] =	sst s4  }
0xd: {  	[smem:$0x3F9D] =	sst s5  }
0xe: {  	[smem:$0x3F9E] =	sst s6  }
0xf: {  	[smem:$0x3F9F] =	sst s7  }
0x10: {  	[smem:$0x3FA0] =	sst s8  }
0x11: {  	[smem:$0x3FA1] =	sst s9;
	s0 =	simm.s32 @!p0 $0x0  }
0x12: {  	s1 =	sld [smem:$0x3F87];
	s0 =	simm.s32 @p0 $0x1  }
0x13: {  	[smem:$0x3FA2] =	sst s0;
	s0 =	simm.s32 @!p1 $0x0  }
0x14: {  	s2 =	sld [smem:$0x3F86];
	s0 =	simm.s32 @p1 $0x1  }
0x15: {  	[smem:$0x3FA3] =	sst s0;
	s0 =	simm.s32 @!p2 $0x0  }
0x16: {  	s3 =	sld [smem:$0x3FDB];
	s0 =	simm.s32 @p2 $0x1  }
0x17: {  	s4 =	simm.s32 $0x1BF5;
	[smem:$0x3FA5] =	sst s0  }
0x18: {  	s0 =	sld [smem:$0x3F88];
	_ =	swait.ge [sflag:s4], $0x0  }
0x19: {  	s7 =	sld [smem:$0x3F89]  }
0x1a: {  	s8 =	sadd.s32 $0xFFFFE003, lr  }
0x1b: {  	s9 =	sadd.s32 $0xFFFFFEF7, lr;
	s5 =	simm.s32 $0xFFFFFFFF;
	p2 =	slt.u32 s8, $0xFFFFF086  }
0x1c: {  	p1 =	slt.u32 s9, $0xF7A;
	s5 =	simm.s32 @!p2 $0x0  }
0x1d: {  	s5 =	simm.s32 @p1 $0x1;
	p0 =	seq.s32 s7, s2  }
0x1e: {  	s7 =	smul.u32 @!p0 $0xF7A, s2;
	p2 =	seq.s32 @!p0 s5, $0x0  }
0x1f: {  	s9 =	smul.u32 $0xF7A, s1;
	s8 =	simm.s32 @!p0 $0x1BF5;
	p2 =	por !p2, p0  }
0x20: {  	[sflag:s8] =	ssyncset.s32 @!p0 $0xFFFFF086;
	s6 =	sadd.s32 @!p0 s3, s7;
	s7 =	simm.s32 @!p0 $0x108  }
0x21: {  	s3 =	sadd.s32 s3, s9;
	s6 =	sadd.s32 @!p0 $0x88, s6;
	s7 =	simm.s32 @p2 $0x1082  }
0x22: {  	[simem:s7], [sflag:s8] =	dma.local @!p0 [hbm:s6], $0xF7A  }
0x23: {  	s9 =	sor.u32 $0xD0000000, s2;
	s6 =	simm.s32 $0x108;
	_ =	swait.ge @!p0 [sflag:s8], $0x0  }
0x24: {  	s3 =	sadd.s32 $0x88, s3;
	s6 =	simm.s32 @!p1 $0x1082;
	[sflag:s4] =	ssyncset.s32 $0xFFFFF086  }
0x25: {  	[simem:s6], [sflag:s4] =	dma.local [hbm:s3], $0xF7A  }
0x26: {  	[smem:$0x3F89] =	sst s1;
	(tag) =	ssettag s2;
	_ =	strace s9  }
0x27: {  	s1 =	sld [smem:$0x3F99]  }
0x28: {  	s2 =	sld [smem:$0x3F9A]  }
0x29: {  	s4 =	sld [smem:$0x3F9C]  }
0x2a: {  	p0 =	seq.s32 s5, $0x0;
	s5 =	sld [smem:$0x3F9D]  }
0x2b: {  	s6 =	sld [smem:$0x3F9E]  }
0x2c: {  	s7 =	sld [smem:$0x3F9F]  }
0x2d: {  	s3 =	simm.s32 $0x108;
	s8 =	sld [smem:$0x3FA0]  }
0x2e: {  	s3 =	simm.s32 @!p0 $0x1082;
	s9 =	sld [smem:$0x3FA1]  }
0x2f: {  	lr =	sadd.s32 s0, s3;
	s0 =	sld [smem:$0x3F98]  }
0x30: {  	s3 =	sld [smem:$0x3F9B]  }
0x31: {  	[smem:$0x3FA4] =	sst s10  }
0x32: {  	s10 =	sld [smem:$0x3FA2];
	_ =	sdelay $0x3  }
0x33: {  	p0 =	seq.s32 s10, $0x1;
	s10 =	sld [smem:$0x3FA4];
	_ =	sdelay $0x3  }
0x34: {  	[smem:$0x3FA4] =	sst s10  }
0x35: {  	s10 =	sld [smem:$0x3FA3];
	_ =	sdelay $0x3  }
0x36: {  	p1 =	seq.s32 s10, $0x1;
	s10 =	sld [smem:$0x3FA4];
	_ =	sdelay $0x3  }
0x37: {  	[smem:$0x3FA4] =	sst s10  }
0x38: {  	s10 =	sld [smem:$0x3FA5]  }
0x39: {  	_ = 	snop;
	(pc) =	sbr.ind lr, $3  }
0x3a: {  	_ = 	snop  }
0x3b: {  	_ = 	snop  }
0x3c: {  	p2 =	seq.s32 s10, $0x1;
	s10 =	sld [smem:$0x3FA4]  }
0x3d: {  	_ =	shalt  }
0x3e: {  	_ =	shalt  }
0x3f: {  	_ =	shalt  }
0x40: {  	_ =	shalt  }
0x41: {  	_ =	shalt  }
0x42: {  	_ =	shalt  }
0x43: {  	_ =	shalt  }
0x44: {  	_ =	shalt  }
0x45: {  	_ =	shalt  }
0x46: {  	_ =	shalt  }
0x47: {  	_ =	shalt  }
0x48: {  	_ =	shalt  }
0x49: {  	_ =	shalt  }
0x4a: {  	_ =	shalt  }
0x4b: {  	_ =	shalt  }
0x4c: {  	_ =	shalt  }
0x4d: {  	_ =	shalt  }
0x4e: {  	_ =	shalt  }
0x4f: {  	_ =	shalt  }
0x50: {  	_ =	shalt  }
0x51: {  	_ =	shalt  }
0x52: {  	_ =	shalt  }
0x53: {  	_ =	shalt  }
0x54: {  	_ =	shalt  }
0x55: {  	_ =	shalt  }
0x56: {  	_ =	shalt  }
0x57: {  	_ =	shalt  }
0x58: {  	_ =	shalt  }
0x59: {  	_ =	shalt  }
0x5a: {  	_ =	shalt  }
0x5b: {  	_ =	shalt  }
0x5c: {  	_ =	shalt  }
0x5d: {  	_ =	shalt  }
0x5e: {  	_ =	shalt  }
0x5f: {  	_ =	shalt  }
0x60: {  	_ =	shalt  }
0x61: {  	_ =	shalt  }
0x62: {  	_ =	shalt  }
0x63: {  	_ =	shalt  }
0x64: {  	_ =	shalt  }
0x65: {  	_ =	shalt  }
0x66: {  	_ =	shalt  }
0x67: {  	_ =	shalt  }
0x68: {  	_ =	shalt  }
0x69: {  	_ =	shalt  }
0x6a: {  	_ =	shalt  }
0x6b: {  	_ =	shalt  }
0x6c: {  	_ =	shalt  }
0x6d: {  	_ =	shalt  }
0x6e: {  	_ =	shalt  }
0x6f: {  	_ =	shalt  }
0x70: {  	_ =	shalt  }
0x71: {  	_ =	shalt  }
0x72: {  	_ =	shalt  }
0x73: {  	_ =	shalt  }
0x74: {  	_ =	shalt  }
0x75: {  	_ =	shalt  }
0x76: {  	_ =	shalt  }
0x77: {  	_ =	shalt  }
0x78: {  	_ =	shalt  }
0x79: {  	_ =	shalt  }
0x7a: {  	_ =	shalt  }
0x7b: {  	_ =	shalt  }
0x7c: {  	_ =	shalt  }
0x7d: {  	_ =	shalt  }
0x7e: {  	_ =	shalt  }
0x7f: {  	_ =	shalt  }
0x80: {  	_ =	shalt  }
0x81: {  	_ =	shalt  }
0x82: {  	_ =	shalt  }
0x83: {  	_ =	shalt  }
0x84: {  	_ =	shalt  }
0x85: {  	_ =	shalt  }
0x86: {  	_ =	shalt  }
0x87: {  	_ =	shalt  }
.Lfunc_end0:
.L_simem_size_0:
called_computation.1_lowered:
.L_overlay_start_0:
0x88: {  	s2 =	sld [smem:$0x3FD9]  }
0x89: {  	s3 =	sld [smem:$0x3FFE];
	_ =	sdelay $0x1  }
0x8a: {  	s1 =	srdreg.scid  }
0x8b: {  	s0 =	sand.u32 $0x1, s1  }
0x8c: {  	s14 =	sshll.u32 s0, $0xA;
	s2 =	sadd.s32 s3, s2  }
0x8d: {  	s2 =	sadd.s32 s2, s14  }
0x8e: {  	[smem:$0x3FB0] =	sst s2  }
0x8f: {  	_ = 	snop  }
0x90: {  	s2 =	sld [smem:$0x3FD0];
	_ =	sdelay $0x2  }
0x91: {  	s15 =	simm.s32 $0xB;
	s4 =	simm.s32 $0x10  }
0x92: {  	[smem:s4], [sflag:s15] =	dma.local [hbm:s2], $0x1  }
0x93: {  	_ =	swait.eq [sflag:s15], $0x1  }
0x94: {  	[sflag:s15] =	ssyncset.done $0x0  }
0x95: {  	s16 =	sld [smem:$0x11];
	[sflag:s15] =	ssyncadd.s32 $0xFFFFFFFF  }
0x96: {  	s17 =	sld [smem:$0x12];
	(tm) =	ssettm $0x1  }
0x97: {  	s18 =	sld [smem:$0x3FFB];
	_ =	sdelay $0x3  }
0x98: {  	_ =	strace s18  }
0x99: {  	s4 =	sld [smem:$0x3FFC];
	_ =	sdelay $0x3  }
0x9a: {  	_ =	strace s4  }
0x9b: {  	s4 =	sld [smem:$0x3FFD];
	_ =	sdelay $0x3  }
0x9c: {  	_ =	strace s4  }
0x9d: {  	_ =	strace $0x8FFFFFFF  }
0x9e: {  	s19 =	sld [smem:$0x3FDB];
	_ =	sdelay $0x1  }
0x9f: {  	s5 =	simm.s32 $_scs_section_size  }
0xa0: {  	s6 =	simm.s32 $_size__tile_overlayer_lowered;
	s7 =	simm.s32 $_tile_overlayer_lowered  }
0xa1: {  	s22 =	simm.s32 $0x1BFF;
	s21 =	sshll.u32 s7, $0x1;
	s4 =	sadd.s32 s5, s19  }
0xa2: {  	s8 =	simm.s32 $0x0;
	s20 =	sshll.u32 s6, $0x1;
	s6 =	sadd.s32 s21, s4  }
0xa3: {  	[timem:s8], [sflag:s22] =	dma.local [hbm:s6], s20  }
0xa4: {  	_ =	swait.ge [sflag:s22], s20  }
0xa5: {  	s5 =	ssub.s32 $0x0, s20;
	[sflag:s22] =	ssyncset.done $0x0  }
0xa6: {  	[sflag:s22] =	ssyncadd.s32 s5;
	_ =	sdelay $0x1  }
0xa7: {  	s23 =	simm.s32 $0x1B8B  }
0xa8: {  	_ =	swait.ge [sflag:s23], $0x1  }
0xa9: {  	[sflag:s23] =	ssyncset.done $0x0  }
0xaa: {  	s25 =	simm.s32 $0x1B8E;
	s24 =	sld [smem:$0x3FFE];
	[sflag:s23] =	ssyncadd.s32 $0xFFFFFFFF  }
0xab: {  	s26 =	simm.s32 $execute0_lowered;
	[smem:$0x3FD2] =	sst s25  }
0xac: {  	s6 =	sshll.u32 s26, $0x1;
	_ =	strace $0x80000049;
	[dreg:$0x1] =	wrdreg $0xFFFFFFFF  }
0xad: {  	s28 =	simm.s32 $_size_execute0_lowered;
	s4 =	sadd.s32 s4, s6;
	[dreg:$0x0] =	wrdreg $0x0  }
0xae: {  	s6 =	sshll.u32 s28, $0x1;
	[dreg:$0x2] =	wrdreg s4  }
0xaf: {  	[dreg:$0x3] =	wrdreg s6  }
0xb0: {  	[dreg:$0x4] =	wrdreg $0xC0  }
0xb1: {  	_ =	task [dreg:s8], $0x5FFFF  }
0xb2: {  	[dreg:$0x1] =	wrdreg $0xFFFFFFFF  }
0xb3: {  	[dreg:$0x0] =	wrdreg $0x60  }
0xb4: {  	[dreg:$0x2] =	wrdreg s16  }
0xb5: {  	[dreg:$0x3] =	wrdreg s24  }
0xb6: {  	[dreg:$0x4] =	wrdreg s17  }
0xb7: {  	[dreg:$0x5] =	wrdreg $0x90000  }
0xb8: {  	[dreg:$0x6] =	wrdreg $0x9  }
0xb9: {  	_ =	task.clear_ibuf [dreg:s8], $0x7FFFF;
	_ =	strace $0x90000049  }
0xba: {  	s29 =	simm.s32 $0x9;
	_ =	strace $0x8000004B  }
0xbb: {  	_ =	swait.ge [sflag:s29], $0x1  }
0xbc: {  	[sflag:s29] =	ssyncadd.s32 $0xFFFFFFFF  }
0xbd: {  	_ =	strace $0x9000004B  }
0xbe: {  	_ =	sfence  }
0xbf: {  	s30 =	sld [smem:$0x0];
	_ =	sdelay $0x2  }
0xc0: {  	s31 =	sshll.u32 s1, $0xD;
	s1 =	sshrl.u32 s1, $0x2  }
0xc1: {  	s3 =	sand.u32 $0x4000, s31;
	s1 =	sadd.s32 s1, s30  }
0xc2: {  	s0 =	sor.u32 s3, s0;
	s1 =	sshll.u32 s1, $0x11  }
0xc3: {  	s0 =	sor.u32 s1, s0  }
0xc4: {  	s0 =	sadd.s32 $0x8F2B, s0  }
0xc5: {  	[sflag:s0] =	ssyncadd.remote.s32 $0x1  }
0xc6: {  	_ =	sfence.sel $0xFFFF  }
0xc7: {  	[dreg:$0x0] =	wrdreg $0xFFFFFFFF;
	(pc) =	sbr.abs _section_cstart, $3  }
0xc8: {  	[dreg:$0x1] =	wrdreg $0xFFFFFFFF  }
0xc9: {  	_ =	task.clear_ibuf [dreg:s8], $0x2FFFF;
	_ =	strace $0x9FFFFFFF  }
0xca: {  	(tm) =	ssettm $0x7FFFFFFF  }
0xcb: {  	_ =	shalt  }
tec
execute0_lowered:
.L_overlay_start_1:
0x0: {  	(tag) =	ssettag $0x1  }
0x1: {  	s0 =	rddreg [dreg:$0x0]  }
0x2: {  	s5 =	rddreg [dreg:$0x1]  }
0x3: {  	s7 =	rddreg [dreg:$0x2];
	s1 =	srdreg.scid  }
0x4: {  	s3 =	rddreg [dreg:$0x3];
	s2 =	stileid.u32  }
0x5: {  	s4 =	simm.s32 $0x0;
	s14 =	simm.s32 $0x80;
	s15 =	simm.s32 $0x5000  }
0x6: {  	s16 =	simm.s32 $0x7000;
	s17 =	simm.s32 $0x1;
	s18 =	simm.s32 $0x2  }
0x7: {  	s19 =	simm.s32 $0x2780;
	s20 =	simm.s32 $0x4F00;
	s21 =	simm.s32 $0x4F80  }
0x8: {  	s22 =	simm.s32 $0x0;
	s6 =	sand.u32 $0x1, s1;
	s1 =	rddreg [dreg:$0x4]  }
0x9: {  	s9 =	smul.u32 $0x9E00, s2;
	[smem:$0x7FF] =	sst s4;
	s12 =	sshll.u32 s2, $0x6  }
0xa: {  	s8 =	sshll.u32 s6, $0x4;
	s10 =	smul.u32 $0x9E000, s6;
	_ =	strace $0x8000004A  }
0xb: {  	s6 =	ssub.s32 $0x2, s6;
	s12 =	sor.u32 $0x1C03, s12;
	s8 =	sor.u32 s2, s8  }
0xc: {  	s11 =	sshrl.u32 s6, $0x1;
	s31 =	sshrl.u32 s9, $0x3;
	s8 =	smul.u32 $0x2800, s8  }
0xd: {  	s13 =	sadd.s32 s9, s3;
	s10 =	sadd.s32 s9, s10;
	s11 =	ssub.s32 s6, s11  }
0xe: {  	s7 =	sadd.s32 s7, s31;
	s13 =	sshrl.u32 s13, $0x3;
	s8 =	sshrl.u32 s8, $0x3  }
0xf: {  	s10 =	sshrl.u32 s10, $0x3;
	s9 =	smax.u32 s11, $0x1;
	s8 =	sadd.s32 s8, s5  }
0x10: {  	s11 =	simm.s32 $0x2800;
	s10 =	sadd.s32 s10, s5;
	s5 =	sadd.s32 $0x7600, s8  }
0x11: {  	s6 =	sadd.s32 $0x11600, s8;
	s8 =	sadd.s32 $0x6A600, s10;
	s10 =	simm.s32 $0x3  }
.LBB2_1:
0x12: {  	[tilespmem:s4], [sflag:$0x3] =	stream.linear.gather [hbm4b:s5+s4], $0x2800, $0x38;
	[tilespmem:$0x12E00] =	vst v63  }
0x13: {  	_ =	swait.ge [sflag:s10], $0x2800  }
0x14: {  	[sflag:s10] =	ssyncset.done $0x0  }
0x15: {  	[sflag:s10] =	ssyncadd.s32 $0xFFFFD800  }
0x16: {  	[tilespmem:s11], [sflag:$0x3] =	stream.linear.gather [hbm4b:s6+s4], $0x2800, $0x38;
	[tilespmem:$0x12E00] =	vst v63  }
0x17: {  	_ =	swait.ge [sflag:s10], $0x2800  }
0x18: {  	[sflag:s10] =	ssyncset.done $0x0  }
0x19: {  	[sflag:s10] =	ssyncadd.s32 $0xFFFFD800  }
0x1a: {  	[spmem:s13], [sflag:s12] =	dma.local [hbm:s7], $0x13C0  }
0x1b: {  	_ =	swait.ge [sflag:s10], $0x13C0  }
0x1c: {  	[sflag:s10] =	ssyncset.done $0x0  }
0x1d: {  	[sflag:s10] =	ssyncadd.s32 $0xFFFFEC40  }
0x1e: {  	[bflag:$0x0] =	sbarrier.arrive $0xFFFF  }
0x1f: {  	[tilespmem:s15], [sflag:$0x1] =	stream.indirect.gather [hbm4b:s0+s14], $0x40, s4, s14, $0xb8;
	[tilespmem:$0x12E00] =	vst v63  }
0x20: {  	s23 =	simm.s32 $0x80  }
0x21: {  	[tilespmem:s16], [sflag:$0x2] =	stream.indirect.gather [hbm4b:s0+s14], $0x40, s23, s14, $0xb8;
	[tilespmem:$0x12E00] =	vst v63  }
0x22: {  	_ =	swait.ge [sflag:s17], $0x2000  }
0x23: {  	[sflag:s17] =	ssyncset.done $0x0  }
0x24: {  	s29 =	simm.s32 $0x2800;
	[sflag:s17] =	ssyncadd.s32 $0xFFFFE000  }
0x25: {  	[spmem:s3] =	stream.indirect.scatter.add.f32 [tilespmem:s15], [sflag:$0x3], $0x40, s29, s14, $0xb8;
	[tilespmem:$0x12E00] =	vst v63  }
0x26: {  	_ =	swait.ge [sflag:s10], $0x2000  }
0x27: {  	[sflag:s10] =	ssyncset.done $0x0  }
0x28: {  	s30 =	simm.s32 $0x100;
	[sflag:s10] =	ssyncadd.s32 $0xFFFFE000  }
0x29: {  	[tilespmem:s15], [sflag:$0x1] =	stream.indirect.gather [hbm4b:s0+s14], $0x40, s30, s14, $0xb8;
	[tilespmem:$0x12E00] =	vst v63  }
0x2a: {  	_ =	swait.ge [sflag:s18], $0x2000  }
0x2b: {  	[sflag:s18] =	ssyncset.done $0x0  }
0x2c: {  	s31 =	simm.s32 $0x2880;
	[sflag:s18] =	ssyncadd.s32 $0xFFFFE000  }
0x2d: {  	[spmem:s3] =	stream.indirect.scatter.add.f32 [tilespmem:s16], [sflag:$0x3], $0x40, s31, s14, $0xb8;
	[tilespmem:$0x12E00] =	vst v63  }
0x2e: {  	_ =	swait.ge [sflag:s10], $0x2000  }
0x2f: {  	s24 =	simm.s32 $0x800;
	s23 =	simm.s32 $0x100;
	[sflag:s10] =	ssyncset.done $0x0  }
.LBB2_2:
0x30: {  	s25 =	sadd.s32 $0x80, s23  }
0x31: {  	[sflag:s10] =	ssyncadd.s32 $0xFFFFE000;
	s26 =	smov.u32 s24;
	s28 =	sadd.s32 $0x400, s24  }
0x32: {  	[tilespmem:s16], [sflag:$0x2] =	stream.indirect.gather [hbm4b:s0+s14], $0x40, s25, s14, $0xb8;
	[tilespmem:$0x12E00] =	vst v63  }
0x33: {  	p0 =	sne.s32 s24, $0x9800;
	_ =	swait.ge [sflag:s17], $0x2000  }
0x34: {  	[sflag:s17] =	ssyncset.done $0x0  }
0x35: {  	s24 =	sadd.s32 $0x2800, s23;
	[sflag:s17] =	ssyncadd.s32 $0xFFFFE000  }
0x36: {  	[spmem:s3] =	stream.indirect.scatter.add.f32 [tilespmem:s15], [sflag:$0x3], $0x40, s24, s14, $0xb8;
	[tilespmem:$0x12E00] =	vst v63  }
0x37: {  	_ =	swait.ge [sflag:s10], $0x2000  }
0x38: {  	[sflag:s10] =	ssyncset.done $0x0  }
0x39: {  	s24 =	sadd.s32 $0x100, s23;
	[sflag:s10] =	ssyncadd.s32 $0xFFFFE000  }
0x3a: {  	[tilespmem:s15], [sflag:$0x1] =	stream.indirect.gather [hbm4b:s0+s14], $0x40, s24, s14, $0xb8;
	[tilespmem:$0x12E00] =	vst v63  }
0x3b: {  	_ =	swait.ge [sflag:s18], $0x2000  }
.Ltmp0:
0x3c: {  	[sflag:s18] =	ssyncset.done $0x0;
	(pc) =	sbr.rel @p0 .LBB2_2-.Ltmp0, $4  }
0x3d: {  	s23 =	sadd.s32 $0x2880, s23;
	[sflag:s18] =	ssyncadd.s32 $0xFFFFE000  }
0x3e: {  	[spmem:s3] =	stream.indirect.scatter.add.f32 [tilespmem:s16], [sflag:$0x3], $0x40, s23, s14, $0xb8;
	[tilespmem:$0x12E00] =	vst v63  }
0x3f: {  	_ =	swait.ge [sflag:s10], $0x2000  }
0x40: {  	s24 =	smov.u32 s28;
	s23 =	sshra.s32 s26, $0x2;
	[sflag:s10] =	ssyncset.done $0x0  }
0x41: {  	s24 =	sadd.s32 $0x80, s23;
	[sflag:s10] =	ssyncadd.s32 $0xFFFFE000  }
0x42: {  	[tilespmem:s16], [sflag:$0x2] =	stream.indirect.gather [hbm4b:s0+s14], $0x40, s24, s14, $0xb8;
	[tilespmem:$0x12E00] =	vst v63  }
0x43: {  	_ =	swait.ge [sflag:s17], $0x2000  }
0x44: {  	[sflag:s17] =	ssyncset.done $0x0  }
0x45: {  	s29 =	sadd.s32 $0x2800, s23;
	[sflag:s17] =	ssyncadd.s32 $0xFFFFE000  }
0x46: {  	[spmem:s3] =	stream.indirect.scatter.add.f32 [tilespmem:s15], [sflag:$0x3], $0x40, s29, s14, $0xb8;
	[tilespmem:$0x12E00] =	vst v63  }
0x47: {  	_ =	swait.ge [sflag:s10], $0x2000  }
0x48: {  	[sflag:s10] =	ssyncset.done $0x0  }
0x49: {  	s30 =	sadd.s32 $0x100, s23;
	[sflag:s10] =	ssyncadd.s32 $0xFFFFE000  }
0x4a: {  	[tilespmem:s15], [sflag:$0x1] =	stream.indirect.gather [hbm4b:s0+s14], $0x40, s30, s14, $0xb8;
	[tilespmem:$0x12E00] =	vst v63  }
0x4b: {  	_ =	swait.ge [sflag:s18], $0x2000  }
0x4c: {  	[sflag:s18] =	ssyncset.done $0x0  }
0x4d: {  	s31 =	sadd.s32 $0x2880, s23;
	[sflag:s18] =	ssyncadd.s32 $0xFFFFE000  }
0x4e: {  	[spmem:s3] =	stream.indirect.scatter.add.f32 [tilespmem:s16], [sflag:$0x3], $0x40, s31, s14, $0xb8;
	[tilespmem:$0x12E00] =	vst v63  }
0x4f: {  	_ =	swait.ge [sflag:s10], $0x2000  }
0x50: {  	[sflag:s10] =	ssyncset.done $0x0  }
0x51: {  	[sflag:s10] =	ssyncadd.s32 $0xFFFFE000  }
0x52: {  	[tilespmem:s16], [sflag:$0x2] =	stream.indirect.gather [hbm4b:s0+s14], $0x40, s19, s14, $0xb8;
	[tilespmem:$0x12E00] =	vst v63  }
0x53: {  	_ =	swait.ge [sflag:s17], $0x2000  }
0x54: {  	[sflag:s17] =	ssyncset.done $0x0  }
0x55: {  	[sflag:s17] =	ssyncadd.s32 $0xFFFFE000  }
0x56: {  	[spmem:s3] =	stream.indirect.scatter.add.f32 [tilespmem:s15], [sflag:$0x3], $0x40, s20, s14, $0xb8;
	[tilespmem:$0x12E00] =	vst v63  }
0x57: {  	_ =	swait.ge [sflag:s10], $0x2000  }
0x58: {  	[sflag:s10] =	ssyncset.done $0x0  }
0x59: {  	[sflag:s10] =	ssyncadd.s32 $0xFFFFE000  }
0x5a: {  	_ =	swait.ge [sflag:s18], $0x2000  }
0x5b: {  	[sflag:s18] =	ssyncset.done $0x0  }
0x5c: {  	[sflag:s18] =	ssyncadd.s32 $0xFFFFE000  }
0x5d: {  	[spmem:s3] =	stream.indirect.scatter.add.f32 [tilespmem:s16], [sflag:$0x3], $0x40, s21, s14, $0xb8;
	[tilespmem:$0x12E00] =	vst v63  }
0x5e: {  	_ =	swait.ge [sflag:s10], $0x2000  }
0x5f: {  	s22 =	sadd.s32 $0x1, s22;
	[sflag:s10] =	ssyncset.done $0x0  }
0x60: {  	p0 =	sne.s32 s22, s9;
	[sflag:s10] =	ssyncadd.s32 $0xFFFFE000  }
.Ltmp1:
0x61: {  	[bflag:$0x0] =	sbarrier.arrive $0xFFFF;
	(pc) =	sbr.rel @p0 .LBB2_1-.Ltmp1, $4  }
0x62: {  	[hbm:s8], [sflag:s12] =	dma.local [spmem:s13], $0x13C0  }
0x63: {  	_ =	swait.ge [sflag:s10], $0x13C0  }
0x64: {  	[sflag:s10] =	ssyncset.done $0x0  }
0x65: {  	[sflag:s10] =	ssyncadd.s32 $0xFFFFEC40  }
0x66: {  	_ =	sfence.sel $0x180000  }
0x67: {  	[bflag:$0x0] =	sbarrier.arrive $0xFFFF  }
0x68: {  	p0 =	sne.s32 s2, $0x0;
	_ =	strace $0x9000004A  }
0x69: {  	s0 =	sadd.s32 @!p0 $0x100000, s1;
	[bflag:$0x2] =	sbarrier.arrive $0xFFFF  }
0x6a: {  	[sflag:s0] =	ssyncadd.tile.s32 @!p0 $0x1;
	_ =	shalt  }
.Lfunc_end2:
_tile_overlayer_lowered:
.L_overlay_start_2:
0x6b: {  	(tag) =	ssettag $0x2  }
0x6c: {  	s0 =	rddreg [dreg:$0x0];
	s2 =	stileid.u32  }
0x6d: {  	s1 =	rddreg [dreg:$0x1];
	p0 =	sne.s32 s2, $0x0  }
0x6e: {  	s3 =	rddreg [dreg:$0x2];
	[bflag:$0x3] =	sbarrier.arrive $0xFFFF;
	s2 =	simm.s32 @!p0 $0x1C03  }
0x6f: {  	[timem:s3], [sflag:s2] =	dma.local @!p0 [hbm:s0], s1  }
0x70: {  	s0 =	simm.s32 @!p0 $0x3  }
0x71: {  	_ =	swait.ge @!p0 [sflag:s0], s1  }
0x72: {  	s1 =	ssub.s32 @!p0 $0x0, s1;
	[sflag:s0] =	ssyncset.done @!p0 $0x0  }
0x73: {  	[sflag:s0] =	ssyncadd.s32 @!p0 s1  }
0x74: {  	[bflag:$0x3] =	sbarrier.arrive $0xFFFF  }
0x75: {  	_ =	shalt  }

// kernel: kernel.18.cloned.1.call-start
scs
__scs_entry_jumppad:
0x0: {  	(pc) =	sbr.rel $0x88, $3  }
0x1: {  	(tag) =	ssettag $0x0;
	lr =	simm.s32 $0x1  }
0x2: {  	[smem:$0x3F89] =	sst lr;
	_ =	strace $0xD0000000  }
0x3: {  	_ = 	snop  }
0x4: {  	_ = 	snop  }
0x5: {  	_ = 	snop  }
0x6: {  	_ = 	snop  }
0x7: {  	_ = 	snop  }
__scs_overlays_trampoline_lowered:
0x8: {  	[smem:$0x3F98] =	sst s0  }
0x9: {  	[smem:$0x3F99] =	sst s1  }
0xa: {  	[smem:$0x3F9A] =	sst s2  }
0xb: {  	[smem:$0x3F9B] =	sst s3  }
0xc: {  	[smem:$0x3F9C] =	sst s4  }
0xd: {  	[smem:$0x3F9D] =	sst s5  }
0xe: {  	[smem:$0x3F9E] =	sst s6  }
0xf: {  	[smem:$0x3F9F] =	sst s7  }
0x10: {  	[smem:$0x3FA0] =	sst s8  }
0x11: {  	[smem:$0x3FA1] =	sst s9;
	s0 =	simm.s32 @!p0 $0x0  }
0x12: {  	s1 =	sld [smem:$0x3F87];
	s0 =	simm.s32 @p0 $0x1  }
0x13: {  	[smem:$0x3FA2] =	sst s0;
	s0 =	simm.s32 @!p1 $0x0  }
0x14: {  	s2 =	sld [smem:$0x3F86];
	s0 =	simm.s32 @p1 $0x1  }
0x15: {  	[smem:$0x3FA3] =	sst s0;
	s0 =	simm.s32 @!p2 $0x0  }
0x16: {  	s3 =	sld [smem:$0x3FDB];
	s0 =	simm.s32 @p2 $0x1  }
0x17: {  	s4 =	simm.s32 $0x1BF5;
	[smem:$0x3FA5] =	sst s0  }
0x18: {  	s0 =	sld [smem:$0x3F88];
	_ =	swait.ge [sflag:s4], $0x0  }
0x19: {  	s7 =	sld [smem:$0x3F89]  }
0x1a: {  	s8 =	sadd.s32 $0xFFFFE003, lr  }
0x1b: {  	s9 =	sadd.s32 $0xFFFFFEF7, lr;
	s5 =	simm.s32 $0xFFFFFFFF;
	p2 =	slt.u32 s8, $0xFFFFF086  }
0x1c: {  	p1 =	slt.u32 s9, $0xF7A;
	s5 =	simm.s32 @!p2 $0x0  }
0x1d: {  	s5 =	simm.s32 @p1 $0x1;
	p0 =	seq.s32 s7, s2  }
0x1e: {  	s7 =	smul.u32 @!p0 $0xF7A, s2;
	p2 =	seq.s32 @!p0 s5, $0x0  }
0x1f: {  	s9 =	smul.u32 $0xF7A, s1;
	s8 =	simm.s32 @!p0 $0x1BF5;
	p2 =	por !p2, p0  }
0x20: {  	[sflag:s8] =	ssyncset.s32 @!p0 $0xFFFFF086;
	s6 =	sadd.s32 @!p0 s3, s7;
	s7 =	simm.s32 @!p0 $0x108  }
0x21: {  	s3 =	sadd.s32 s3, s9;
	s6 =	sadd.s32 @!p0 $0x88, s6;
	s7 =	simm.s32 @p2 $0x1082  }
0x22: {  	[simem:s7], [sflag:s8] =	dma.local @!p0 [hbm:s6], $0xF7A  }
0x23: {  	s9 =	sor.u32 $0xD0000000, s2;
	s6 =	simm.s32 $0x108;
	_ =	swait.ge @!p0 [sflag:s8], $0x0  }
0x24: {  	s3 =	sadd.s32 $0x88, s3;
	s6 =	simm.s32 @!p1 $0x1082;
	[sflag:s4] =	ssyncset.s32 $0xFFFFF086  }
0x25: {  	[simem:s6], [sflag:s4] =	dma.local [hbm:s3], $0xF7A  }
0x26: {  	[smem:$0x3F89] =	sst s1;
	(tag) =	ssettag s2;
	_ =	strace s9  }
0x27: {  	s1 =	sld [smem:$0x3F99]  }
0x28: {  	s2 =	sld [smem:$0x3F9A]  }
0x29: {  	s4 =	sld [smem:$0x3F9C]  }
0x2a: {  	p0 =	seq.s32 s5, $0x0;
	s5 =	sld [smem:$0x3F9D]  }
0x2b: {  	s6 =	sld [smem:$0x3F9E]  }
0x2c: {  	s7 =	sld [smem:$0x3F9F]  }
0x2d: {  	s3 =	simm.s32 $0x108;
	s8 =	sld [smem:$0x3FA0]  }
0x2e: {  	s3 =	simm.s32 @!p0 $0x1082;
	s9 =	sld [smem:$0x3FA1]  }
0x2f: {  	lr =	sadd.s32 s0, s3;
	s0 =	sld [smem:$0x3F98]  }
0x30: {  	s3 =	sld [smem:$0x3F9B]  }
0x31: {  	[smem:$0x3FA4] =	sst s10  }
0x32: {  	s10 =	sld [smem:$0x3FA2];
	_ =	sdelay $0x3  }
0x33: {  	p0 =	seq.s32 s10, $0x1;
	s10 =	sld [smem:$0x3FA4];
	_ =	sdelay $0x3  }
0x34: {  	[smem:$0x3FA4] =	sst s10  }
0x35: {  	s10 =	sld [smem:$0x3FA3];
	_ =	sdelay $0x3  }
0x36: {  	p1 =	seq.s32 s10, $0x1;
	s10 =	sld [smem:$0x3FA4];
	_ =	sdelay $0x3  }
0x37: {  	[smem:$0x3FA4] =	sst s10  }
0x38: {  	s10 =	sld [smem:$0x3FA5]  }
0x39: {  	_ = 	snop;
	(pc) =	sbr.ind lr, $3  }
0x3a: {  	_ = 	snop  }
0x3b: {  	_ = 	snop  }
0x3c: {  	p2 =	seq.s32 s10, $0x1;
	s10 =	sld [smem:$0x3FA4]  }
0x3d: {  	_ =	shalt  }
0x3e: {  	_ =	shalt  }
0x3f: {  	_ =	shalt  }
0x40: {  	_ =	shalt  }
0x41: {  	_ =	shalt  }
0x42: {  	_ =	shalt  }
0x43: {  	_ =	shalt  }
0x44: {  	_ =	shalt  }
0x45: {  	_ =	shalt  }
0x46: {  	_ =	shalt  }
0x47: {  	_ =	shalt  }
0x48: {  	_ =	shalt  }
0x49: {  	_ =	shalt  }
0x4a: {  	_ =	shalt  }
0x4b: {  	_ =	shalt  }
0x4c: {  	_ =	shalt  }
0x4d: {  	_ =	shalt  }
0x4e: {  	_ =	shalt  }
0x4f: {  	_ =	shalt  }
0x50: {  	_ =	shalt  }
0x51: {  	_ =	shalt  }
0x52: {  	_ =	shalt  }
0x53: {  	_ =	shalt  }
0x54: {  	_ =	shalt  }
0x55: {  	_ =	shalt  }
0x56: {  	_ =	shalt  }
0x57: {  	_ =	shalt  }
0x58: {  	_ =	shalt  }
0x59: {  	_ =	shalt  }
0x5a: {  	_ =	shalt  }
0x5b: {  	_ =	shalt  }
0x5c: {  	_ =	shalt  }
0x5d: {  	_ =	shalt  }
0x5e: {  	_ =	shalt  }
0x5f: {  	_ =	shalt  }
0x60: {  	_ =	shalt  }
0x61: {  	_ =	shalt  }
0x62: {  	_ =	shalt  }
0x63: {  	_ =	shalt  }
0x64: {  	_ =	shalt  }
0x65: {  	_ =	shalt  }
0x66: {  	_ =	shalt  }
0x67: {  	_ =	shalt  }
0x68: {  	_ =	shalt  }
0x69: {  	_ =	shalt  }
0x6a: {  	_ =	shalt  }
0x6b: {  	_ =	shalt  }
0x6c: {  	_ =	shalt  }
0x6d: {  	_ =	shalt  }
0x6e: {  	_ =	shalt  }
0x6f: {  	_ =	shalt  }
0x70: {  	_ =	shalt  }
0x71: {  	_ =	shalt  }
0x72: {  	_ =	shalt  }
0x73: {  	_ =	shalt  }
0x74: {  	_ =	shalt  }
0x75: {  	_ =	shalt  }
0x76: {  	_ =	shalt  }
0x77: {  	_ =	shalt  }
0x78: {  	_ =	shalt  }
0x79: {  	_ =	shalt  }
0x7a: {  	_ =	shalt  }
0x7b: {  	_ =	shalt  }
0x7c: {  	_ =	shalt  }
0x7d: {  	_ =	shalt  }
0x7e: {  	_ =	shalt  }
0x7f: {  	_ =	shalt  }
0x80: {  	_ =	shalt  }
0x81: {  	_ =	shalt  }
0x82: {  	_ =	shalt  }
0x83: {  	_ =	shalt  }
0x84: {  	_ =	shalt  }
0x85: {  	_ =	shalt  }
0x86: {  	_ =	shalt  }
0x87: {  	_ =	shalt  }
.Lfunc_end0:
.L_simem_size_0:
called_computation.2_lowered:
.L_overlay_start_0:
0x88: {  	s2 =	sld [smem:$0x3FD9]  }
0x89: {  	s3 =	sld [smem:$0x3FFE];
	_ =	sdelay $0x1  }
0x8a: {  	s1 =	srdreg.scid  }
0x8b: {  	s0 =	sand.u32 $0x1, s1  }
0x8c: {  	s15 =	sshll.u32 s0, $0xA;
	s2 =	sadd.s32 s3, s2  }
0x8d: {  	s2 =	sadd.s32 s2, s15  }
0x8e: {  	[smem:$0x3FB0] =	sst s2  }
0x8f: {  	_ = 	snop  }
0x90: {  	s2 =	sld [smem:$0x3FD0];
	_ =	sdelay $0x2  }
0x91: {  	s16 =	simm.s32 $0xB;
	s4 =	simm.s32 $0x10  }
0x92: {  	[smem:s4], [sflag:s16] =	dma.local [hbm:s2], $0x1  }
0x93: {  	_ =	swait.eq [sflag:s16], $0x1  }
0x94: {  	[sflag:s16] =	ssyncset.done $0x0  }
0x95: {  	[sflag:s16] =	ssyncadd.s32 $0xFFFFFFFF  }
0x96: {  	s17 =	sld [smem:$0x12];
	(tm) =	ssettm $0x1  }
0x97: {  	s18 =	sld [smem:$0x3FFB];
	_ =	sdelay $0x3  }
0x98: {  	_ =	strace s18  }
0x99: {  	s2 =	sld [smem:$0x3FFC];
	_ =	sdelay $0x3  }
0x9a: {  	_ =	strace s2  }
0x9b: {  	s2 =	sld [smem:$0x3FFD];
	_ =	sdelay $0x3  }
0x9c: {  	_ =	strace s2  }
0x9d: {  	_ =	strace $0x8FFFFFFF  }
0x9e: {  	s19 =	sld [smem:$0x3FDB];
	_ =	sdelay $0x1  }
0x9f: {  	s20 =	simm.s32 $_scs_section_size  }
0xa0: {  	s5 =	simm.s32 $_size__tile_overlayer_lowered;
	s6 =	simm.s32 $_tile_overlayer_lowered  }
0xa1: {  	s7 =	simm.s32 $0x1BFF;
	s21 =	sshll.u32 s6, $0x1;
	s4 =	sadd.s32 s20, s19  }
0xa2: {  	s22 =	simm.s32 $0x0;
	s5 =	sshll.u32 s5, $0x1;
	s6 =	sadd.s32 s21, s4  }
0xa3: {  	[timem:s22], [sflag:s7] =	dma.local [hbm:s6], s5  }
0xa4: {  	_ =	swait.ge [sflag:s7], s5  }
0xa5: {  	s5 =	ssub.s32 $0x0, s5;
	[sflag:s7] =	ssyncset.done $0x0  }
0xa6: {  	[sflag:s7] =	ssyncadd.s32 s5;
	_ =	sdelay $0x1  }
0xa7: {  	s23 =	simm.s32 $0x1B8B  }
0xa8: {  	_ =	swait.ge [sflag:s23], $0x1  }
0xa9: {  	[sflag:s23] =	ssyncset.done $0x0  }
0xaa: {  	[sflag:s23] =	ssyncadd.s32 $0xFFFFFFFF  }
0xab: {  	s5 =	sld [smem:$0x0]  }
0xac: {  	s6 =	sand.u32 $0xFFFFFFFE, s1  }
0xad: {  	p0 =	sne.s32 s1, s6  }
0xae: {  	s6 =	sshll.u32 @p0 s6, $0xE  }
0xaf: {  	s6 =	sadd.s32 @p0 $0x11B8D, s6;
	s7 =	sshll.u32 @p0 s5, $0x11  }
0xb0: {  	s6 =	sor.u32 @p0 s7, s6  }
0xb1: {  	[sflag:s6] =	ssyncadd.remote.s32 @p0 $0x1;
	_ =	sdelay $0x1  }
0xb2: {  	s6 =	simm.s32 @p0 $0x1B8D  }
0xb3: {  	_ =	swait.eq @p0 [sflag:s6], $0x1  }
0xb4: {  	[sflag:s6] =	ssyncadd.s32 @p0 $0xFFFFFFFF  }
0xb5: {  	s7 =	sshll.u32 @!p0 s1, $0xE  }
0xb6: {  	s7 =	sor.u32 @!p0 $0x4000, s7;
	s6 =	simm.s32 @!p0 $0x1B8D  }
0xb7: {  	s5 =	sshll.u32 @!p0 s5, $0x11;
	s7 =	sadd.s32 @!p0 $0x11B8D, s7;
	_ =	swait.eq @!p0 [sflag:s6], $0x1  }
0xb8: {  	s5 =	sor.u32 @!p0 s5, s7;
	[sflag:s6] =	ssyncadd.s32 @!p0 $0xFFFFFFFF  }
0xb9: {  	s25 =	simm.s32 $0x1B8E;
	s24 =	sld [smem:$0x3FFE];
	[sflag:s5] =	ssyncadd.remote.s32 @!p0 $0x1  }
0xba: {  	s26 =	simm.s32 $execute0_lowered;
	[smem:$0x3FD2] =	sst s25  }
0xbb: {  	s6 =	sshll.u32 s26, $0x1;
	_ =	strace $0x8000004C;
	[dreg:$0x1] =	wrdreg $0xFFFFFFFF  }
0xbc: {  	s28 =	simm.s32 $_size_execute0_lowered;
	s4 =	sadd.s32 s4, s6;
	[dreg:$0x0] =	wrdreg $0x0  }
0xbd: {  	s6 =	sshll.u32 s28, $0x1;
	[dreg:$0x2] =	wrdreg s4  }
0xbe: {  	[dreg:$0x3] =	wrdreg s6  }
0xbf: {  	[dreg:$0x4] =	wrdreg $0xC0  }
0xc0: {  	_ =	task [dreg:s22], $0x5FFFF  }
0xc1: {  	[dreg:$0x1] =	wrdreg $0xFFFFFFFF  }
0xc2: {  	[dreg:$0x0] =	wrdreg $0x60  }
0xc3: {  	[dreg:$0x2] =	wrdreg s24  }
0xc4: {  	[dreg:$0x3] =	wrdreg s17  }
0xc5: {  	[dreg:$0x4] =	wrdreg $0x90000  }
0xc6: {  	[dreg:$0x5] =	wrdreg $0xA  }
0xc7: {  	_ =	task.clear_ibuf [dreg:s22], $0x6FFFF;
	_ =	strace $0x9000004C  }
0xc8: {  	s29 =	simm.s32 $0xA;
	_ =	strace $0x8000004E  }
0xc9: {  	_ =	swait.ge [sflag:s29], $0x1  }
0xca: {  	[sflag:s29] =	ssyncadd.s32 $0xFFFFFFFF  }
0xcb: {  	_ =	strace $0x9000004E  }
0xcc: {  	_ =	sfence  }
0xcd: {  	s30 =	sld [smem:$0x0];
	_ =	sdelay $0x2  }
0xce: {  	s31 =	sshll.u32 s1, $0xD;
	s1 =	sshrl.u32 s1, $0x2  }
0xcf: {  	s4 =	sand.u32 $0x4000, s31;
	s1 =	sadd.s32 s1, s30  }
0xd0: {  	s0 =	sor.u32 s4, s0;
	s1 =	sshll.u32 s1, $0x11  }
0xd1: {  	s0 =	sor.u32 s1, s0  }
0xd2: {  	s0 =	sadd.s32 $0x8F2B, s0  }
0xd3: {  	[sflag:s0] =	ssyncadd.remote.s32 $0x1  }
0xd4: {  	_ =	sfence.sel $0xFFFF  }
0xd5: {  	[dreg:$0x0] =	wrdreg $0xFFFFFFFF;
	(pc) =	sbr.abs _section_cstart, $3  }
0xd6: {  	[dreg:$0x1] =	wrdreg $0xFFFFFFFF  }
0xd7: {  	_ =	task.clear_ibuf [dreg:s22], $0x2FFFF;
	_ =	strace $0x9FFFFFFF  }
0xd8: {  	(tm) =	ssettm $0x7FFFFFFF  }
0xd9: {  	_ =	shalt  }
tec
execute0_lowered:
.L_overlay_start_1:
0x0: {  	(tag) =	ssettag $0x1  }
0x1: {  	s5 =	rddreg [dreg:$0x0]  }
0x2: {  	s7 =	rddreg [dreg:$0x1]  }
0x3: {  	s2 =	rddreg [dreg:$0x2];
	s3 =	srdreg.scid  }
0x4: {  	s0 =	rddreg [dreg:$0x3];
	s1 =	stileid.u32  }
0x5: {  	s14 =	simm.s32 $0x80;
	s15 =	simm.s32 $0x5000;
	s16 =	simm.s32 $0x7000  }
0x6: {  	s17 =	simm.s32 $0x1;
	s18 =	simm.s32 $0x2;
	s19 =	simm.s32 $0x2780  }
0x7: {  	s20 =	simm.s32 $0x4F00;
	s21 =	simm.s32 $0x4F80;
	s22 =	simm.s32 $0x0  }
0x8: {  	s6 =	sand.u32 $0x1, s3;
	s3 =	simm.s32 $0x0;
	s8 =	smul.u32 $0x9E00, s1  }
0x9: {  	s12 =	sshll.u32 s1, $0x6;
	s4 =	sshll.u32 s6, $0x4;
	[smem:$0x7FF] =	sst s3  }
0xa: {  	s9 =	smul.u32 $0x9E000, s6;
	s6 =	ssub.s32 $0x2, s6;
	s12 =	sor.u32 $0x1C03, s12  }
0xb: {  	s4 =	sor.u32 s1, s4;
	_ =	strace $0x8000004D;
	s11 =	sshrl.u32 s6, $0x1  }
0xc: {  	s31 =	sshrl.u32 s8, $0x3;
	s13 =	sadd.s32 s8, s2;
	s10 =	smul.u32 $0x2800, s4  }
0xd: {  	s4 =	sadd.s32 $0x91E00, s5;
	s9 =	sadd.s32 s8, s9;
	s11 =	ssub.s32 s6, s11  }
0xe: {  	s7 =	sadd.s32 s7, s31;
	s9 =	sshrl.u32 s9, $0x3;
	s10 =	sshrl.u32 s10, $0x3  }
0xf: {  	s13 =	sshrl.u32 s13, $0x3;
	s9 =	sadd.s32 s9, s5;
	s10 =	sadd.s32 s10, s5  }
0x10: {  	s8 =	sadd.s32 $0xA5800, s9;
	s9 =	smax.u32 s11, $0x1;
	s11 =	simm.s32 $0x2800  }
0x11: {  	s5 =	sadd.s32 $0x7600, s10;
	s6 =	sadd.s32 $0x11600, s10;
	s10 =	simm.s32 $0x3  }
.LBB2_1:
0x12: {  	[tilespmem:s3], [sflag:$0x3] =	stream.linear.gather [hbm4b:s5+s3], $0x2800, $0x38;
	[tilespmem:$0x12E00] =	vst v63  }
0x13: {  	_ =	swait.ge [sflag:s10], $0x2800  }
0x14: {  	[sflag:s10] =	ssyncset.done $0x0  }
0x15: {  	[sflag:s10] =	ssyncadd.s32 $0xFFFFD800  }
0x16: {  	[tilespmem:s11], [sflag:$0x3] =	stream.linear.gather [hbm4b:s6+s3], $0x2800, $0x38;
	[tilespmem:$0x12E00] =	vst v63  }
0x17: {  	_ =	swait.ge [sflag:s10], $0x2800  }
0x18: {  	[sflag:s10] =	ssyncset.done $0x0  }
0x19: {  	[sflag:s10] =	ssyncadd.s32 $0xFFFFD800  }
0x1a: {  	[spmem:s13], [sflag:s12] =	dma.local [hbm:s7], $0x13C0  }
0x1b: {  	_ =	swait.ge [sflag:s10], $0x13C0  }
0x1c: {  	[sflag:s10] =	ssyncset.done $0x0  }
0x1d: {  	[sflag:s10] =	ssyncadd.s32 $0xFFFFEC40  }
0x1e: {  	[bflag:$0x0] =	sbarrier.arrive $0xFFFF  }
0x1f: {  	[tilespmem:s15], [sflag:$0x1] =	stream.indirect.gather [hbm4b:s4+s14], $0x40, s3, s14, $0xb8;
	[tilespmem:$0x12E00] =	vst v63  }
0x20: {  	s23 =	simm.s32 $0x80  }
0x21: {  	[tilespmem:s16], [sflag:$0x2] =	stream.indirect.gather [hbm4b:s4+s14], $0x40, s23, s14, $0xb8;
	[tilespmem:$0x12E00] =	vst v63  }
0x22: {  	_ =	swait.ge [sflag:s17], $0x2000  }
0x23: {  	[sflag:s17] =	ssyncset.done $0x0  }
0x24: {  	s29 =	simm.s32 $0x2800;
	[sflag:s17] =	ssyncadd.s32 $0xFFFFE000  }
0x25: {  	[spmem:s2] =	stream.indirect.scatter.add.f32 [tilespmem:s15], [sflag:$0x3], $0x40, s29, s14, $0xb8;
	[tilespmem:$0x12E00] =	vst v63  }
0x26: {  	_ =	swait.ge [sflag:s10], $0x2000  }
0x27: {  	[sflag:s10] =	ssyncset.done $0x0  }
0x28: {  	s30 =	simm.s32 $0x100;
	[sflag:s10] =	ssyncadd.s32 $0xFFFFE000  }
0x29: {  	[tilespmem:s15], [sflag:$0x1] =	stream.indirect.gather [hbm4b:s4+s14], $0x40, s30, s14, $0xb8;
	[tilespmem:$0x12E00] =	vst v63  }
0x2a: {  	_ =	swait.ge [sflag:s18], $0x2000  }
0x2b: {  	[sflag:s18] =	ssyncset.done $0x0  }
0x2c: {  	s31 =	simm.s32 $0x2880;
	[sflag:s18] =	ssyncadd.s32 $0xFFFFE000  }
0x2d: {  	[spmem:s2] =	stream.indirect.scatter.add.f32 [tilespmem:s16], [sflag:$0x3], $0x40, s31, s14, $0xb8;
	[tilespmem:$0x12E00] =	vst v63  }
0x2e: {  	_ =	swait.ge [sflag:s10], $0x2000  }
0x2f: {  	s24 =	simm.s32 $0x800;
	s23 =	simm.s32 $0x100;
	[sflag:s10] =	ssyncset.done $0x0  }
.LBB2_2:
0x30: {  	s25 =	sadd.s32 $0x80, s23  }
0x31: {  	[sflag:s10] =	ssyncadd.s32 $0xFFFFE000;
	s26 =	smov.u32 s24;
	s28 =	sadd.s32 $0x400, s24  }
0x32: {  	[tilespmem:s16], [sflag:$0x2] =	stream.indirect.gather [hbm4b:s4+s14], $0x40, s25, s14, $0xb8;
	[tilespmem:$0x12E00] =	vst v63  }
0x33: {  	p0 =	sne.s32 s24, $0x9800;
	_ =	swait.ge [sflag:s17], $0x2000  }
0x34: {  	[sflag:s17] =	ssyncset.done $0x0  }
0x35: {  	s24 =	sadd.s32 $0x2800, s23;
	[sflag:s17] =	ssyncadd.s32 $0xFFFFE000  }
0x36: {  	[spmem:s2] =	stream.indirect.scatter.add.f32 [tilespmem:s15], [sflag:$0x3], $0x40, s24, s14, $0xb8;
	[tilespmem:$0x12E00] =	vst v63  }
0x37: {  	_ =	swait.ge [sflag:s10], $0x2000  }
0x38: {  	[sflag:s10] =	ssyncset.done $0x0  }
0x39: {  	s24 =	sadd.s32 $0x100, s23;
	[sflag:s10] =	ssyncadd.s32 $0xFFFFE000  }
0x3a: {  	[tilespmem:s15], [sflag:$0x1] =	stream.indirect.gather [hbm4b:s4+s14], $0x40, s24, s14, $0xb8;
	[tilespmem:$0x12E00] =	vst v63  }
0x3b: {  	_ =	swait.ge [sflag:s18], $0x2000  }
.Ltmp0:
0x3c: {  	[sflag:s18] =	ssyncset.done $0x0;
	(pc) =	sbr.rel @p0 .LBB2_2-.Ltmp0, $4  }
0x3d: {  	s23 =	sadd.s32 $0x2880, s23;
	[sflag:s18] =	ssyncadd.s32 $0xFFFFE000  }
0x3e: {  	[spmem:s2] =	stream.indirect.scatter.add.f32 [tilespmem:s16], [sflag:$0x3], $0x40, s23, s14, $0xb8;
	[tilespmem:$0x12E00] =	vst v63  }
0x3f: {  	_ =	swait.ge [sflag:s10], $0x2000  }
0x40: {  	s24 =	smov.u32 s28;
	s23 =	sshra.s32 s26, $0x2;
	[sflag:s10] =	ssyncset.done $0x0  }
0x41: {  	s24 =	sadd.s32 $0x80, s23;
	[sflag:s10] =	ssyncadd.s32 $0xFFFFE000  }
0x42: {  	[tilespmem:s16], [sflag:$0x2] =	stream.indirect.gather [hbm4b:s4+s14], $0x40, s24, s14, $0xb8;
	[tilespmem:$0x12E00] =	vst v63  }
0x43: {  	_ =	swait.ge [sflag:s17], $0x2000  }
0x44: {  	[sflag:s17] =	ssyncset.done $0x0  }
0x45: {  	s29 =	sadd.s32 $0x2800, s23;
	[sflag:s17] =	ssyncadd.s32 $0xFFFFE000  }
0x46: {  	[spmem:s2] =	stream.indirect.scatter.add.f32 [tilespmem:s15], [sflag:$0x3], $0x40, s29, s14, $0xb8;
	[tilespmem:$0x12E00] =	vst v63  }
0x47: {  	_ =	swait.ge [sflag:s10], $0x2000  }
0x48: {  	[sflag:s10] =	ssyncset.done $0x0  }
0x49: {  	s30 =	sadd.s32 $0x100, s23;
	[sflag:s10] =	ssyncadd.s32 $0xFFFFE000  }
0x4a: {  	[tilespmem:s15], [sflag:$0x1] =	stream.indirect.gather [hbm4b:s4+s14], $0x40, s30, s14, $0xb8;
	[tilespmem:$0x12E00] =	vst v63  }
0x4b: {  	_ =	swait.ge [sflag:s18], $0x2000  }
0x4c: {  	[sflag:s18] =	ssyncset.done $0x0  }
0x4d: {  	s31 =	sadd.s32 $0x2880, s23;
	[sflag:s18] =	ssyncadd.s32 $0xFFFFE000  }
0x4e: {  	[spmem:s2] =	stream.indirect.scatter.add.f32 [tilespmem:s16], [sflag:$0x3], $0x40, s31, s14, $0xb8;
	[tilespmem:$0x12E00] =	vst v63  }
0x4f: {  	_ =	swait.ge [sflag:s10], $0x2000  }
0x50: {  	[sflag:s10] =	ssyncset.done $0x0  }
0x51: {  	[sflag:s10] =	ssyncadd.s32 $0xFFFFE000  }
0x52: {  	[tilespmem:s16], [sflag:$0x2] =	stream.indirect.gather [hbm4b:s4+s14], $0x40, s19, s14, $0xb8;
	[tilespmem:$0x12E00] =	vst v63  }
0x53: {  	_ =	swait.ge [sflag:s17], $0x2000  }
0x54: {  	[sflag:s17] =	ssyncset.done $0x0  }
0x55: {  	[sflag:s17] =	ssyncadd.s32 $0xFFFFE000  }
0x56: {  	[spmem:s2] =	stream.indirect.scatter.add.f32 [tilespmem:s15], [sflag:$0x3], $0x40, s20, s14, $0xb8;
	[tilespmem:$0x12E00] =	vst v63  }
0x57: {  	_ =	swait.ge [sflag:s10], $0x2000  }
0x58: {  	[sflag:s10] =	ssyncset.done $0x0  }
0x59: {  	[sflag:s10] =	ssyncadd.s32 $0xFFFFE000  }
0x5a: {  	_ =	swait.ge [sflag:s18], $0x2000  }
0x5b: {  	[sflag:s18] =	ssyncset.done $0x0  }
0x5c: {  	[sflag:s18] =	ssyncadd.s32 $0xFFFFE000  }
0x5d: {  	[spmem:s2] =	stream.indirect.scatter.add.f32 [tilespmem:s16], [sflag:$0x3], $0x40, s21, s14, $0xb8;
	[tilespmem:$0x12E00] =	vst v63  }
0x5e: {  	_ =	swait.ge [sflag:s10], $0x2000  }
0x5f: {  	s22 =	sadd.s32 $0x1, s22;
	[sflag:s10] =	ssyncset.done $0x0  }
0x60: {  	p0 =	sne.s32 s22, s9;
	[sflag:s10] =	ssyncadd.s32 $0xFFFFE000  }
.Ltmp1:
0x61: {  	[bflag:$0x0] =	sbarrier.arrive $0xFFFF;
	(pc) =	sbr.rel @p0 .LBB2_1-.Ltmp1, $4  }
0x62: {  	[hbm:s8], [sflag:s12] =	dma.local [spmem:s13], $0x13C0  }
0x63: {  	_ =	swait.ge [sflag:s10], $0x13C0  }
0x64: {  	[sflag:s10] =	ssyncset.done $0x0  }
0x65: {  	[sflag:s10] =	ssyncadd.s32 $0xFFFFEC40  }
0x66: {  	_ =	sfence.sel $0x180000  }
0x67: {  	[bflag:$0x0] =	sbarrier.arrive $0xFFFF  }
0x68: {  	p0 =	sne.s32 s1, $0x0;
	_ =	strace $0x9000004D  }
0x69: {  	s0 =	sadd.s32 @!p0 $0x100000, s0;
	[bflag:$0x2] =	sbarrier.arrive $0xFFFF  }
0x6a: {  	[sflag:s0] =	ssyncadd.tile.s32 @!p0 $0x1;
	_ =	shalt  }
.Lfunc_end2:
_tile_overlayer_lowered:
.L_overlay_start_2:
0x6b: {  	(tag) =	ssettag $0x2  }
0x6c: {  	s0 =	rddreg [dreg:$0x0];
	s2 =	stileid.u32  }
0x6d: {  	s1 =	rddreg [dreg:$0x1];
	p0 =	sne.s32 s2, $0x0  }
0x6e: {  	s3 =	rddreg [dreg:$0x2];
	[bflag:$0x3] =	sbarrier.arrive $0xFFFF;
	s2 =	simm.s32 @!p0 $0x1C03  }
0x6f: {  	[timem:s3], [sflag:s2] =	dma.local @!p0 [hbm:s0], s1  }
0x70: {  	s0 =	simm.s32 @!p0 $0x3  }
0x71: {  	_ =	swait.ge @!p0 [sflag:s0], s1  }
0x72: {  	s1 =	ssub.s32 @!p0 $0x0, s1;
	[sflag:s0] =	ssyncset.done @!p0 $0x0  }
0x73: {  	[sflag:s0] =	ssyncadd.s32 @!p0 s1  }
0x74: {  	[bflag:$0x3] =	sbarrier.arrive $0xFFFF  }
0x75: {  	_ =	shalt  }

// kernel: kernel.21.cloned.1.call-start
scs
__scs_entry_jumppad:
0x0: {  	(pc) =	sbr.rel $0x88, $3  }
0x1: {  	(tag) =	ssettag $0x0;
	lr =	simm.s32 $0x1  }
0x2: {  	[smem:$0x3F89] =	sst lr;
	_ =	strace $0xD0000000  }
0x3: {  	_ = 	snop  }
0x4: {  	_ = 	snop  }
0x5: {  	_ = 	snop  }
0x6: {  	_ = 	snop  }
0x7: {  	_ = 	snop  }
__scs_overlays_trampoline_lowered:
0x8: {  	[smem:$0x3F98] =	sst s0  }
0x9: {  	[smem:$0x3F99] =	sst s1  }
0xa: {  	[smem:$0x3F9A] =	sst s2  }
0xb: {  	[smem:$0x3F9B] =	sst s3  }
0xc: {  	[smem:$0x3F9C] =	sst s4  }
0xd: {  	[smem:$0x3F9D] =	sst s5  }
0xe: {  	[smem:$0x3F9E] =	sst s6  }
0xf: {  	[smem:$0x3F9F] =	sst s7  }
0x10: {  	[smem:$0x3FA0] =	sst s8  }
0x11: {  	[smem:$0x3FA1] =	sst s9;
	s0 =	simm.s32 @!p0 $0x0  }
0x12: {  	s1 =	sld [smem:$0x3F87];
	s0 =	simm.s32 @p0 $0x1  }
0x13: {  	[smem:$0x3FA2] =	sst s0;
	s0 =	simm.s32 @!p1 $0x0  }
0x14: {  	s2 =	sld [smem:$0x3F86];
	s0 =	simm.s32 @p1 $0x1  }
0x15: {  	[smem:$0x3FA3] =	sst s0;
	s0 =	simm.s32 @!p2 $0x0  }
0x16: {  	s3 =	sld [smem:$0x3FDB];
	s0 =	simm.s32 @p2 $0x1  }
0x17: {  	s4 =	simm.s32 $0x1BF5;
	[smem:$0x3FA5] =	sst s0  }
0x18: {  	s0 =	sld [smem:$0x3F88];
	_ =	swait.ge [sflag:s4], $0x0  }
0x19: {  	s7 =	sld [smem:$0x3F89]  }
0x1a: {  	s8 =	sadd.s32 $0xFFFFE003, lr  }
0x1b: {  	s9 =	sadd.s32 $0xFFFFFEF7, lr;
	s5 =	simm.s32 $0xFFFFFFFF;
	p2 =	slt.u32 s8, $0xFFFFF086  }
0x1c: {  	p1 =	slt.u32 s9, $0xF7A;
	s5 =	simm.s32 @!p2 $0x0  }
0x1d: {  	s5 =	simm.s32 @p1 $0x1;
	p0 =	seq.s32 s7, s2  }
0x1e: {  	s7 =	smul.u32 @!p0 $0xF7A, s2;
	p2 =	seq.s32 @!p0 s5, $0x0  }
0x1f: {  	s9 =	smul.u32 $0xF7A, s1;
	s8 =	simm.s32 @!p0 $0x1BF5;
	p2 =	por !p2, p0  }
0x20: {  	[sflag:s8] =	ssyncset.s32 @!p0 $0xFFFFF086;
	s6 =	sadd.s32 @!p0 s3, s7;
	s7 =	simm.s32 @!p0 $0x108  }
0x21: {  	s3 =	sadd.s32 s3, s9;
	s6 =	sadd.s32 @!p0 $0x88, s6;
	s7 =	simm.s32 @p2 $0x1082  }
0x22: {  	[simem:s7], [sflag:s8] =	dma.local @!p0 [hbm:s6], $0xF7A  }
0x23: {  	s9 =	sor.u32 $0xD0000000, s2;
	s6 =	simm.s32 $0x108;
	_ =	swait.ge @!p0 [sflag:s8], $0x0  }
0x24: {  	s3 =	sadd.s32 $0x88, s3;
	s6 =	simm.s32 @!p1 $0x1082;
	[sflag:s4] =	ssyncset.s32 $0xFFFFF086  }
0x25: {  	[simem:s6], [sflag:s4] =	dma.local [hbm:s3], $0xF7A  }
0x26: {  	[smem:$0x3F89] =	sst s1;
	(tag) =	ssettag s2;
	_ =	strace s9  }
0x27: {  	s1 =	sld [smem:$0x3F99]  }
0x28: {  	s2 =	sld [smem:$0x3F9A]  }
0x29: {  	s4 =	sld [smem:$0x3F9C]  }
0x2a: {  	p0 =	seq.s32 s5, $0x0;
	s5 =	sld [smem:$0x3F9D]  }
0x2b: {  	s6 =	sld [smem:$0x3F9E]  }
0x2c: {  	s7 =	sld [smem:$0x3F9F]  }
0x2d: {  	s3 =	simm.s32 $0x108;
	s8 =	sld [smem:$0x3FA0]  }
0x2e: {  	s3 =	simm.s32 @!p0 $0x1082;
	s9 =	sld [smem:$0x3FA1]  }
0x2f: {  	lr =	sadd.s32 s0, s3;
	s0 =	sld [smem:$0x3F98]  }
0x30: {  	s3 =	sld [smem:$0x3F9B]  }
0x31: {  	[smem:$0x3FA4] =	sst s10  }
0x32: {  	s10 =	sld [smem:$0x3FA2];
	_ =	sdelay $0x3  }
0x33: {  	p0 =	seq.s32 s10, $0x1;
	s10 =	sld [smem:$0x3FA4];
	_ =	sdelay $0x3  }
0x34: {  	[smem:$0x3FA4] =	sst s10  }
0x35: {  	s10 =	sld [smem:$0x3FA3];
	_ =	sdelay $0x3  }
0x36: {  	p1 =	seq.s32 s10, $0x1;
	s10 =	sld [smem:$0x3FA4];
	_ =	sdelay $0x3  }
0x37: {  	[smem:$0x3FA4] =	sst s10  }
0x38: {  	s10 =	sld [smem:$0x3FA5]  }
0x39: {  	_ = 	snop;
	(pc) =	sbr.ind lr, $3  }
0x3a: {  	_ = 	snop  }
0x3b: {  	_ = 	snop  }
0x3c: {  	p2 =	seq.s32 s10, $0x1;
	s10 =	sld [smem:$0x3FA4]  }
0x3d: {  	_ =	shalt  }
0x3e: {  	_ =	shalt  }
0x3f: {  	_ =	shalt  }
0x40: {  	_ =	shalt  }
0x41: {  	_ =	shalt  }
0x42: {  	_ =	shalt  }
0x43: {  	_ =	shalt  }
0x44: {  	_ =	shalt  }
0x45: {  	_ =	shalt  }
0x46: {  	_ =	shalt  }
0x47: {  	_ =	shalt  }
0x48: {  	_ =	shalt  }
0x49: {  	_ =	shalt  }
0x4a: {  	_ =	shalt  }
0x4b: {  	_ =	shalt  }
0x4c: {  	_ =	shalt  }
0x4d: {  	_ =	shalt  }
0x4e: {  	_ =	shalt  }
0x4f: {  	_ =	shalt  }
0x50: {  	_ =	shalt  }
0x51: {  	_ =	shalt  }
0x52: {  	_ =	shalt  }
0x53: {  	_ =	shalt  }
0x54: {  	_ =	shalt  }
0x55: {  	_ =	shalt  }
0x56: {  	_ =	shalt  }
0x57: {  	_ =	shalt  }
0x58: {  	_ =	shalt  }
0x59: {  	_ =	shalt  }
0x5a: {  	_ =	shalt  }
0x5b: {  	_ =	shalt  }
0x5c: {  	_ =	shalt  }
0x5d: {  	_ =	shalt  }
0x5e: {  	_ =	shalt  }
0x5f: {  	_ =	shalt  }
0x60: {  	_ =	shalt  }
0x61: {  	_ =	shalt  }
0x62: {  	_ =	shalt  }
0x63: {  	_ =	shalt  }
0x64: {  	_ =	shalt  }
0x65: {  	_ =	shalt  }
0x66: {  	_ =	shalt  }
0x67: {  	_ =	shalt  }
0x68: {  	_ =	shalt  }
0x69: {  	_ =	shalt  }
0x6a: {  	_ =	shalt  }
0x6b: {  	_ =	shalt  }
0x6c: {  	_ =	shalt  }
0x6d: {  	_ =	shalt  }
0x6e: {  	_ =	shalt  }
0x6f: {  	_ =	shalt  }
0x70: {  	_ =	shalt  }
0x71: {  	_ =	shalt  }
0x72: {  	_ =	shalt  }
0x73: {  	_ =	shalt  }
0x74: {  	_ =	shalt  }
0x75: {  	_ =	shalt  }
0x76: {  	_ =	shalt  }
0x77: {  	_ =	shalt  }
0x78: {  	_ =	shalt  }
0x79: {  	_ =	shalt  }
0x7a: {  	_ =	shalt  }
0x7b: {  	_ =	shalt  }
0x7c: {  	_ =	shalt  }
0x7d: {  	_ =	shalt  }
0x7e: {  	_ =	shalt  }
0x7f: {  	_ =	shalt  }
0x80: {  	_ =	shalt  }
0x81: {  	_ =	shalt  }
0x82: {  	_ =	shalt  }
0x83: {  	_ =	shalt  }
0x84: {  	_ =	shalt  }
0x85: {  	_ =	shalt  }
0x86: {  	_ =	shalt  }
0x87: {  	_ =	shalt  }
.Lfunc_end0:
.L_simem_size_0:
called_computation.3_lowered:
.L_overlay_start_0:
0x88: {  	s2 =	sld [smem:$0x3FD9]  }
0x89: {  	s3 =	sld [smem:$0x3FFE];
	_ =	sdelay $0x1  }
0x8a: {  	s1 =	srdreg.scid  }
0x8b: {  	s0 =	sand.u32 $0x1, s1  }
0x8c: {  	s14 =	sshll.u32 s0, $0xA;
	s2 =	sadd.s32 s3, s2  }
0x8d: {  	s2 =	sadd.s32 s2, s14  }
0x8e: {  	[smem:$0x3FB0] =	sst s2  }
0x8f: {  	_ = 	snop  }
0x90: {  	s2 =	sld [smem:$0x3FD0];
	_ =	sdelay $0x2  }
0x91: {  	s15 =	simm.s32 $0xB;
	s4 =	simm.s32 $0x10  }
0x92: {  	[smem:s4], [sflag:s15] =	dma.local [hbm:s2], $0x1  }
0x93: {  	_ =	swait.eq [sflag:s15], $0x1  }
0x94: {  	[sflag:s15] =	ssyncset.done $0x0  }
0x95: {  	[sflag:s15] =	ssyncadd.s32 $0xFFFFFFFF  }
0x96: {  	s16 =	sld [smem:$0x12];
	(tm) =	ssettm $0x1  }
0x97: {  	s17 =	sld [smem:$0x3FFB];
	_ =	sdelay $0x3  }
0x98: {  	_ =	strace s17  }
0x99: {  	s3 =	sld [smem:$0x3FFC];
	_ =	sdelay $0x3  }
0x9a: {  	_ =	strace s3  }
0x9b: {  	s3 =	sld [smem:$0x3FFD];
	_ =	sdelay $0x3  }
0x9c: {  	_ =	strace s3  }
0x9d: {  	_ =	strace $0x8FFFFFFF  }
0x9e: {  	s18 =	sld [smem:$0x3FDB];
	_ =	sdelay $0x1  }
0x9f: {  	s19 =	simm.s32 $_scs_section_size  }
0xa0: {  	s5 =	simm.s32 $_size__tile_overlayer_lowered;
	s6 =	simm.s32 $_tile_overlayer_lowered  }
0xa1: {  	s22 =	simm.s32 $0x1BFF;
	s21 =	sshll.u32 s6, $0x1;
	s3 =	sadd.s32 s19, s18  }
0xa2: {  	s7 =	simm.s32 $0x0;
	s20 =	sshll.u32 s5, $0x1;
	s5 =	sadd.s32 s21, s3  }
0xa3: {  	[timem:s7], [sflag:s22] =	dma.local [hbm:s5], s20  }
0xa4: {  	_ =	swait.ge [sflag:s22], s20  }
0xa5: {  	s4 =	ssub.s32 $0x0, s20;
	[sflag:s22] =	ssyncset.done $0x0  }
0xa6: {  	[sflag:s22] =	ssyncadd.s32 s4;
	_ =	sdelay $0x1  }
0xa7: {  	s23 =	simm.s32 $0x1B8B  }
0xa8: {  	_ =	swait.ge [sflag:s23], $0x1  }
0xa9: {  	[sflag:s23] =	ssyncset.done $0x0  }
0xaa: {  	s25 =	simm.s32 $0x1B8E;
	s24 =	sld [smem:$0x3FFE];
	[sflag:s23] =	ssyncadd.s32 $0xFFFFFFFF  }
0xab: {  	s26 =	simm.s32 $execute0_lowered;
	[smem:$0x3FD2] =	sst s25  }
0xac: {  	s5 =	sshll.u32 s26, $0x1;
	_ =	strace $0x8000004F;
	[dreg:$0x1] =	wrdreg $0xFFFFFFFF  }
0xad: {  	s28 =	simm.s32 $_size_execute0_lowered;
	s3 =	sadd.s32 s3, s5;
	[dreg:$0x0] =	wrdreg $0x0  }
0xae: {  	s5 =	sshll.u32 s28, $0x1;
	[dreg:$0x2] =	wrdreg s3  }
0xaf: {  	[dreg:$0x3] =	wrdreg s5  }
0xb0: {  	[dreg:$0x4] =	wrdreg $0xC0  }
0xb1: {  	_ =	task [dreg:s7], $0x5FFFF  }
0xb2: {  	[dreg:$0x1] =	wrdreg $0xFFFFFFFF  }
0xb3: {  	[dreg:$0x0] =	wrdreg $0x60  }
0xb4: {  	[dreg:$0x2] =	wrdreg s24  }
0xb5: {  	[dreg:$0x3] =	wrdreg s16  }
0xb6: {  	[dreg:$0x4] =	wrdreg $0x90000  }
0xb7: {  	[dreg:$0x5] =	wrdreg $0x9  }
0xb8: {  	_ =	task.clear_ibuf [dreg:s7], $0x6FFFF;
	_ =	strace $0x9000004F  }
0xb9: {  	s29 =	simm.s32 $0x9;
	_ =	strace $0x80000051  }
0xba: {  	_ =	swait.ge [sflag:s29], $0x1  }
0xbb: {  	[sflag:s29] =	ssyncadd.s32 $0xFFFFFFFF  }
0xbc: {  	_ =	strace $0x90000051  }
0xbd: {  	_ =	sfence  }
0xbe: {  	s30 =	sld [smem:$0x0];
	_ =	sdelay $0x2  }
0xbf: {  	s31 =	sshll.u32 s1, $0xD;
	s1 =	sshrl.u32 s1, $0x2  }
0xc0: {  	s3 =	sand.u32 $0x4000, s31;
	s1 =	sadd.s32 s1, s30  }
0xc1: {  	s0 =	sor.u32 s3, s0;
	s1 =	sshll.u32 s1, $0x11  }
0xc2: {  	s0 =	sor.u32 s1, s0  }
0xc3: {  	s0 =	sadd.s32 $0x8F2B, s0  }
0xc4: {  	[sflag:s0] =	ssyncadd.remote.s32 $0x1  }
0xc5: {  	_ =	sfence.sel $0xFFFF  }
0xc6: {  	[dreg:$0x0] =	wrdreg $0xFFFFFFFF;
	(pc) =	sbr.abs _section_cstart, $3  }
0xc7: {  	[dreg:$0x1] =	wrdreg $0xFFFFFFFF  }
0xc8: {  	_ =	task.clear_ibuf [dreg:s7], $0x2FFFF;
	_ =	strace $0x9FFFFFFF  }
0xc9: {  	(tm) =	ssettm $0x7FFFFFFF  }
tec
execute0_lowered:
.L_overlay_start_1:
0x0: {  	(tag) =	ssettag $0x1  }
0x1: {  	s5 =	rddreg [dreg:$0x0]  }
0x2: {  	s7 =	rddreg [dreg:$0x1]  }
0x3: {  	s2 =	rddreg [dreg:$0x2];
	s3 =	srdreg.scid  }
0x4: {  	s0 =	rddreg [dreg:$0x3];
	s1 =	stileid.u32  }
0x5: {  	s14 =	simm.s32 $0x80;
	s15 =	simm.s32 $0x5000;
	s16 =	simm.s32 $0x7000  }
0x6: {  	s17 =	simm.s32 $0x1;
	s18 =	simm.s32 $0x2;
	s19 =	simm.s32 $0x2780  }
0x7: {  	s20 =	simm.s32 $0x4F00;
	s21 =	simm.s32 $0x4F80;
	s22 =	simm.s32 $0x0  }
0x8: {  	s6 =	sand.u32 $0x1, s3;
	s3 =	simm.s32 $0x0;
	s8 =	smul.u32 $0x9E00, s1  }
0x9: {  	s12 =	sshll.u32 s1, $0x6;
	s4 =	sshll.u32 s6, $0x4;
	[smem:$0x7FF] =	sst s3  }
0xa: {  	s9 =	smul.u32 $0x9E000, s6;
	s6 =	ssub.s32 $0x2, s6;
	s12 =	sor.u32 $0x1C03, s12  }
0xb: {  	s4 =	sor.u32 s1, s4;
	_ =	strace $0x80000050;
	s11 =	sshrl.u32 s6, $0x1  }
0xc: {  	s31 =	sshrl.u32 s8, $0x3;
	s13 =	sadd.s32 s8, s2;
	s10 =	smul.u32 $0x2800, s4  }
0xd: {  	s4 =	sadd.s32 $0x91800, s5;
	s9 =	sadd.s32 s8, s9;
	s11 =	ssub.s32 s6, s11  }
0xe: {  	s7 =	sadd.s32 s7, s31;
	s9 =	sshrl.u32 s9, $0x3;
	s10 =	sshrl.u32 s10, $0x3  }
0xf: {  	s13 =	sshrl.u32 s13, $0x3;
	s9 =	sadd.s32 s9, s5;
	s10 =	sadd.s32 s10, s5  }
0x10: {  	s8 =	sadd.s32 $0xA5200, s9;
	s9 =	smax.u32 s11, $0x1;
	s11 =	simm.s32 $0x2800  }
0x11: {  	s5 =	sadd.s32 $0x7600, s10;
	s6 =	sadd.s32 $0x11600, s10;
	s10 =	simm.s32 $0x3  }
.LBB2_1:
0x12: {  	[tilespmem:s3], [sflag:$0x3] =	stream.linear.gather [hbm4b:s5+s3], $0x2800, $0x38;
	[tilespmem:$0x12E00] =	vst v63  }
0x13: {  	_ =	swait.ge [sflag:s10], $0x2800  }
0x14: {  	[sflag:s10] =	ssyncset.done $0x0  }
0x15: {  	[sflag:s10] =	ssyncadd.s32 $0xFFFFD800  }
0x16: {  	[tilespmem:s11], [sflag:$0x3] =	stream.linear.gather [hbm4b:s6+s3], $0x2800, $0x38;
	[tilespmem:$0x12E00] =	vst v63  }
0x17: {  	_ =	swait.ge [sflag:s10], $0x2800  }
0x18: {  	[sflag:s10] =	ssyncset.done $0x0  }
0x19: {  	[sflag:s10] =	ssyncadd.s32 $0xFFFFD800  }
0x1a: {  	[spmem:s13], [sflag:s12] =	dma.local [hbm:s7], $0x13C0  }
0x1b: {  	_ =	swait.ge [sflag:s10], $0x13C0  }
0x1c: {  	[sflag:s10] =	ssyncset.done $0x0  }
0x1d: {  	[sflag:s10] =	ssyncadd.s32 $0xFFFFEC40  }
0x1e: {  	[bflag:$0x0] =	sbarrier.arrive $0xFFFF  }
0x1f: {  	[tilespmem:s15], [sflag:$0x1] =	stream.indirect.gather [hbm4b:s4+s14], $0x40, s3, s14, $0xb8;
	[tilespmem:$0x12E00] =	vst v63  }
0x20: {  	s23 =	simm.s32 $0x80  }
0x21: {  	[tilespmem:s16], [sflag:$0x2] =	stream.indirect.gather [hbm4b:s4+s14], $0x40, s23, s14, $0xb8;
	[tilespmem:$0x12E00] =	vst v63  }
0x22: {  	_ =	swait.ge [sflag:s17], $0x2000  }
0x23: {  	[sflag:s17] =	ssyncset.done $0x0  }
0x24: {  	s29 =	simm.s32 $0x2800;
	[sflag:s17] =	ssyncadd.s32 $0xFFFFE000  }
0x25: {  	[spmem:s2] =	stream.indirect.scatter.add.f32 [tilespmem:s15], [sflag:$0x3], $0x40, s29, s14, $0xb8;
	[tilespmem:$0x12E00] =	vst v63  }
0x26: {  	_ =	swait.ge [sflag:s10], $0x2000  }
0x27: {  	[sflag:s10] =	ssyncset.done $0x0  }
0x28: {  	s30 =	simm.s32 $0x100;
	[sflag:s10] =	ssyncadd.s32 $0xFFFFE000  }
0x29: {  	[tilespmem:s15], [sflag:$0x1] =	stream.indirect.gather [hbm4b:s4+s14], $0x40, s30, s14, $0xb8;
	[tilespmem:$0x12E00] =	vst v63  }
0x2a: {  	_ =	swait.ge [sflag:s18], $0x2000  }
0x2b: {  	[sflag:s18] =	ssyncset.done $0x0  }
0x2c: {  	s31 =	simm.s32 $0x2880;
	[sflag:s18] =	ssyncadd.s32 $0xFFFFE000  }
0x2d: {  	[spmem:s2] =	stream.indirect.scatter.add.f32 [tilespmem:s16], [sflag:$0x3], $0x40, s31, s14, $0xb8;
	[tilespmem:$0x12E00] =	vst v63  }
0x2e: {  	_ =	swait.ge [sflag:s10], $0x2000  }
0x2f: {  	s24 =	simm.s32 $0x800;
	s23 =	simm.s32 $0x100;
	[sflag:s10] =	ssyncset.done $0x0  }
.LBB2_2:
0x30: {  	s25 =	sadd.s32 $0x80, s23  }
0x31: {  	[sflag:s10] =	ssyncadd.s32 $0xFFFFE000;
	s26 =	smov.u32 s24;
	s28 =	sadd.s32 $0x400, s24  }
0x32: {  	[tilespmem:s16], [sflag:$0x2] =	stream.indirect.gather [hbm4b:s4+s14], $0x40, s25, s14, $0xb8;
	[tilespmem:$0x12E00] =	vst v63  }
0x33: {  	p0 =	sne.s32 s24, $0x9800;
	_ =	swait.ge [sflag:s17], $0x2000  }
0x34: {  	[sflag:s17] =	ssyncset.done $0x0  }
0x35: {  	s24 =	sadd.s32 $0x2800, s23;
	[sflag:s17] =	ssyncadd.s32 $0xFFFFE000  }
0x36: {  	[spmem:s2] =	stream.indirect.scatter.add.f32 [tilespmem:s15], [sflag:$0x3], $0x40, s24, s14, $0xb8;
	[tilespmem:$0x12E00] =	vst v63  }
0x37: {  	_ =	swait.ge [sflag:s10], $0x2000  }
0x38: {  	[sflag:s10] =	ssyncset.done $0x0  }
0x39: {  	s24 =	sadd.s32 $0x100, s23;
	[sflag:s10] =	ssyncadd.s32 $0xFFFFE000  }
0x3a: {  	[tilespmem:s15], [sflag:$0x1] =	stream.indirect.gather [hbm4b:s4+s14], $0x40, s24, s14, $0xb8;
	[tilespmem:$0x12E00] =	vst v63  }
0x3b: {  	_ =	swait.ge [sflag:s18], $0x2000  }
.Ltmp0:
0x3c: {  	[sflag:s18] =	ssyncset.done $0x0;
	(pc) =	sbr.rel @p0 .LBB2_2-.Ltmp0, $4  }
0x3d: {  	s23 =	sadd.s32 $0x2880, s23;
	[sflag:s18] =	ssyncadd.s32 $0xFFFFE000  }
0x3e: {  	[spmem:s2] =	stream.indirect.scatter.add.f32 [tilespmem:s16], [sflag:$0x3], $0x40, s23, s14, $0xb8;
	[tilespmem:$0x12E00] =	vst v63  }
0x3f: {  	_ =	swait.ge [sflag:s10], $0x2000  }
0x40: {  	s24 =	smov.u32 s28;
	s23 =	sshra.s32 s26, $0x2;
	[sflag:s10] =	ssyncset.done $0x0  }
0x41: {  	s24 =	sadd.s32 $0x80, s23;
	[sflag:s10] =	ssyncadd.s32 $0xFFFFE000  }
0x42: {  	[tilespmem:s16], [sflag:$0x2] =	stream.indirect.gather [hbm4b:s4+s14], $0x40, s24, s14, $0xb8;
	[tilespmem:$0x12E00] =	vst v63  }
0x43: {  	_ =	swait.ge [sflag:s17], $0x2000  }
0x44: {  	[sflag:s17] =	ssyncset.done $0x0  }
0x45: {  	s29 =	sadd.s32 $0x2800, s23;
	[sflag:s17] =	ssyncadd.s32 $0xFFFFE000  }
0x46: {  	[spmem:s2] =	stream.indirect.scatter.add.f32 [tilespmem:s15], [sflag:$0x3], $0x40, s29, s14, $0xb8;
	[tilespmem:$0x12E00] =	vst v63  }
0x47: {  	_ =	swait.ge [sflag:s10], $0x2000  }
0x48: {  	[sflag:s10] =	ssyncset.done $0x0  }
0x49: {  	s30 =	sadd.s32 $0x100, s23;
	[sflag:s10] =	ssyncadd.s32 $0xFFFFE000  }
0x4a: {  	[tilespmem:s15], [sflag:$0x1] =	stream.indirect.gather [hbm4b:s4+s14], $0x40, s30, s14, $0xb8;
	[tilespmem:$0x12E00] =	vst v63  }
0x4b: {  	_ =	swait.ge [sflag:s18], $0x2000  }
0x4c: {  	[sflag:s18] =	ssyncset.done $0x0  }
0x4d: {  	s31 =	sadd.s32 $0x2880, s23;
	[sflag:s18] =	ssyncadd.s32 $0xFFFFE000  }
0x4e: {  	[spmem:s2] =	stream.indirect.scatter.add.f32 [tilespmem:s16], [sflag:$0x3], $0x40, s31, s14, $0xb8;
	[tilespmem:$0x12E00] =	vst v63  }
0x4f: {  	_ =	swait.ge [sflag:s10], $0x2000  }
0x50: {  	[sflag:s10] =	ssyncset.done $0x0  }
0x51: {  	[sflag:s10] =	ssyncadd.s32 $0xFFFFE000  }
0x52: {  	[tilespmem:s16], [sflag:$0x2] =	stream.indirect.gather [hbm4b:s4+s14], $0x40, s19, s14, $0xb8;
	[tilespmem:$0x12E00] =	vst v63  }
0x53: {  	_ =	swait.ge [sflag:s17], $0x2000  }
0x54: {  	[sflag:s17] =	ssyncset.done $0x0  }
0x55: {  	[sflag:s17] =	ssyncadd.s32 $0xFFFFE000  }
0x56: {  	[spmem:s2] =	stream.indirect.scatter.add.f32 [tilespmem:s15], [sflag:$0x3], $0x40, s20, s14, $0xb8;
	[tilespmem:$0x12E00] =	vst v63  }
0x57: {  	_ =	swait.ge [sflag:s10], $0x2000  }
0x58: {  	[sflag:s10] =	ssyncset.done $0x0  }
0x59: {  	[sflag:s10] =	ssyncadd.s32 $0xFFFFE000  }
0x5a: {  	_ =	swait.ge [sflag:s18], $0x2000  }
0x5b: {  	[sflag:s18] =	ssyncset.done $0x0  }
0x5c: {  	[sflag:s18] =	ssyncadd.s32 $0xFFFFE000  }
0x5d: {  	[spmem:s2] =	stream.indirect.scatter.add.f32 [tilespmem:s16], [sflag:$0x3], $0x40, s21, s14, $0xb8;
	[tilespmem:$0x12E00] =	vst v63  }
0x5e: {  	_ =	swait.ge [sflag:s10], $0x2000  }
0x5f: {  	s22 =	sadd.s32 $0x1, s22;
	[sflag:s10] =	ssyncset.done $0x0  }
0x60: {  	p0 =	sne.s32 s22, s9;
	[sflag:s10] =	ssyncadd.s32 $0xFFFFE000  }
.Ltmp1:
0x61: {  	[bflag:$0x0] =	sbarrier.arrive $0xFFFF;
	(pc) =	sbr.rel @p0 .LBB2_1-.Ltmp1, $4  }
0x62: {  	[hbm:s8], [sflag:s12] =	dma.local [spmem:s13], $0x13C0  }
0x63: {  	_ =	swait.ge [sflag:s10], $0x13C0  }
0x64: {  	[sflag:s10] =	ssyncset.done $0x0  }
0x65: {  	[sflag:s10] =	ssyncadd.s32 $0xFFFFEC40  }
0x66: {  	_ =	sfence.sel $0x180000  }
0x67: {  	[bflag:$0x0] =	sbarrier.arrive $0xFFFF  }
0x68: {  	p0 =	sne.s32 s1, $0x0;
	_ =	strace $0x90000050  }
0x69: {  	s0 =	sadd.s32 @!p0 $0x100000, s0;
	[bflag:$0x2] =	sbarrier.arrive $0xFFFF  }
0x6a: {  	[sflag:s0] =	ssyncadd.tile.s32 @!p0 $0x1;
	_ =	shalt  }
.Lfunc_end2:
_tile_overlayer_lowered:
.L_overlay_start_2:
0x6b: {  	(tag) =	ssettag $0x2  }
0x6c: {  	s0 =	rddreg [dreg:$0x0];
	s2 =	stileid.u32  }
0x6d: {  	s1 =	rddreg [dreg:$0x1];
	p0 =	sne.s32 s2, $0x0  }
0x6e: {  	s3 =	rddreg [dreg:$0x2];
	[bflag:$0x3] =	sbarrier.arrive $0xFFFF;
	s2 =	simm.s32 @!p0 $0x1C03  }
0x6f: {  	[timem:s3], [sflag:s2] =	dma.local @!p0 [hbm:s0], s1  }
0x70: {  	s0 =	simm.s32 @!p0 $0x3  }
0x71: {  	_ =	swait.ge @!p0 [sflag:s0], s1  }
0x72: {  	s1 =	ssub.s32 @!p0 $0x0, s1;
	[sflag:s0] =	ssyncset.done @!p0 $0x0  }
0x73: {  	[sflag:s0] =	ssyncadd.s32 @!p0 s1  }
0x74: {  	[bflag:$0x3] =	sbarrier.arrive $0xFFFF  }
0x75: {  	_ =	shalt  }

// kernel: kernel.24.cloned.1.call-start
scs
__scs_entry_jumppad:
0x0: {  	(pc) =	sbr.rel $0x88, $3  }
0x1: {  	(tag) =	ssettag $0x0;
	lr =	simm.s32 $0x1  }
0x2: {  	[smem:$0x3F89] =	sst lr;
	_ =	strace $0xD0000000  }
0x3: {  	_ = 	snop  }
0x4: {  	_ = 	snop  }
0x5: {  	_ = 	snop  }
0x6: {  	_ = 	snop  }
0x7: {  	_ = 	snop  }
__scs_overlays_trampoline_lowered:
0x8: {  	[smem:$0x3F98] =	sst s0  }
0x9: {  	[smem:$0x3F99] =	sst s1  }
0xa: {  	[smem:$0x3F9A] =	sst s2  }
0xb: {  	[smem:$0x3F9B] =	sst s3  }
0xc: {  	[smem:$0x3F9C] =	sst s4  }
0xd: {  	[smem:$0x3F9D] =	sst s5  }
0xe: {  	[smem:$0x3F9E] =	sst s6  }
0xf: {  	[smem:$0x3F9F] =	sst s7  }
0x10: {  	[smem:$0x3FA0] =	sst s8  }
0x11: {  	[smem:$0x3FA1] =	sst s9;
	s0 =	simm.s32 @!p0 $0x0  }
0x12: {  	s1 =	sld [smem:$0x3F87];
	s0 =	simm.s32 @p0 $0x1  }
0x13: {  	[smem:$0x3FA2] =	sst s0;
	s0 =	simm.s32 @!p1 $0x0  }
0x14: {  	s2 =	sld [smem:$0x3F86];
	s0 =	simm.s32 @p1 $0x1  }
0x15: {  	[smem:$0x3FA3] =	sst s0;
	s0 =	simm.s32 @!p2 $0x0  }
0x16: {  	s3 =	sld [smem:$0x3FDB];
	s0 =	simm.s32 @p2 $0x1  }
0x17: {  	s4 =	simm.s32 $0x1BF5;
	[smem:$0x3FA5] =	sst s0  }
0x18: {  	s0 =	sld [smem:$0x3F88];
	_ =	swait.ge [sflag:s4], $0x0  }
0x19: {  	s7 =	sld [smem:$0x3F89]  }
0x1a: {  	s8 =	sadd.s32 $0xFFFFE003, lr  }
0x1b: {  	s9 =	sadd.s32 $0xFFFFFEF7, lr;
	s5 =	simm.s32 $0xFFFFFFFF;
	p2 =	slt.u32 s8, $0xFFFFF086  }
0x1c: {  	p1 =	slt.u32 s9, $0xF7A;
	s5 =	simm.s32 @!p2 $0x0  }
0x1d: {  	s5 =	simm.s32 @p1 $0x1;
	p0 =	seq.s32 s7, s2  }
0x1e: {  	s7 =	smul.u32 @!p0 $0xF7A, s2;
	p2 =	seq.s32 @!p0 s5, $0x0  }
0x1f: {  	s9 =	smul.u32 $0xF7A, s1;
	s8 =	simm.s32 @!p0 $0x1BF5;
	p2 =	por !p2, p0  }
0x20: {  	[sflag:s8] =	ssyncset.s32 @!p0 $0xFFFFF086;
	s6 =	sadd.s32 @!p0 s3, s7;
	s7 =	simm.s32 @!p0 $0x108  }
0x21: {  	s3 =	sadd.s32 s3, s9;
	s6 =	sadd.s32 @!p0 $0x88, s6;
	s7 =	simm.s32 @p2 $0x1082  }
0x22: {  	[simem:s7], [sflag:s8] =	dma.local @!p0 [hbm:s6], $0xF7A  }
0x23: {  	s9 =	sor.u32 $0xD0000000, s2;
	s6 =	simm.s32 $0x108;
	_ =	swait.ge @!p0 [sflag:s8], $0x0  }
0x24: {  	s3 =	sadd.s32 $0x88, s3;
	s6 =	simm.s32 @!p1 $0x1082;
	[sflag:s4] =	ssyncset.s32 $0xFFFFF086  }
0x25: {  	[simem:s6], [sflag:s4] =	dma.local [hbm:s3], $0xF7A  }
0x26: {  	[smem:$0x3F89] =	sst s1;
	(tag) =	ssettag s2;
	_ =	strace s9  }
0x27: {  	s1 =	sld [smem:$0x3F99]  }
0x28: {  	s2 =	sld [smem:$0x3F9A]  }
0x29: {  	s4 =	sld [smem:$0x3F9C]  }
0x2a: {  	p0 =	seq.s32 s5, $0x0;
	s5 =	sld [smem:$0x3F9D]  }
0x2b: {  	s6 =	sld [smem:$0x3F9E]  }
0x2c: {  	s7 =	sld [smem:$0x3F9F]  }
0x2d: {  	s3 =	simm.s32 $0x108;
	s8 =	sld [smem:$0x3FA0]  }
0x2e: {  	s3 =	simm.s32 @!p0 $0x1082;
	s9 =	sld [smem:$0x3FA1]  }
0x2f: {  	lr =	sadd.s32 s0, s3;
	s0 =	sld [smem:$0x3F98]  }
0x30: {  	s3 =	sld [smem:$0x3F9B]  }
0x31: {  	[smem:$0x3FA4] =	sst s10  }
0x32: {  	s10 =	sld [smem:$0x3FA2];
	_ =	sdelay $0x3  }
0x33: {  	p0 =	seq.s32 s10, $0x1;
	s10 =	sld [smem:$0x3FA4];
	_ =	sdelay $0x3  }
0x34: {  	[smem:$0x3FA4] =	sst s10  }
0x35: {  	s10 =	sld [smem:$0x3FA3];
	_ =	sdelay $0x3  }
0x36: {  	p1 =	seq.s32 s10, $0x1;
	s10 =	sld [smem:$0x3FA4];
	_ =	sdelay $0x3  }
0x37: {  	[smem:$0x3FA4] =	sst s10  }
0x38: {  	s10 =	sld [smem:$0x3FA5]  }
0x39: {  	_ = 	snop;
	(pc) =	sbr.ind lr, $3  }
0x3a: {  	_ = 	snop  }
0x3b: {  	_ = 	snop  }
0x3c: {  	p2 =	seq.s32 s10, $0x1;
	s10 =	sld [smem:$0x3FA4]  }
0x3d: {  	_ =	shalt  }
0x3e: {  	_ =	shalt  }
0x3f: {  	_ =	shalt  }
0x40: {  	_ =	shalt  }
0x41: {  	_ =	shalt  }
0x42: {  	_ =	shalt  }
0x43: {  	_ =	shalt  }
0x44: {  	_ =	shalt  }
0x45: {  	_ =	shalt  }
0x46: {  	_ =	shalt  }
0x47: {  	_ =	shalt  }
0x48: {  	_ =	shalt  }
0x49: {  	_ =	shalt  }
0x4a: {  	_ =	shalt  }
0x4b: {  	_ =	shalt  }
0x4c: {  	_ =	shalt  }
0x4d: {  	_ =	shalt  }
0x4e: {  	_ =	shalt  }
0x4f: {  	_ =	shalt  }
0x50: {  	_ =	shalt  }
0x51: {  	_ =	shalt  }
0x52: {  	_ =	shalt  }
0x53: {  	_ =	shalt  }
0x54: {  	_ =	shalt  }
0x55: {  	_ =	shalt  }
0x56: {  	_ =	shalt  }
0x57: {  	_ =	shalt  }
0x58: {  	_ =	shalt  }
0x59: {  	_ =	shalt  }
0x5a: {  	_ =	shalt  }
0x5b: {  	_ =	shalt  }
0x5c: {  	_ =	shalt  }
0x5d: {  	_ =	shalt  }
0x5e: {  	_ =	shalt  }
0x5f: {  	_ =	shalt  }
0x60: {  	_ =	shalt  }
0x61: {  	_ =	shalt  }
0x62: {  	_ =	shalt  }
0x63: {  	_ =	shalt  }
0x64: {  	_ =	shalt  }
0x65: {  	_ =	shalt  }
0x66: {  	_ =	shalt  }
0x67: {  	_ =	shalt  }
0x68: {  	_ =	shalt  }
0x69: {  	_ =	shalt  }
0x6a: {  	_ =	shalt  }
0x6b: {  	_ =	shalt  }
0x6c: {  	_ =	shalt  }
0x6d: {  	_ =	shalt  }
0x6e: {  	_ =	shalt  }
0x6f: {  	_ =	shalt  }
0x70: {  	_ =	shalt  }
0x71: {  	_ =	shalt  }
0x72: {  	_ =	shalt  }
0x73: {  	_ =	shalt  }
0x74: {  	_ =	shalt  }
0x75: {  	_ =	shalt  }
0x76: {  	_ =	shalt  }
0x77: {  	_ =	shalt  }
0x78: {  	_ =	shalt  }
0x79: {  	_ =	shalt  }
0x7a: {  	_ =	shalt  }
0x7b: {  	_ =	shalt  }
0x7c: {  	_ =	shalt  }
0x7d: {  	_ =	shalt  }
0x7e: {  	_ =	shalt  }
0x7f: {  	_ =	shalt  }
0x80: {  	_ =	shalt  }
0x81: {  	_ =	shalt  }
0x82: {  	_ =	shalt  }
0x83: {  	_ =	shalt  }
0x84: {  	_ =	shalt  }
0x85: {  	_ =	shalt  }
0x86: {  	_ =	shalt  }
0x87: {  	_ =	shalt  }
.Lfunc_end0:
.L_simem_size_0:
called_computation.4_lowered:
.L_overlay_start_0:
0x88: {  	s2 =	sld [smem:$0x3FD9]  }
0x89: {  	s3 =	sld [smem:$0x3FFE];
	_ =	sdelay $0x1  }
0x8a: {  	s1 =	srdreg.scid  }
0x8b: {  	s0 =	sand.u32 $0x1, s1  }
0x8c: {  	s14 =	sshll.u32 s0, $0xA;
	s2 =	sadd.s32 s3, s2  }
0x8d: {  	s2 =	sadd.s32 s2, s14  }
0x8e: {  	[smem:$0x3FB0] =	sst s2  }
0x8f: {  	_ = 	snop  }
0x90: {  	s2 =	sld [smem:$0x3FD0];
	_ =	sdelay $0x2  }
0x91: {  	s15 =	simm.s32 $0xB;
	s4 =	simm.s32 $0x10  }
0x92: {  	[smem:s4], [sflag:s15] =	dma.local [hbm:s2], $0x1  }
0x93: {  	_ =	swait.eq [sflag:s15], $0x1  }
0x94: {  	[sflag:s15] =	ssyncset.done $0x0  }
0x95: {  	[sflag:s15] =	ssyncadd.s32 $0xFFFFFFFF  }
0x96: {  	s16 =	sld [smem:$0x10];
	(tm) =	ssettm $0x1  }
0x97: {  	s17 =	sld [smem:$0x3FFB];
	_ =	sdelay $0x3  }
0x98: {  	_ =	strace s17  }
0x99: {  	s3 =	sld [smem:$0x3FFC];
	_ =	sdelay $0x3  }
0x9a: {  	_ =	strace s3  }
0x9b: {  	s3 =	sld [smem:$0x3FFD];
	_ =	sdelay $0x3  }
0x9c: {  	_ =	strace s3  }
0x9d: {  	_ =	strace $0x8FFFFFFF  }
0x9e: {  	s18 =	sld [smem:$0x3FDB];
	_ =	sdelay $0x1  }
0x9f: {  	s19 =	simm.s32 $_scs_section_size  }
0xa0: {  	s5 =	simm.s32 $_size__tile_overlayer_lowered;
	s6 =	simm.s32 $_tile_overlayer_lowered  }
0xa1: {  	s22 =	simm.s32 $0x1BFF;
	s21 =	sshll.u32 s6, $0x1;
	s3 =	sadd.s32 s19, s18  }
0xa2: {  	s7 =	simm.s32 $0x0;
	s20 =	sshll.u32 s5, $0x1;
	s5 =	sadd.s32 s21, s3  }
0xa3: {  	[timem:s7], [sflag:s22] =	dma.local [hbm:s5], s20  }
0xa4: {  	_ =	swait.ge [sflag:s22], s20  }
0xa5: {  	s4 =	ssub.s32 $0x0, s20;
	[sflag:s22] =	ssyncset.done $0x0  }
0xa6: {  	[sflag:s22] =	ssyncadd.s32 s4;
	_ =	sdelay $0x1  }
0xa7: {  	s23 =	simm.s32 $0x1B8B  }
0xa8: {  	_ =	swait.ge [sflag:s23], $0x1  }
0xa9: {  	[sflag:s23] =	ssyncset.done $0x0  }
0xaa: {  	s25 =	simm.s32 $0x1B8E;
	s24 =	sld [smem:$0x3FFE];
	[sflag:s23] =	ssyncadd.s32 $0xFFFFFFFF  }
0xab: {  	s26 =	simm.s32 $execute0_lowered;
	[smem:$0x3FD2] =	sst s25  }
0xac: {  	s5 =	sshll.u32 s26, $0x1;
	_ =	strace $0x80000052;
	[dreg:$0x1] =	wrdreg $0xFFFFFFFF  }
0xad: {  	s28 =	simm.s32 $_size_execute0_lowered;
	s3 =	sadd.s32 s3, s5;
	[dreg:$0x0] =	wrdreg $0x0  }
0xae: {  	s5 =	sshll.u32 s28, $0x1;
	[dreg:$0x2] =	wrdreg s3  }
0xaf: {  	[dreg:$0x3] =	wrdreg s5  }
0xb0: {  	[dreg:$0x4] =	wrdreg $0xC0  }
0xb1: {  	_ =	task [dreg:s7], $0x5FFFF  }
0xb2: {  	[dreg:$0x1] =	wrdreg $0xFFFFFFFF  }
0xb3: {  	[dreg:$0x0] =	wrdreg $0x60  }
0xb4: {  	[dreg:$0x2] =	wrdreg s24  }
0xb5: {  	[dreg:$0x3] =	wrdreg s16  }
0xb6: {  	[dreg:$0x4] =	wrdreg $0x9  }
0xb7: {  	_ =	task.clear_ibuf [dreg:s7], $0x5FFFF;
	_ =	strace $0x90000052  }
0xb8: {  	s29 =	simm.s32 $0x9;
	_ =	strace $0x80000054  }
0xb9: {  	_ =	swait.ge [sflag:s29], $0x1  }
0xba: {  	[sflag:s29] =	ssyncadd.s32 $0xFFFFFFFF  }
0xbb: {  	_ =	strace $0x90000054  }
0xbc: {  	_ =	sfence  }
0xbd: {  	s30 =	sld [smem:$0x0];
	_ =	sdelay $0x2  }
0xbe: {  	s31 =	sshll.u32 s1, $0xD;
	s1 =	sshrl.u32 s1, $0x2  }
0xbf: {  	s3 =	sand.u32 $0x4000, s31;
	s1 =	sadd.s32 s1, s30  }
0xc0: {  	s0 =	sor.u32 s3, s0;
	s1 =	sshll.u32 s1, $0x11  }
0xc1: {  	s0 =	sor.u32 s1, s0  }
0xc2: {  	s0 =	sadd.s32 $0x8F2B, s0  }
0xc3: {  	[sflag:s0] =	ssyncadd.remote.s32 $0x1  }
0xc4: {  	_ =	sfence.sel $0xFFFF  }
0xc5: {  	[dreg:$0x0] =	wrdreg $0xFFFFFFFF;
	(pc) =	sbr.abs _section_cstart, $3  }
0xc6: {  	[dreg:$0x1] =	wrdreg $0xFFFFFFFF  }
0xc7: {  	_ =	task.clear_ibuf [dreg:s7], $0x2FFFF;
	_ =	strace $0x9FFFFFFF  }
0xc8: {  	(tm) =	ssettm $0x7FFFFFFF  }
0xc9: {  	_ =	shalt  }
tec
execute0_lowered:
.L_overlay_start_1:
0x0: {  	(tag) =	ssettag $0x1  }
0x1: {  	s0 =	srdreg.scid;
	s4 =	rddreg [dreg:$0x0]  }
0x2: {  	s7 =	rddreg [dreg:$0x1];
	s1 =	stileid.u32  }
0x3: {  	s2 =	simm.s32 $0x0;
	s10 =	simm.s32 $0x4E80;
	s3 =	sand.u32 $0x1, s0  }
0x4: {  	s11 =	simm.s32 $0x7600;
	s12 =	simm.s32 $0x9D80;
	s5 =	sshll.u32 s3, $0x4  }
0x5: {  	s13 =	simm.s32 $0xC500;
	s14 =	simm.s32 $0x0;
	s5 =	sor.u32 s1, s5  }
0x6: {  	[smem:$0x7FF] =	sst s2;
	s30 =	ssub.s32 $0x2, s3;
	s8 =	smul.u32 $0x4E2, s5  }
0x7: {  	s0 =	rddreg [dreg:$0x2];
	_ =	strace $0x80000053;
	s31 =	sshrl.u32 s30, $0x1  }
0x8: {  	s3 =	sadd.s32 $0x7600, s4;
	s9 =	ssub.s32 s30, s31;
	s6 =	sadd.s32 s8, s4  }
0x9: {  	s7 =	sadd.s32 s7, s8;
	s8 =	smax.u32 s9, $0x1;
	s9 =	simm.s32 $0x1  }
0xa: {  	s4 =	sadd.s32 $0xE0C00, s6;
	s5 =	sadd.s32 $0xD6E00, s6;
	s6 =	sadd.s32 $0xCD000, s6  }
.LBB2_1:
0xb: {  	[tilespmem:s2], [sflag:$0x1] =	stream.linear.gather [hbm4b:s3+s2], $0x4E80, $0x38;
	[tilespmem:$0xEC80] =	vst v63  }
0xc: {  	_ =	swait.ge [sflag:s9], $0x4E80  }
0xd: {  	[sflag:s9] =	ssyncset.done $0x0  }
0xe: {  	[sflag:s9] =	ssyncadd.s32 $0xFFFFB180  }
0xf: {  	[tilespmem:s10], [sflag:$0x1] =	stream.linear.gather [hbm4b:s4+s2], $0x2710, $0x38;
	[tilespmem:$0xEC80] =	vst v63  }
0x10: {  	_ =	swait.ge [sflag:s9], $0x2710  }
0x11: {  	[sflag:s9] =	ssyncset.done $0x0  }
0x12: {  	[sflag:s9] =	ssyncadd.s32 $0xFFFFD8F0  }
0x13: {  	[tilespmem:s11], [sflag:$0x1] =	stream.linear.gather [hbm4b:s5+s2], $0x2710, $0x38;
	[tilespmem:$0xEC80] =	vst v63  }
0x14: {  	_ =	swait.ge [sflag:s9], $0x2710  }
0x15: {  	[sflag:s9] =	ssyncset.done $0x0  }
0x16: {  	[sflag:s9] =	ssyncadd.s32 $0xFFFFD8F0  }
0x17: {  	[tilespmem:s12], [sflag:$0x1] =	stream.linear.gather [hbm4b:s6+s2], $0x2710, $0x38;
	[tilespmem:$0xEC80] =	vst v63  }
0x18: {  	_ =	swait.ge [sflag:s9], $0x2710  }
0x19: {  	[sflag:s9] =	ssyncset.done $0x0  }
0x1a: {  	s16 =	simm.s32 $0x0;
	[sflag:s9] =	ssyncadd.s32 $0xFFFFD8F0  }
0x1b: {  	v0 =	vld [tilespmem:s16+$0x7600];
	_ =	sdelay $0x1  }
0x1c: {  	v1 =	vld [tilespmem:s16+$0x4E80];
	_ =	sdelay $0x2  }
0x1d: {  	v0 =	vshll.u32 v0, $0x1  }
0x1e: {  	v2 =	vor.u32 $0x1, v0  }
0x1f: {  	v3 =	vshll.u32 v1, $0x1;
	_ =	sdelay $0x1  }
0x20: {  	s15 =	simm.s32 $0x10  }
0x21: {  	v0 =	vld [tilespmem:s15+$0x7600]  }
0x22: {  	v1 =	vld.idx.msk [tilespmem:v2+s2+$0x0], $0xffff  }
0x23: {  	s17 =	simm.s32 $0x80;
	v2 =	vld.idx.msk [tilespmem:v3+s2+$0x0], $0xffff  }
.LBB2_2:
0x24: {  	p0 =	sne.s32 s17, $0x9C00  }
0x25: {  	v3 =	vld [tilespmem:s15+$0x4E80]  }
0x26: {  	v4 =	vld [tilespmem:s16+$0x9D80];
	_ =	sdelay $0x1  }
0x27: {  	v0 =	vshll.u32 v0, $0x1  }
0x28: {  	v5 =	vor.u32 $0x1, v0;
	v0 =	vadd.f32 v1, v2  }
0x29: {  	v2 =	vshll.u32 v3, $0x1  }
.Ltmp0:
0x2a: {  	v1 =	vadd.f32 v4, v0;
	(pc) =	sbr.rel @p0 .LBB2_2-.Ltmp0, $4  }
0x2b: {  	s18 =	sshra.s32 s17, $0x2  }
0x2c: {  	v0 =	vld [tilespmem:s18+$0x7600];
	[tilespmem:s16+$0xC500] =	vst v1;
	s16 =	smov.u32 s15;
	s15 =	smov.u32 s18  }
0x2d: {  	v1 =	vld.idx.msk [tilespmem:v5+s2+$0x0], $0xffff  }
0x2e: {  	s17 =	sadd.s32 $0x40, s17;
	v2 =	vld.idx.msk [tilespmem:v2+s2+$0x0], $0xffff  }
0x2f: {  	v3 =	vld [tilespmem:s15+$0x4E80]  }
0x30: {  	v4 =	vld [tilespmem:s16+$0x9D80];
	_ =	sdelay $0x1  }
0x31: {  	v0 =	vshll.u32 v0, $0x1  }
0x32: {  	v0 =	vor.u32 $0x1, v0;
	v1 =	vadd.f32 v1, v2  }
0x33: {  	v62 =	vshll.u32 v3, $0x1  }
0x34: {  	v1 =	vadd.f32 v4, v1;
	_ =	sdelay $0x1  }
0x35: {  	[tilespmem:s16+$0xC500] =	vst v1  }
0x36: {  	v0 =	vld.idx.msk [tilespmem:v0+s2+$0x0], $0xffff  }
0x37: {  	v1 =	vld.idx.msk [tilespmem:v62+s2+$0x0], $0xffff;
	_ =	sdelay $0x1  }
0x38: {  	v63 =	vld [tilespmem:s15+$0x9D80];
	_ =	sdelay $0x2  }
0x39: {  	v0 =	vadd.f32 v0, v1;
	_ =	sdelay $0x1  }
0x3a: {  	s14 =	sadd.s32 $0x1, s14;
	v0 =	vadd.f32 v63, v0  }
0x3b: {  	p0 =	sne.s32 s14, s8  }
.Ltmp1:
0x3c: {  	[tilespmem:s15+$0xC500] =	vst v0;
	(pc) =	sbr.rel @p0 .LBB2_1-.Ltmp1, $4  }
0x3d: {  	[hbm4b:s7+s2] =	stream.linear.scatter [tilespmem:s13], [sflag:$0x1], $0x2710, $0x38;
	[tilespmem:$0xEC80] =	vst v63  }
0x3e: {  	_ =	swait.ge [sflag:s9], $0x2710  }
0x3f: {  	[sflag:s9] =	ssyncset.done $0x0  }
0x40: {  	[sflag:s9] =	ssyncadd.s32 $0xFFFFD8F0  }
0x41: {  	_ =	sfence.sel $0x180000  }
0x42: {  	[bflag:$0x0] =	sbarrier.arrive $0xFFFF  }
0x43: {  	p0 =	sne.s32 s1, $0x0;
	_ =	strace $0x90000053  }
0x44: {  	s0 =	sadd.s32 @!p0 $0x100000, s0;
	[bflag:$0x2] =	sbarrier.arrive $0xFFFF  }
0x45: {  	[sflag:s0] =	ssyncadd.tile.s32 @!p0 $0x1;
	_ =	shalt  }
.Lfunc_end2:
_tile_overlayer_lowered:
.L_overlay_start_2:
0x46: {  	(tag) =	ssettag $0x2  }
0x47: {  	s0 =	rddreg [dreg:$0x0];
	s2 =	stileid.u32  }
0x48: {  	s1 =	rddreg [dreg:$0x1];
	p0 =	sne.s32 s2, $0x0  }
0x49: {  	s3 =	rddreg [dreg:$0x2];
	[bflag:$0x3] =	sbarrier.arrive $0xFFFF;
	s2 =	simm.s32 @!p0 $0x1C01  }
0x4a: {  	[timem:s3], [sflag:s2] =	dma.local @!p0 [hbm:s0], s1  }
0x4b: {  	s0 =	simm.s32 @!p0 $0x1  }
0x4c: {  	_ =	swait.ge @!p0 [sflag:s0], s1  }
0x4d: {  	s1 =	ssub.s32 @!p0 $0x0, s1;
	[sflag:s0] =	ssyncset.done @!p0 $0x0  }
0x4e: {  	[sflag:s0] =	ssyncadd.s32 @!p0 s1  }
0x4f: {  	[bflag:$0x3] =	sbarrier.arrive $0xFFFF  }
0x50: {  	_ =	shalt  }

</sc_bundles>
